<compile_context>
chip_gen: v7x
topology: tpu7x:2x2x1
jax: 0.10.2.dev20260603
libtpu: 0.0.44.dev20260713+nightly
codegen_flags: <defaults>
</compile_context>

<pallas_src>
import jax
import jax.numpy as jnp
from jax import lax
from jax.experimental import pallas as pl
from jax.experimental.pallas import tpu as pltpu
from jax.experimental.pallas import tpu_sc as plsc

N = 10000
E = 320000
IN_DIM = 128
OUT_DIM = 64

NC = 2
NS = 16
CH = 128
NCHUNKS_TOT = E // CH
NCHUNK = NCHUNKS_TOT // (NC * NS)
NEXTRA = NCHUNKS_TOT - NCHUNK * NC * NS
NBUF = 6
N_SP = 10240
ROWS_PER_TILE = N_SP // NS
ZBLK = 128
DEG_W = 16

_sc_mesh = plsc.VectorSubcoreMesh(
    core_axis_name="c", subcore_axis_name="s", num_cores=NC, num_subcores=NS)


def _sc_agg_body(ei_hbm, y_hbm, agg_out, deg_out,
                 sidx, didx, rows0, rows1, rows2, rows3, rows4, rows5,
                 ones_v, agg_sp, deg_sp,
                 sg0, sg1, sg2, sg3, sg4, sg5,
                 ss0, ss1, ss2, ss3, ss4, ss5, sem_d):
  c = lax.axis_index("c")
  s = lax.axis_index("s")

  zero16 = jnp.zeros((16,), jnp.float32)

  def zrow(r, carry):
    for cc in range(OUT_DIM // 16):
      rows0[r, pl.ds(cc * 16, 16)] = zero16
    ones_v[r, pl.ds(0, 16)] = zero16
    return carry

  lax.fori_loop(0, ZBLK, zrow, 0)

  row_base = s * ROWS_PER_TILE
  for i in range(ROWS_PER_TILE // ZBLK):
    pltpu.sync_copy(rows0.at[pl.ds(0, ZBLK)],
                    agg_sp.at[pl.ds(row_base + i * ZBLK, ZBLK)])
    pltpu.sync_copy(ones_v.at[pl.ds(0, ZBLK)],
                    deg_sp.at[pl.ds(row_base + i * ZBLK, ZBLK)])

  one16 = jnp.ones((16,), jnp.float32)

  def orow(r, carry):
    ones_v[r, pl.ds(0, 16)] = one16
    return carry

  lax.fori_loop(0, CH, orow, 0)

  w = c * NS + s
  pltpu.sync_copy(ei_hbm.at[0, pl.ds(w * NCHUNK, NCHUNK)],
                  sidx.at[pl.ds(0, NCHUNK)])
  pltpu.sync_copy(ei_hbm.at[1, pl.ds(w * NCHUNK, NCHUNK)],
                  didx.at[pl.ds(0, NCHUNK)])

  @pl.when(w < NEXTRA)
  def _stage_extra():
    pltpu.sync_copy(ei_hbm.at[0, pl.ds(NCHUNK * NC * NS + w, 1)],
                    sidx.at[pl.ds(NCHUNK, 1)])
    pltpu.sync_copy(ei_hbm.at[1, pl.ds(NCHUNK * NC * NS + w, 1)],
                    didx.at[pl.ds(NCHUNK, 1)])

  plsc.subcore_barrier()

  def start_gather(j, buf, sem):
    pltpu.async_copy(y_hbm.at[sidx.at[j]], buf, sem)

  def wait_gather(buf, sem):
    pltpu.make_async_copy(y_hbm.at[sidx.at[0]], buf, sem).wait()

  def start_scatter(j, buf, sem):
    pltpu.async_copy(buf, agg_sp.at[didx.at[j]], sem, add=True)
    pltpu.async_copy(ones_v, deg_sp.at[didx.at[j]], sem_d, add=True)

  def wait_scatter(buf, sem):
    pltpu.make_async_copy(buf, agg_sp.at[didx.at[0]], sem).wait()

  def wait_deg():
    pltpu.make_async_copy(ones_v, deg_sp.at[didx.at[0]], sem_d).wait()

  bufs = (rows0, rows1, rows2, rows3, rows4, rows5)
  gsems = (sg0, sg1, sg2, sg3, sg4, sg5)
  ssems = (ss0, ss1, ss2, ss3, ss4, ss5)

  for b in range(NBUF):
    start_gather(b, bufs[b], gsems[b])

  def round6(k, carry):
    j0 = k * NBUF
    for b in range(NBUF):
      wait_gather(bufs[b], gsems[b])
      start_scatter(j0 + b, bufs[b], ssems[b])

      @pl.when(k < NCHUNK // NBUF - 1)
      def _next():
        wait_scatter(bufs[b], ssems[b])
        start_gather(j0 + NBUF + b, bufs[b], gsems[b])

    return carry

  lax.fori_loop(0, NCHUNK // NBUF, round6, 0)
  for b in range(NBUF):
    wait_scatter(bufs[b], ssems[b])

  @pl.when(w < NEXTRA)
  def _tail():
    start_gather(NCHUNK, rows0, sg0)
    wait_gather(rows0, sg0)
    start_scatter(NCHUNK, rows0, ss0)
    wait_scatter(rows0, ss0)

  def drain_deg(j, carry):
    wait_deg()
    return carry

  lax.fori_loop(0, NCHUNK, drain_deg, 0)

  @pl.when(w < NEXTRA)
  def _drain_tail():
    wait_deg()

  plsc.subcore_barrier()

  pltpu.sync_copy(agg_sp.at[pl.ds(row_base, ROWS_PER_TILE)],
                  agg_out.at[c, pl.ds(row_base, ROWS_PER_TILE)])
  pltpu.sync_copy(deg_sp.at[pl.ds(row_base, ROWS_PER_TILE)],
                  deg_out.at[c, pl.ds(row_base, ROWS_PER_TILE)])


_sc_agg = pl.kernel(
    _sc_agg_body,
    out_type=(jax.ShapeDtypeStruct((NC, N_SP, OUT_DIM), jnp.float32),
              jax.ShapeDtypeStruct((NC, N_SP, DEG_W), jnp.float32)),
    mesh=_sc_mesh,
    scratch_types=[
        pltpu.VMEM((NCHUNK + 1, CH), jnp.int32),
        pltpu.VMEM((NCHUNK + 1, CH), jnp.int32),
    ] + [
        pltpu.VMEM((CH, OUT_DIM), jnp.float32) for _ in range(6)
    ] + [
        pltpu.VMEM((CH, DEG_W), jnp.float32),
        pltpu.VMEM_SHARED((N_SP, OUT_DIM), jnp.float32),
        pltpu.VMEM_SHARED((N_SP, DEG_W), jnp.float32),
    ] + [pltpu.SemaphoreType.DMA] * 13,
    compiler_params=pltpu.CompilerParams(use_tc_tiling_on_sc=False),
)


def _mm_body(x_ref, wt_ref, o_ref):
  o_ref[...] = jnp.dot(x_ref[...], wt_ref[...],
                       preferred_element_type=jnp.float32)


_MM_BLK = 2000


def _matmul(x, wt):
  return pl.pallas_call(
      _mm_body,
      grid=(N // _MM_BLK,),
      in_specs=[
          pl.BlockSpec((_MM_BLK, IN_DIM), lambda i: (i, 0)),
          pl.BlockSpec((IN_DIM, OUT_DIM), lambda i: (0, 0)),
      ],
      out_specs=pl.BlockSpec((_MM_BLK, OUT_DIM), lambda i: (i, 0)),
      out_shape=jax.ShapeDtypeStruct((N, OUT_DIM), jnp.float32),
  )(x, wt)




FIN_BLK = 80


def _sc_fin_body(agg_hbm, deg_hbm, b_hbm, out_hbm,
                 fa0, fb0, fd0, fe0, fa1, fb1, fd1, fe1, fo, bv,
                 sl0, sl1, so):
  c = lax.axis_index("c")
  s = lax.axis_index("s")
  w = c * NS + s
  rb = w * (FIN_BLK * 4)
  nb = jnp.where(w == NC * NS - 1, 1, 4)

  pltpu.sync_copy(b_hbm, bv)
  bvs = [bv[pl.ds(16 * cc, 16)] for cc in range(OUT_DIM // 16)]
  onef = jnp.full((16,), 1.0, jnp.float32)

  ld = ((fa0, fb0, fd0, fe0, sl0), (fa1, fb1, fd1, fe1, sl1))

  def start_load(i, bufset):
    fa, fb, fd, fe, sl = bufset
    off = rb + i * FIN_BLK
    pltpu.async_copy(agg_hbm.at[0, pl.ds(off, FIN_BLK)], fa, sl)
    pltpu.async_copy(agg_hbm.at[1, pl.ds(off, FIN_BLK)], fb, sl)
    pltpu.async_copy(deg_hbm.at[0, pl.ds(off, FIN_BLK)], fd, sl)
    pltpu.async_copy(deg_hbm.at[1, pl.ds(off, FIN_BLK)], fe, sl)

  def wait_load(bufset):
    fa, fb, fd, fe, sl = bufset
    pltpu.make_async_copy(agg_hbm.at[0, pl.ds(0, FIN_BLK)], fa, sl).wait()
    pltpu.make_async_copy(agg_hbm.at[0, pl.ds(0, FIN_BLK)], fb, sl).wait()
    pltpu.make_async_copy(deg_hbm.at[0, pl.ds(0, FIN_BLK)], fd, sl).wait()
    pltpu.make_async_copy(deg_hbm.at[0, pl.ds(0, FIN_BLK)], fe, sl).wait()

  start_load(0, ld[0])

  def blk(i, carry):
    off = rb + i * FIN_BLK

    @pl.when(i + 1 < nb)
    def _pre():
      for p in range(2):
        @pl.when(lax.rem(i + 1, 2) == p)
        def _():
          start_load(i + 1, ld[p])

    for p in range(2):
      @pl.when(lax.rem(i, 2) == p)
      def _():
        fa, fb, fd, fe, _sl = ld[p]
        wait_load(ld[p])

        def row(r, carry2):
          for u in range(2):
            dv = fd[r + u, pl.ds(0, 16)] + fe[r + u, pl.ds(0, 16)]
            rec = onef / jnp.maximum(dv, onef)
            for cc in range(OUT_DIM // 16):
              a = (fa[r + u, pl.ds(16 * cc, 16)] +
                   fb[r + u, pl.ds(16 * cc, 16)])
              fo[r + u, pl.ds(16 * cc, 16)] = jnp.maximum(
                  a * rec + bvs[cc], 0.0)
          return carry2

        lax.fori_loop(0, FIN_BLK // 2, lambda t, cc2: row(t * 2, cc2), 0)

    @pl.when(i > 0)
    def _wo():
      pltpu.make_async_copy(fo, out_hbm.at[pl.ds(0, FIN_BLK)], so).wait()

    pltpu.async_copy(fo, out_hbm.at[pl.ds(off, FIN_BLK)], so)
    return carry

  lax.fori_loop(0, nb, blk, 0)
  pltpu.make_async_copy(fo, out_hbm.at[pl.ds(0, FIN_BLK)], so).wait()


_sc_fin = pl.kernel(
    _sc_fin_body,
    out_type=jax.ShapeDtypeStruct((N, OUT_DIM), jnp.float32),
    mesh=_sc_mesh,
    scratch_types=[
        pltpu.VMEM((FIN_BLK, OUT_DIM), jnp.float32),
        pltpu.VMEM((FIN_BLK, OUT_DIM), jnp.float32),
        pltpu.VMEM((FIN_BLK, DEG_W), jnp.float32),
        pltpu.VMEM((FIN_BLK, DEG_W), jnp.float32),
        pltpu.VMEM((FIN_BLK, OUT_DIM), jnp.float32),
        pltpu.VMEM((FIN_BLK, OUT_DIM), jnp.float32),
        pltpu.VMEM((FIN_BLK, DEG_W), jnp.float32),
        pltpu.VMEM((FIN_BLK, DEG_W), jnp.float32),
        pltpu.VMEM((FIN_BLK, OUT_DIM), jnp.float32),
        pltpu.VMEM((OUT_DIM,), jnp.float32),
        pltpu.SemaphoreType.DMA,
        pltpu.SemaphoreType.DMA,
        pltpu.SemaphoreType.DMA,
    ],
    compiler_params=pltpu.CompilerParams(use_tc_tiling_on_sc=False),
)


def kernel(node_features, edge_index, W, b):
  ei = edge_index.astype(jnp.int32).reshape(2, NCHUNKS_TOT, CH)
  y = _matmul(node_features, W.T)
  agg2, deg2 = _sc_agg(ei, y)
  return _sc_fin(agg2, deg2, b)

# --- scband reference (transcript-rebuilt; emitter-appended) ---
"""Pipeline reference for scband-graph-encoder-74723841016378 (READ-ONLY COPY).

The authoritative reference and input builder live on the scoring server;
editing this copy changes nothing except your own understanding.
"""

import jax, jax.numpy as jnp
import numpy as np

N_NODES = 10000
N_EDGES = 320000
IN_DIM = 128
OUT_DIM = 64

def setup_inputs(seed: int = 0) -> dict:
    key = jax.random.key(seed)
    k1, k2, k3, k4 = jax.random.split(key, 4)
    node_features = jax.random.normal(k1, (N_NODES, IN_DIM), dtype=jnp.float32)
    edge_index = jax.random.randint(k2, (2, N_EDGES), 0, N_NODES, dtype=jnp.int64)
    # Linear params (torch nn.Linear: weight [out, in], bias [out])
    bound = 1.0 / np.sqrt(IN_DIM)
    W = jax.random.uniform(k3, (OUT_DIM, IN_DIM), minval=-bound, maxval=bound, dtype=jnp.float32)
    b = jax.random.uniform(k4, (OUT_DIM,), minval=-bound, maxval=bound, dtype=jnp.float32)
    return {"node_features": node_features, "edge_index": edge_index, "W": W, "b": b}

def reference(node_features, edge_index, W, b):
    src = edge_index[0]
    dst = edge_index[1]
    n = node_features.shape[0]
    gathered = jnp.take(node_features, src, axis=0)
    agg = jnp.zeros_like(node_features).at[dst].add(gathered)
    deg = jnp.bincount(dst, minlength=n, length=n)
    deg = jnp.clip(deg, 1, None).astype(node_features.dtype)[:, None]
    pooled = agg / deg
    out = jnp.maximum(pooled @ W.T + b, 0.0)
    return out

if __name__ == "__main__":
    import jax
    _d = setup_inputs()
    print(jax.jit(kernel)(*tuple(_d.values())))

</pallas_src>

<mosaic_0001>
#map = affine_map<(d0, d1) -> (0, 0, 0)>
#map1 = affine_map<(d0, d1) -> (0)>
#map2 = affine_map<(d0, d1) -> (0, 0)>
module attributes {stable_mosaic.version = 14 : i64} {
  func.func @_sc_fin_body(%arg0: i32, %arg1: i32, %arg2: memref<2x10240x64xf32, #tpu.memory_space<hbm>>, %arg3: memref<2x10240x16xf32, #tpu.memory_space<hbm>>, %arg4: memref<64xf32, #tpu.memory_space<hbm>>, %arg5: memref<10000x64xf32, #tpu.memory_space<hbm>>, %arg6: memref<80x64xf32, #tpu.memory_space<vmem>>, %arg7: memref<80x64xf32, #tpu.memory_space<vmem>>, %arg8: memref<80x16xf32, #tpu.memory_space<vmem>>, %arg9: memref<80x16xf32, #tpu.memory_space<vmem>>, %arg10: memref<80x64xf32, #tpu.memory_space<vmem>>, %arg11: memref<80x64xf32, #tpu.memory_space<vmem>>, %arg12: memref<80x16xf32, #tpu.memory_space<vmem>>, %arg13: memref<80x16xf32, #tpu.memory_space<vmem>>, %arg14: memref<80x64xf32, #tpu.memory_space<vmem>>, %arg15: memref<64xf32, #tpu.memory_space<vmem>>, %arg16: memref<!tpu.dma_semaphore, #tpu.memory_space<semaphore_mem>>, %arg17: memref<!tpu.dma_semaphore, #tpu.memory_space<semaphore_mem>>, %arg18: memref<!tpu.dma_semaphore, #tpu.memory_space<semaphore_mem>>) attributes {dimension_semantics = [#tpu.dimension_semantics<core_parallel>, #tpu.dimension_semantics<subcore_parallel>], iteration_bounds = array<i64: 2, 16>, scalar_prefetch = 0 : i64, scratch_operands = 13 : i64, tpu.core_type = #tpu.core_type<sc_vector_subcore>, window_params = [{transform_indices = #map}, {transform_indices = #map}, {transform_indices = #map1}, {transform_indices = #map2}]} {
    %mul3A = arith.constant 16 : i32
    %mul3A_0 = arith.muli %arg0, %mul3A : i32
    %add3A = arith.addi %mul3A_0, %arg1 : i32
    %mul3A_1 = arith.constant 320 : i32
    %mul3A_2 = arith.muli %add3A, %mul3A_1 : i32
    %eq3A = arith.constant 31 : i32
    %eq3A_3 = arith.cmpi eq, %add3A, %eq3A : i32
    %jit3A = arith.constant 1 : i32
    %jit3A_4 = arith.constant 4 : i32
    %select_n3A = arith.select %eq3A_3, %jit3A, %jit3A_4 : i32
    "tpu.region"() ({
      %run_scoped3A = tpu.sem_alloc : memref<!tpu.dma_semaphore, #tpu.memory_space<semaphore_mem>>
      tpu.enqueue_dma source(%arg4 : memref<64xf32, #tpu.memory_space<hbm>>) target(%arg15 : memref<64xf32, #tpu.memory_space<vmem>>) target_semaphore(%run_scoped3A : memref<!tpu.dma_semaphore, #tpu.memory_space<semaphore_mem>>)
      tpu.wait_dma2 semaphore(%run_scoped3A : memref<!tpu.dma_semaphore, #tpu.memory_space<semaphore_mem>>) src(%arg4 : memref<64xf32, #tpu.memory_space<hbm>>) dst(%arg15 : memref<64xf32, #tpu.memory_space<vmem>>)
      tpu.yield
    }) : () -> ()
    %get3A = arith.constant 0 : index
    %get3A_5 = tpu.vector_load %arg15[%get3A] {strides = array<i32>} : memref<64xf32, #tpu.memory_space<vmem>>, vector<16xf32>,
    %get3A_6 = vector.shape_cast %get3A_5 : vector<16xf32> to vector<16xf32>
    %get3A_7 = arith.constant 16 : index
    %get3A_8 = tpu.vector_load %arg15[%get3A_7] {strides = array<i32>} : memref<64xf32, #tpu.memory_space<vmem>>, vector<16xf32>,
    %get3A_9 = vector.shape_cast %get3A_8 : vector<16xf32> to vector<16xf32>
    %get3A_10 = arith.constant 32 : index
    %get3A_11 = tpu.vector_load %arg15[%get3A_10] {strides = array<i32>} : memref<64xf32, #tpu.memory_space<vmem>>, vector<16xf32>,
    %get3A_12 = vector.shape_cast %get3A_11 : vector<16xf32> to vector<16xf32>
    %get3A_13 = arith.constant 48 : index
    %get3A_14 = tpu.vector_load %arg15[%get3A_13] {strides = array<i32>} : memref<64xf32, #tpu.memory_space<vmem>>, vector<16xf32>,
    %get3A_15 = vector.shape_cast %get3A_14 : vector<16xf32> to vector<16xf32>
    %broadcast_in_dim3A = arith.constant 1.000000e+00 : f32
    %broadcast_in_dim3A_16 = vector.broadcast %broadcast_in_dim3A : f32 to vector<16xf32>
    %add3A_17 = arith.constant 0 : i32
    %add3A_18 = arith.addi %mul3A_2, %add3A_17 : i32
    %dma_start3A = arith.constant 0 : i32
    %dma_start3A_19 = arith.constant 0 : i32
    %dma_start3A_20 = tpu.memref_slice %arg2[%dma_start3A, %add3A_18, %dma_start3A_19] : memref<2x10240x64xf32, #tpu.memory_space<hbm>> -> memref<1x80x64xf32, #tpu.memory_space<hbm>>
    %dma_start3A_21 = tpu.memref_squeeze %dma_start3A_20 : memref<1x80x64xf32, #tpu.memory_space<hbm>> -> memref<80x64xf32, #tpu.memory_space<hbm>>
    %dma_start3A_22 = arith.constant 0 : i32
    %dma_start3A_23 = tpu.memref_slice %arg2[%dma_start3A, %add3A_18, %dma_start3A_22] : memref<2x10240x64xf32, #tpu.memory_space<hbm>> -> memref<1x80x64xf32, #tpu.memory_space<hbm>>
    %dma_start3A_24 = tpu.memref_squeeze %dma_start3A_23 : memref<1x80x64xf32, #tpu.memory_space<hbm>> -> memref<80x64xf32, #tpu.memory_space<hbm>>
    tpu.enqueue_dma source(%dma_start3A_24 : memref<80x64xf32, #tpu.memory_space<hbm>>) target(%arg6 : memref<80x64xf32, #tpu.memory_space<vmem>>) target_semaphore(%arg16 : memref<!tpu.dma_semaphore, #tpu.memory_space<semaphore_mem>>)
    %dma_start3A_25 = arith.constant 1 : i32
    %dma_start3A_26 = arith.constant 0 : i32
    %dma_start3A_27 = tpu.memref_slice %arg2[%dma_start3A_25, %add3A_18, %dma_start3A_26] : memref<2x10240x64xf32, #tpu.memory_space<hbm>> -> memref<1x80x64xf32, #tpu.memory_space<hbm>>
    %dma_start3A_28 = tpu.memref_squeeze %dma_start3A_27 : memref<1x80x64xf32, #tpu.memory_space<hbm>> -> memref<80x64xf32, #tpu.memory_space<hbm>>
    %dma_start3A_29 = arith.constant 0 : i32
    %dma_start3A_30 = tpu.memref_slice %arg2[%dma_start3A_25, %add3A_18, %dma_start3A_29] : memref<2x10240x64xf32, #tpu.memory_space<hbm>> -> memref<1x80x64xf32, #tpu.memory_space<hbm>>
    %dma_start3A_31 = tpu.memref_squeeze %dma_start3A_30 : memref<1x80x64xf32, #tpu.memory_space<hbm>> -> memref<80x64xf32, #tpu.memory_space<hbm>>
    tpu.enqueue_dma source(%dma_start3A_31 : memref<80x64xf32, #tpu.memory_space<hbm>>) target(%arg7 : memref<80x64xf32, #tpu.memory_space<vmem>>) target_semaphore(%arg16 : memref<!tpu.dma_semaphore, #tpu.memory_space<semaphore_mem>>)
    %dma_start3A_32 = arith.constant 0 : i32
    %dma_start3A_33 = arith.constant 0 : i32
    %dma_start3A_34 = tpu.memref_slice %arg3[%dma_start3A_32, %add3A_18, %dma_start3A_33] : memref<2x10240x16xf32, #tpu.memory_space<hbm>> -> memref<1x80x16xf32, #tpu.memory_space<hbm>>
    %dma_start3A_35 = tpu.memref_squeeze %dma_start3A_34 : memref<1x80x16xf32, #tpu.memory_space<hbm>> -> memref<80x16xf32, #tpu.memory_space<hbm>>
    %dma_start3A_36 = arith.constant 0 : i32
    %dma_start3A_37 = tpu.memref_slice %arg3[%dma_start3A_32, %add3A_18, %dma_start3A_36] : memref<2x10240x16xf32, #tpu.memory_space<hbm>> -> memref<1x80x16xf32, #tpu.memory_space<hbm>>
    %dma_start3A_38 = tpu.memref_squeeze %dma_start3A_37 : memref<1x80x16xf32, #tpu.memory_space<hbm>> -> memref<80x16xf32, #tpu.memory_space<hbm>>
    tpu.enqueue_dma source(%dma_start3A_38 : memref<80x16xf32, #tpu.memory_space<hbm>>) target(%arg8 : memref<80x16xf32, #tpu.memory_space<vmem>>) target_semaphore(%arg16 : memref<!tpu.dma_semaphore, #tpu.memory_space<semaphore_mem>>)
    %dma_start3A_39 = arith.constant 1 : i32
    %dma_start3A_40 = arith.constant 0 : i32
    %dma_start3A_41 = tpu.memref_slice %arg3[%dma_start3A_39, %add3A_18, %dma_start3A_40] : memref<2x10240x16xf32, #tpu.memory_space<hbm>> -> memref<1x80x16xf32, #tpu.memory_space<hbm>>
    %dma_start3A_42 = tpu.memref_squeeze %dma_start3A_41 : memref<1x80x16xf32, #tpu.memory_space<hbm>> -> memref<80x16xf32, #tpu.memory_space<hbm>>
    %dma_start3A_43 = arith.constant 0 : i32
    %dma_start3A_44 = tpu.memref_slice %arg3[%dma_start3A_39, %add3A_18, %dma_start3A_43] : memref<2x10240x16xf32, #tpu.memory_space<hbm>> -> memref<1x80x16xf32, #tpu.memory_space<hbm>>
    %dma_start3A_45 = tpu.memref_squeeze %dma_start3A_44 : memref<1x80x16xf32, #tpu.memory_space<hbm>> -> memref<80x16xf32, #tpu.memory_space<hbm>>
    tpu.enqueue_dma source(%dma_start3A_45 : memref<80x16xf32, #tpu.memory_space<hbm>>) target(%arg9 : memref<80x16xf32, #tpu.memory_space<vmem>>) target_semaphore(%arg16 : memref<!tpu.dma_semaphore, #tpu.memory_space<semaphore_mem>>)
    %while3A = arith.constant 0 : i32
    %while3A_46 = arith.constant 0 : i32
    %while3A_47 = arith.subi %select_n3A, %while3A_46 : i32
    %while3A_48 = arith.addi %while3A_46, %while3A_47 : i32
    %while3A_49 = arith.constant 1 : i32
    %while3A_50 = arith.divsi %while3A_47, %while3A_49 : i32
    %while3A_51 = arith.muli %while3A_50, %while3A_49 : i32
    %while3A_52 = arith.addi %while3A_46, %while3A_51 : i32
    %while3A_53 = arith.constant 1 : i32
    scf.for %while3A_60 = %while3A_46 to %while3A_52 step %while3A_53  : i32 {
      %mul3A_61 = arith.constant 80 : i32
      %mul3A_62 = arith.muli %while3A_60, %mul3A_61 : i32
      %add3A_63 = arith.addi %mul3A_2, %mul3A_62 : i32
      %add3A_64 = arith.constant 1 : i32
      %add3A_65 = arith.addi %while3A_60, %add3A_64 : i32
      %lt3A = arith.cmpi slt, %add3A_65, %select_n3A : i32
      %convert_element_type3A = arith.extui %lt3A : i1 to i32
      %cond3A = arith.constant 0 : i32
      %cond3A_66 = arith.cmpi ne, %convert_element_type3A, %cond3A : i32
      scf.if %cond3A_66 {
        %add3A_88 = arith.constant 1 : i32
        %add3A_89 = arith.addi %while3A_60, %add3A_88 : i32
        %rem3A_90 = arith.constant 2 : i32
        %rem3A_91 = arith.remsi %add3A_89, %rem3A_90 : i32
        %eq3A_92 = arith.constant 0 : i32
        %eq3A_93 = arith.cmpi eq, %rem3A_91, %eq3A_92 : i32
        %convert_element_type3A_94 = arith.extui %eq3A_93 : i1 to i32
        %cond3A_95 = arith.constant 0 : i32
        %cond3A_96 = arith.cmpi ne, %convert_element_type3A_94, %cond3A_95 : i32
        scf.if %cond3A_96 {
          %add3A_106 = arith.constant 1 : i32
          %add3A_107 = arith.addi %while3A_60, %add3A_106 : i32
          %mul3A_108 = arith.constant 80 : i32
          %mul3A_109 = arith.muli %add3A_107, %mul3A_108 : i32
          %add3A_110 = arith.addi %mul3A_2, %mul3A_109 : i32
          %dma_start3A_111 = arith.constant 0 : i32
          %dma_start3A_112 = arith.constant 0 : i32
          %dma_start3A_113 = tpu.memref_slice %arg2[%dma_start3A_111, %add3A_110, %dma_start3A_112] : memref<2x10240x64xf32, #tpu.memory_space<hbm>> -> memref<1x80x64xf32, #tpu.memory_space<hbm>>
          %dma_start3A_114 = tpu.memref_squeeze %dma_start3A_113 : memref<1x80x64xf32, #tpu.memory_space<hbm>> -> memref<80x64xf32, #tpu.memory_space<hbm>>
          %dma_start3A_115 = arith.constant 0 : i32
          %dma_start3A_116 = tpu.memref_slice %arg2[%dma_start3A_111, %add3A_110, %dma_start3A_115] : memref<2x10240x64xf32, #tpu.memory_space<hbm>> -> memref<1x80x64xf32, #tpu.memory_space<hbm>>
          %dma_start3A_117 = tpu.memref_squeeze %dma_start3A_116 : memref<1x80x64xf32, #tpu.memory_space<hbm>> -> memref<80x64xf32, #tpu.memory_space<hbm>>
          tpu.enqueue_dma source(%dma_start3A_117 : memref<80x64xf32, #tpu.memory_space<hbm>>) target(%arg6 : memref<80x64xf32, #tpu.memory_space<vmem>>) target_semaphore(%arg16 : memref<!tpu.dma_semaphore, #tpu.memory_space<semaphore_mem>>)
          %dma_start3A_118 = arith.constant 1 : i32
          %dma_start3A_119 = arith.constant 0 : i32
          %dma_start3A_120 = tpu.memref_slice %arg2[%dma_start3A_118, %add3A_110, %dma_start3A_119] : memref<2x10240x64xf32, #tpu.memory_space<hbm>> -> memref<1x80x64xf32, #tpu.memory_space<hbm>>
          %dma_start3A_121 = tpu.memref_squeeze %dma_start3A_120 : memref<1x80x64xf32, #tpu.memory_space<hbm>> -> memref<80x64xf32, #tpu.memory_space<hbm>>
          %dma_start3A_122 = arith.constant 0 : i32
          %dma_start3A_123 = tpu.memref_slice %arg2[%dma_start3A_118, %add3A_110, %dma_start3A_122] : memref<2x10240x64xf32, #tpu.memory_space<hbm>> -> memref<1x80x64xf32, #tpu.memory_space<hbm>>
          %dma_start3A_124 = tpu.memref_squeeze %dma_start3A_123 : memref<1x80x64xf32, #tpu.memory_space<hbm>> -> memref<80x64xf32, #tpu.memory_space<hbm>>
          tpu.enqueue_dma source(%dma_start3A_124 : memref<80x64xf32, #tpu.memory_space<hbm>>) target(%arg7 : memref<80x64xf32, #tpu.memory_space<vmem>>) target_semaphore(%arg16 : memref<!tpu.dma_semaphore, #tpu.memory_space<semaphore_mem>>)
          %dma_start3A_125 = arith.constant 0 : i32
          %dma_start3A_126 = arith.constant 0 : i32
          %dma_start3A_127 = tpu.memref_slice %arg3[%dma_start3A_125, %add3A_110, %dma_start3A_126] : memref<2x10240x16xf32, #tpu.memory_space<hbm>> -> memref<1x80x16xf32, #tpu.memory_space<hbm>>
          %dma_start3A_128 = tpu.memref_squeeze %dma_start3A_127 : memref<1x80x16xf32, #tpu.memory_space<hbm>> -> memref<80x16xf32, #tpu.memory_space<hbm>>
          %dma_start3A_129 = arith.constant 0 : i32
          %dma_start3A_130 = tpu.memref_slice %arg3[%dma_start3A_125, %add3A_110, %dma_start3A_129] : memref<2x10240x16xf32, #tpu.memory_space<hbm>> -> memref<1x80x16xf32, #tpu.memory_space<hbm>>
          %dma_start3A_131 = tpu.memref_squeeze %dma_start3A_130 : memref<1x80x16xf32, #tpu.memory_space<hbm>> -> memref<80x16xf32, #tpu.memory_space<hbm>>
          tpu.enqueue_dma source(%dma_start3A_131 : memref<80x16xf32, #tpu.memory_space<hbm>>) target(%arg8 : memref<80x16xf32, #tpu.memory_space<vmem>>) target_semaphore(%arg16 : memref<!tpu.dma_semaphore, #tpu.memory_space<semaphore_mem>>)
          %dma_start3A_132 = arith.constant 1 : i32
          %dma_start3A_133 = arith.constant 0 : i32
          %dma_start3A_134 = tpu.memref_slice %arg3[%dma_start3A_132, %add3A_110, %dma_start3A_133] : memref<2x10240x16xf32, #tpu.memory_space<hbm>> -> memref<1x80x16xf32, #tpu.memory_space<hbm>>
          %dma_start3A_135 = tpu.memref_squeeze %dma_start3A_134 : memref<1x80x16xf32, #tpu.memory_space<hbm>> -> memref<80x16xf32, #tpu.memory_space<hbm>>
          %dma_start3A_136 = arith.constant 0 : i32
          %dma_start3A_137 = tpu.memref_slice %arg3[%dma_start3A_132, %add3A_110, %dma_start3A_136] : memref<2x10240x16xf32, #tpu.memory_space<hbm>> -> memref<1x80x16xf32, #tpu.memory_space<hbm>>
          %dma_start3A_138 = tpu.memref_squeeze %dma_start3A_137 : memref<1x80x16xf32, #tpu.memory_space<hbm>> -> memref<80x16xf32, #tpu.memory_space<hbm>>
          tpu.enqueue_dma source(%dma_start3A_138 : memref<80x16xf32, #tpu.memory_space<hbm>>) target(%arg9 : memref<80x16xf32, #tpu.memory_space<vmem>>) target_semaphore(%arg16 : memref<!tpu.dma_semaphore, #tpu.memory_space<semaphore_mem>>)
        } else {
        }
        %add3A_97 = arith.constant 1 : i32
        %add3A_98 = arith.addi %while3A_60, %add3A_97 : i32
        %rem3A_99 = arith.constant 2 : i32
        %rem3A_100 = arith.remsi %add3A_98, %rem3A_99 : i32
        %eq3A_101 = arith.constant 1 : i32
        %eq3A_102 = arith.cmpi eq, %rem3A_100, %eq3A_101 : i32
        %convert_element_type3A_103 = arith.extui %eq3A_102 : i1 to i32
        %cond3A_104 = arith.constant 0 : i32
        %cond3A_105 = arith.cmpi ne, %convert_element_type3A_103, %cond3A_104 : i32
        scf.if %cond3A_105 {
          %add3A_106 = arith.constant 1 : i32
          %add3A_107 = arith.addi %while3A_60, %add3A_106 : i32
          %mul3A_108 = arith.constant 80 : i32
          %mul3A_109 = arith.muli %add3A_107, %mul3A_108 : i32
          %add3A_110 = arith.addi %mul3A_2, %mul3A_109 : i32
          %dma_start3A_111 = arith.constant 0 : i32
          %dma_start3A_112 = arith.constant 0 : i32
          %dma_start3A_113 = tpu.memref_slice %arg2[%dma_start3A_111, %add3A_110, %dma_start3A_112] : memref<2x10240x64xf32, #tpu.memory_space<hbm>> -> memref<1x80x64xf32, #tpu.memory_space<hbm>>
          %dma_start3A_114 = tpu.memref_squeeze %dma_start3A_113 : memref<1x80x64xf32, #tpu.memory_space<hbm>> -> memref<80x64xf32, #tpu.memory_space<hbm>>
          %dma_start3A_115 = arith.constant 0 : i32
          %dma_start3A_116 = tpu.memref_slice %arg2[%dma_start3A_111, %add3A_110, %dma_start3A_115] : memref<2x10240x64xf32, #tpu.memory_space<hbm>> -> memref<1x80x64xf32, #tpu.memory_space<hbm>>
          %dma_start3A_117 = tpu.memref_squeeze %dma_start3A_116 : memref<1x80x64xf32, #tpu.memory_space<hbm>> -> memref<80x64xf32, #tpu.memory_space<hbm>>
          tpu.enqueue_dma source(%dma_start3A_117 : memref<80x64xf32, #tpu.memory_space<hbm>>) target(%arg10 : memref<80x64xf32, #tpu.memory_space<vmem>>) target_semaphore(%arg17 : memref<!tpu.dma_semaphore, #tpu.memory_space<semaphore_mem>>)
          %dma_start3A_118 = arith.constant 1 : i32
          %dma_start3A_119 = arith.constant 0 : i32
          %dma_start3A_120 = tpu.memref_slice %arg2[%dma_start3A_118, %add3A_110, %dma_start3A_119] : memref<2x10240x64xf32, #tpu.memory_space<hbm>> -> memref<1x80x64xf32, #tpu.memory_space<hbm>>
          %dma_start3A_121 = tpu.memref_squeeze %dma_start3A_120 : memref<1x80x64xf32, #tpu.memory_space<hbm>> -> memref<80x64xf32, #tpu.memory_space<hbm>>
          %dma_start3A_122 = arith.constant 0 : i32
          %dma_start3A_123 = tpu.memref_slice %arg2[%dma_start3A_118, %add3A_110, %dma_start3A_122] : memref<2x10240x64xf32, #tpu.memory_space<hbm>> -> memref<1x80x64xf32, #tpu.memory_space<hbm>>
          %dma_start3A_124 = tpu.memref_squeeze %dma_start3A_123 : memref<1x80x64xf32, #tpu.memory_space<hbm>> -> memref<80x64xf32, #tpu.memory_space<hbm>>
          tpu.enqueue_dma source(%dma_start3A_124 : memref<80x64xf32, #tpu.memory_space<hbm>>) target(%arg11 : memref<80x64xf32, #tpu.memory_space<vmem>>) target_semaphore(%arg17 : memref<!tpu.dma_semaphore, #tpu.memory_space<semaphore_mem>>)
          %dma_start3A_125 = arith.constant 0 : i32
          %dma_start3A_126 = arith.constant 0 : i32
          %dma_start3A_127 = tpu.memref_slice %arg3[%dma_start3A_125, %add3A_110, %dma_start3A_126] : memref<2x10240x16xf32, #tpu.memory_space<hbm>> -> memref<1x80x16xf32, #tpu.memory_space<hbm>>
          %dma_start3A_128 = tpu.memref_squeeze %dma_start3A_127 : memref<1x80x16xf32, #tpu.memory_space<hbm>> -> memref<80x16xf32, #tpu.memory_space<hbm>>
          %dma_start3A_129 = arith.constant 0 : i32
          %dma_start3A_130 = tpu.memref_slice %arg3[%dma_start3A_125, %add3A_110, %dma_start3A_129] : memref<2x10240x16xf32, #tpu.memory_space<hbm>> -> memref<1x80x16xf32, #tpu.memory_space<hbm>>
          %dma_start3A_131 = tpu.memref_squeeze %dma_start3A_130 : memref<1x80x16xf32, #tpu.memory_space<hbm>> -> memref<80x16xf32, #tpu.memory_space<hbm>>
          tpu.enqueue_dma source(%dma_start3A_131 : memref<80x16xf32, #tpu.memory_space<hbm>>) target(%arg12 : memref<80x16xf32, #tpu.memory_space<vmem>>) target_semaphore(%arg17 : memref<!tpu.dma_semaphore, #tpu.memory_space<semaphore_mem>>)
          %dma_start3A_132 = arith.constant 1 : i32
          %dma_start3A_133 = arith.constant 0 : i32
          %dma_start3A_134 = tpu.memref_slice %arg3[%dma_start3A_132, %add3A_110, %dma_start3A_133] : memref<2x10240x16xf32, #tpu.memory_space<hbm>> -> memref<1x80x16xf32, #tpu.memory_space<hbm>>
          %dma_start3A_135 = tpu.memref_squeeze %dma_start3A_134 : memref<1x80x16xf32, #tpu.memory_space<hbm>> -> memref<80x16xf32, #tpu.memory_space<hbm>>
          %dma_start3A_136 = arith.constant 0 : i32
          %dma_start3A_137 = tpu.memref_slice %arg3[%dma_start3A_132, %add3A_110, %dma_start3A_136] : memref<2x10240x16xf32, #tpu.memory_space<hbm>> -> memref<1x80x16xf32, #tpu.memory_space<hbm>>
          %dma_start3A_138 = tpu.memref_squeeze %dma_start3A_137 : memref<1x80x16xf32, #tpu.memory_space<hbm>> -> memref<80x16xf32, #tpu.memory_space<hbm>>
          tpu.enqueue_dma source(%dma_start3A_138 : memref<80x16xf32, #tpu.memory_space<hbm>>) target(%arg13 : memref<80x16xf32, #tpu.memory_space<vmem>>) target_semaphore(%arg17 : memref<!tpu.dma_semaphore, #tpu.memory_space<semaphore_mem>>)
        } else {
        }
      } else {
      }
      %rem3A = arith.constant 2 : i32
      %rem3A_67 = arith.remsi %while3A_60, %rem3A : i32
      %eq3A_68 = arith.constant 0 : i32
      %eq3A_69 = arith.cmpi eq, %rem3A_67, %eq3A_68 : i32
      %convert_element_type3A_70 = arith.extui %eq3A_69 : i1 to i32
      %cond3A_71 = arith.constant 0 : i32
      %cond3A_72 = arith.cmpi ne, %convert_element_type3A_70, %cond3A_71 : i32
      scf.if %cond3A_72 {
        %dma_wait3A_88 = arith.constant 0 : i32
        %dma_wait3A_89 = arith.constant 0 : i32
        %dma_wait3A_90 = arith.constant 0 : i32
        %dma_wait3A_91 = tpu.memref_slice %arg2[%dma_wait3A_88, %dma_wait3A_89, %dma_wait3A_90] : memref<2x10240x64xf32, #tpu.memory_space<hbm>> -> memref<1x80x64xf32, #tpu.memory_space<hbm>>
        %dma_wait3A_92 = tpu.memref_squeeze %dma_wait3A_91 : memref<1x80x64xf32, #tpu.memory_space<hbm>> -> memref<80x64xf32, #tpu.memory_space<hbm>>
        %dma_wait3A_93 = arith.constant 0 : i32
        %dma_wait3A_94 = arith.constant 0 : i32
        %dma_wait3A_95 = tpu.memref_slice %arg2[%dma_wait3A_88, %dma_wait3A_93, %dma_wait3A_94] : memref<2x10240x64xf32, #tpu.memory_space<hbm>> -> memref<1x80x64xf32, #tpu.memory_space<hbm>>
        %dma_wait3A_96 = tpu.memref_squeeze %dma_wait3A_95 : memref<1x80x64xf32, #tpu.memory_space<hbm>> -> memref<80x64xf32, #tpu.memory_space<hbm>>
        tpu.wait_dma2 semaphore(%arg16 : memref<!tpu.dma_semaphore, #tpu.memory_space<semaphore_mem>>) src(%dma_wait3A_96 : memref<80x64xf32, #tpu.memory_space<hbm>>) dst(%arg6 : memref<80x64xf32, #tpu.memory_space<vmem>>)
        %dma_wait3A_97 = arith.constant 0 : i32
        %dma_wait3A_98 = arith.constant 0 : i32
        %dma_wait3A_99 = arith.constant 0 : i32
        %dma_wait3A_100 = tpu.memref_slice %arg2[%dma_wait3A_97, %dma_wait3A_98, %dma_wait3A_99] : memref<2x10240x64xf32, #tpu.memory_space<hbm>> -> memref<1x80x64xf32, #tpu.memory_space<hbm>>
        %dma_wait3A_101 = tpu.memref_squeeze %dma_wait3A_100 : memref<1x80x64xf32, #tpu.memory_space<hbm>> -> memref<80x64xf32, #tpu.memory_space<hbm>>
        %dma_wait3A_102 = arith.constant 0 : i32
        %dma_wait3A_103 = arith.constant 0 : i32
        %dma_wait3A_104 = tpu.memref_slice %arg2[%dma_wait3A_97, %dma_wait3A_102, %dma_wait3A_103] : memref<2x10240x64xf32, #tpu.memory_space<hbm>> -> memref<1x80x64xf32, #tpu.memory_space<hbm>>
        %dma_wait3A_105 = tpu.memref_squeeze %dma_wait3A_104 : memref<1x80x64xf32, #tpu.memory_space<hbm>> -> memref<80x64xf32, #tpu.memory_space<hbm>>
        tpu.wait_dma2 semaphore(%arg16 : memref<!tpu.dma_semaphore, #tpu.memory_space<semaphore_mem>>) src(%dma_wait3A_105 : memref<80x64xf32, #tpu.memory_space<hbm>>) dst(%arg7 : memref<80x64xf32, #tpu.memory_space<vmem>>)
        %dma_wait3A_106 = arith.constant 0 : i32
        %dma_wait3A_107 = arith.constant 0 : i32
        %dma_wait3A_108 = arith.constant 0 : i32
        %dma_wait3A_109 = tpu.memref_slice %arg3[%dma_wait3A_106, %dma_wait3A_107, %dma_wait3A_108] : memref<2x10240x16xf32, #tpu.memory_space<hbm>> -> memref<1x80x16xf32, #tpu.memory_space<hbm>>
        %dma_wait3A_110 = tpu.memref_squeeze %dma_wait3A_109 : memref<1x80x16xf32, #tpu.memory_space<hbm>> -> memref<80x16xf32, #tpu.memory_space<hbm>>
        %dma_wait3A_111 = arith.constant 0 : i32
        %dma_wait3A_112 = arith.constant 0 : i32
        %dma_wait3A_113 = tpu.memref_slice %arg3[%dma_wait3A_106, %dma_wait3A_111, %dma_wait3A_112] : memref<2x10240x16xf32, #tpu.memory_space<hbm>> -> memref<1x80x16xf32, #tpu.memory_space<hbm>>
        %dma_wait3A_114 = tpu.memref_squeeze %dma_wait3A_113 : memref<1x80x16xf32, #tpu.memory_space<hbm>> -> memref<80x16xf32, #tpu.memory_space<hbm>>
        tpu.wait_dma2 semaphore(%arg16 : memref<!tpu.dma_semaphore, #tpu.memory_space<semaphore_mem>>) src(%dma_wait3A_114 : memref<80x16xf32, #tpu.memory_space<hbm>>) dst(%arg8 : memref<80x16xf32, #tpu.memory_space<vmem>>)
        %dma_wait3A_115 = arith.constant 0 : i32
        %dma_wait3A_116 = arith.constant 0 : i32
        %dma_wait3A_117 = arith.constant 0 : i32
        %dma_wait3A_118 = tpu.memref_slice %arg3[%dma_wait3A_115, %dma_wait3A_116, %dma_wait3A_117] : memref<2x10240x16xf32, #tpu.memory_space<hbm>> -> memref<1x80x16xf32, #tpu.memory_space<hbm>>
        %dma_wait3A_119 = tpu.memref_squeeze %dma_wait3A_118 : memref<1x80x16xf32, #tpu.memory_space<hbm>> -> memref<80x16xf32, #tpu.memory_space<hbm>>
        %dma_wait3A_120 = arith.constant 0 : i32
        %dma_wait3A_121 = arith.constant 0 : i32
        %dma_wait3A_122 = tpu.memref_slice %arg3[%dma_wait3A_115, %dma_wait3A_120, %dma_wait3A_121] : memref<2x10240x16xf32, #tpu.memory_space<hbm>> -> memref<1x80x16xf32, #tpu.memory_space<hbm>>
        %dma_wait3A_123 = tpu.memref_squeeze %dma_wait3A_122 : memref<1x80x16xf32, #tpu.memory_space<hbm>> -> memref<80x16xf32, #tpu.memory_space<hbm>>
        tpu.wait_dma2 semaphore(%arg16 : memref<!tpu.dma_semaphore, #tpu.memory_space<semaphore_mem>>) src(%dma_wait3A_123 : memref<80x16xf32, #tpu.memory_space<hbm>>) dst(%arg9 : memref<80x16xf32, #tpu.memory_space<vmem>>)
        %scan3A = arith.constant 0 : i32
        %scan3A_124 = arith.constant 0 : i32
        %scan3A_125 = arith.constant 40 : i32
        %scan3A_126 = arith.addi %scan3A_124, %scan3A_125 : i32
        %scan3A_127 = arith.constant 1 : i32
        scf.for %scan3A_129 = %scan3A_124 to %scan3A_126 step %scan3A_127  : i32 {
          %mul3A_130 = arith.constant 2 : i32
          %mul3A_131 = arith.muli %scan3A_129, %mul3A_130 : i32
          %add3A_132 = arith.constant 0 : i32
          %add3A_133 = arith.addi %mul3A_131, %add3A_132 : i32
          %get3A_134 = arith.index_cast %add3A_133 : i32 to index
          %get3A_135 = arith.constant 0 : index
          %get3A_136 = tpu.vector_load %arg8[%get3A_134, %get3A_135] {strides = array<i32>} : memref<80x16xf32, #tpu.memory_space<vmem>>, vector<1x16xf32>,
          %get3A_137 = vector.shape_cast %get3A_136 : vector<1x16xf32> to vector<16xf32>
          %add3A_138 = arith.constant 0 : i32
          %add3A_139 = arith.addi %mul3A_131, %add3A_138 : i32
          %get3A_140 = arith.index_cast %add3A_139 : i32 to index
          %get3A_141 = arith.constant 0 : index
          %get3A_142 = tpu.vector_load %arg9[%get3A_140, %get3A_141] {strides = array<i32>} : memref<80x16xf32, #tpu.memory_space<vmem>>, vector<1x16xf32>,
          %get3A_143 = vector.shape_cast %get3A_142 : vector<1x16xf32> to vector<16xf32>
          %add3A_144 = arith.addf %get3A_137, %get3A_143 : vector<16xf32>
          %max3A = arith.maximumf %add3A_144, %broadcast_in_dim3A_16 : vector<16xf32>
          %div3A = arith.divf %broadcast_in_dim3A_16, %max3A : vector<16xf32>
          %add3A_145 = arith.constant 0 : i32
          %add3A_146 = arith.addi %mul3A_131, %add3A_145 : i32
          %get3A_147 = arith.index_cast %add3A_146 : i32 to index
          %get3A_148 = arith.constant 0 : index
          %get3A_149 = tpu.vector_load %arg6[%get3A_147, %get3A_148] {strides = array<i32>} : memref<80x64xf32, #tpu.memory_space<vmem>>, vector<1x16xf32>,
          %get3A_150 = vector.shape_cast %get3A_149 : vector<1x16xf32> to vector<16xf32>
          %add3A_151 = arith.constant 0 : i32
          %add3A_152 = arith.addi %mul3A_131, %add3A_151 : i32
          %get3A_153 = arith.index_cast %add3A_152 : i32 to index
          %get3A_154 = arith.constant 0 : index
          %get3A_155 = tpu.vector_load %arg7[%get3A_153, %get3A_154] {strides = array<i32>} : memref<80x64xf32, #tpu.memory_space<vmem>>, vector<1x16xf32>,
          %get3A_156 = vector.shape_cast %get3A_155 : vector<1x16xf32> to vector<16xf32>
          %add3A_157 = arith.addf %get3A_150, %get3A_156 : vector<16xf32>
          %mul3A_158 = arith.mulf %add3A_157, %div3A : vector<16xf32>
          %add3A_159 = arith.addf %mul3A_158, %get3A_6 : vector<16xf32>
          %max3A_160 = arith.constant 0.000000e+00 : f32
          %max3A_161 = vector.broadcast %max3A_160 : f32 to vector<16xf32>
          %max3A_162 = arith.maximumf %add3A_159, %max3A_161 : vector<16xf32>
          %add3A_163 = arith.constant 0 : i32
          %add3A_164 = arith.addi %mul3A_131, %add3A_163 : i32
          %swap3A = arith.index_cast %add3A_164 : i32 to index
          %swap3A_165 = arith.constant 0 : index
          %swap3A_166 = tpu.vector_load %arg14[%swap3A, %swap3A_165] {strides = array<i32>} : memref<80x64xf32, #tpu.memory_space<vmem>>, vector<1x16xf32>,
          %swap3A_167 = vector.shape_cast %swap3A_166 : vector<1x16xf32> to vector<16xf32>
          %swap3A_168 = vector.shape_cast %max3A_162 : vector<16xf32> to vector<1x16xf32>
          tpu.vector_store %arg14[%swap3A, %swap3A_165], %swap3A_168 {strides = array<i32>} : memref<80x64xf32, #tpu.memory_space<vmem>>, vector<1x16xf32>,
          %add3A_169 = arith.constant 0 : i32
          %add3A_170 = arith.addi %mul3A_131, %add3A_169 : i32
          %get3A_171 = arith.index_cast %add3A_170 : i32 to index
          %get3A_172 = arith.constant 16 : index
          %get3A_173 = tpu.vector_load %arg6[%get3A_171, %get3A_172] {strides = array<i32>} : memref<80x64xf32, #tpu.memory_space<vmem>>, vector<1x16xf32>,
          %get3A_174 = vector.shape_cast %get3A_173 : vector<1x16xf32> to vector<16xf32>
          %add3A_175 = arith.constant 0 : i32
          %add3A_176 = arith.addi %mul3A_131, %add3A_175 : i32
          %get3A_177 = arith.index_cast %add3A_176 : i32 to index
          %get3A_178 = arith.constant 16 : index
          %get3A_179 = tpu.vector_load %arg7[%get3A_177, %get3A_178] {strides = array<i32>} : memref<80x64xf32, #tpu.memory_space<vmem>>, vector<1x16xf32>,
          %get3A_180 = vector.shape_cast %get3A_179 : vector<1x16xf32> to vector<16xf32>
          %add3A_181 = arith.addf %get3A_174, %get3A_180 : vector<16xf32>
          %mul3A_182 = arith.mulf %add3A_181, %div3A : vector<16xf32>
          %add3A_183 = arith.addf %mul3A_182, %get3A_9 : vector<16xf32>
          %max3A_184 = arith.constant 0.000000e+00 : f32
          %max3A_185 = vector.broadcast %max3A_184 : f32 to vector<16xf32>
          %max3A_186 = arith.maximumf %add3A_183, %max3A_185 : vector<16xf32>
          %add3A_187 = arith.constant 0 : i32
          %add3A_188 = arith.addi %mul3A_131, %add3A_187 : i32
          %swap3A_189 = arith.index_cast %add3A_188 : i32 to index
          %swap3A_190 = arith.constant 16 : index
          %swap3A_191 = tpu.vector_load %arg14[%swap3A_189, %swap3A_190] {strides = array<i32>} : memref<80x64xf32, #tpu.memory_space<vmem>>, vector<1x16xf32>,
          %swap3A_192 = vector.shape_cast %swap3A_191 : vector<1x16xf32> to vector<16xf32>
          %swap3A_193 = vector.shape_cast %max3A_186 : vector<16xf32> to vector<1x16xf32>
          tpu.vector_store %arg14[%swap3A_189, %swap3A_190], %swap3A_193 {strides = array<i32>} : memref<80x64xf32, #tpu.memory_space<vmem>>, vector<1x16xf32>,
          %add3A_194 = arith.constant 0 : i32
          %add3A_195 = arith.addi %mul3A_131, %add3A_194 : i32
          %get3A_196 = arith.index_cast %add3A_195 : i32 to index
          %get3A_197 = arith.constant 32 : index
          %get3A_198 = tpu.vector_load %arg6[%get3A_196, %get3A_197] {strides = array<i32>} : memref<80x64xf32, #tpu.memory_space<vmem>>, vector<1x16xf32>,
          %get3A_199 = vector.shape_cast %get3A_198 : vector<1x16xf32> to vector<16xf32>
          %add3A_200 = arith.constant 0 : i32
          %add3A_201 = arith.addi %mul3A_131, %add3A_200 : i32
          %get3A_202 = arith.index_cast %add3A_201 : i32 to index
          %get3A_203 = arith.constant 32 : index
          %get3A_204 = tpu.vector_load %arg7[%get3A_202, %get3A_203] {strides = array<i32>} : memref<80x64xf32, #tpu.memory_space<vmem>>, vector<1x16xf32>,
          %get3A_205 = vector.shape_cast %get3A_204 : vector<1x16xf32> to vector<16xf32>
          %add3A_206 = arith.addf %get3A_199, %get3A_205 : vector<16xf32>
          %mul3A_207 = arith.mulf %add3A_206, %div3A : vector<16xf32>
          %add3A_208 = arith.addf %mul3A_207, %get3A_12 : vector<16xf32>
          %max3A_209 = arith.constant 0.000000e+00 : f32
          %max3A_210 = vector.broadcast %max3A_209 : f32 to vector<16xf32>
          %max3A_211 = arith.maximumf %add3A_208, %max3A_210 : vector<16xf32>
          %add3A_212 = arith.constant 0 : i32
          %add3A_213 = arith.addi %mul3A_131, %add3A_212 : i32
          %swap3A_214 = arith.index_cast %add3A_213 : i32 to index
          %swap3A_215 = arith.constant 32 : index
          %swap3A_216 = tpu.vector_load %arg14[%swap3A_214, %swap3A_215] {strides = array<i32>} : memref<80x64xf32, #tpu.memory_space<vmem>>, vector<1x16xf32>,
          %swap3A_217 = vector.shape_cast %swap3A_216 : vector<1x16xf32> to vector<16xf32>
          %swap3A_218 = vector.shape_cast %max3A_211 : vector<16xf32> to vector<1x16xf32>
          tpu.vector_store %arg14[%swap3A_214, %swap3A_215], %swap3A_218 {strides = array<i32>} : memref<80x64xf32, #tpu.memory_space<vmem>>, vector<1x16xf32>,
          %add3A_219 = arith.constant 0 : i32
          %add3A_220 = arith.addi %mul3A_131, %add3A_219 : i32
          %get3A_221 = arith.index_cast %add3A_220 : i32 to index
          %get3A_222 = arith.constant 48 : index
          %get3A_223 = tpu.vector_load %arg6[%get3A_221, %get3A_222] {strides = array<i32>} : memref<80x64xf32, #tpu.memory_space<vmem>>, vector<1x16xf32>,
          %get3A_224 = vector.shape_cast %get3A_223 : vector<1x16xf32> to vector<16xf32>
          %add3A_225 = arith.constant 0 : i32
          %add3A_226 = arith.addi %mul3A_131, %add3A_225 : i32
          %get3A_227 = arith.index_cast %add3A_226 : i32 to index
          %get3A_228 = arith.constant 48 : index
          %get3A_229 = tpu.vector_load %arg7[%get3A_227, %get3A_228] {strides = array<i32>} : memref<80x64xf32, #tpu.memory_space<vmem>>, vector<1x16xf32>,
          %get3A_230 = vector.shape_cast %get3A_229 : vector<1x16xf32> to vector<16xf32>
          %add3A_231 = arith.addf %get3A_224, %get3A_230 : vector<16xf32>
          %mul3A_232 = arith.mulf %add3A_231, %div3A : vector<16xf32>
          %add3A_233 = arith.addf %mul3A_232, %get3A_15 : vector<16xf32>
          %max3A_234 = arith.constant 0.000000e+00 : f32
          %max3A_235 = vector.broadcast %max3A_234 : f32 to vector<16xf32>
          %max3A_236 = arith.maximumf %add3A_233, %max3A_235 : vector<16xf32>
          %add3A_237 = arith.constant 0 : i32
          %add3A_238 = arith.addi %mul3A_131, %add3A_237 : i32
          %swap3A_239 = arith.index_cast %add3A_238 : i32 to index
          %swap3A_240 = arith.constant 48 : index
          %swap3A_241 = tpu.vector_load %arg14[%swap3A_239, %swap3A_240] {strides = array<i32>} : memref<80x64xf32, #tpu.memory_space<vmem>>, vector<1x16xf32>,
          %swap3A_242 = vector.shape_cast %swap3A_241 : vector<1x16xf32> to vector<16xf32>
          %swap3A_243 = vector.shape_cast %max3A_236 : vector<16xf32> to vector<1x16xf32>
          tpu.vector_store %arg14[%swap3A_239, %swap3A_240], %swap3A_243 {strides = array<i32>} : memref<80x64xf32, #tpu.memory_space<vmem>>, vector<1x16xf32>,
          %add3A_244 = arith.constant 1 : i32
          %add3A_245 = arith.addi %mul3A_131, %add3A_244 : i32
          %get3A_246 = arith.index_cast %add3A_245 : i32 to index
          %get3A_247 = arith.constant 0 : index
          %get3A_248 = tpu.vector_load %arg8[%get3A_246, %get3A_247] {strides = array<i32>} : memref<80x16xf32, #tpu.memory_space<vmem>>, vector<1x16xf32>,
          %get3A_249 = vector.shape_cast %get3A_248 : vector<1x16xf32> to vector<16xf32>
          %add3A_250 = arith.constant 1 : i32
          %add3A_251 = arith.addi %mul3A_131, %add3A_250 : i32
          %get3A_252 = arith.index_cast %add3A_251 : i32 to index
          %get3A_253 = arith.constant 0 : index
          %get3A_254 = tpu.vector_load %arg9[%get3A_252, %get3A_253] {strides = array<i32>} : memref<80x16xf32, #tpu.memory_space<vmem>>, vector<1x16xf32>,
          %get3A_255 = vector.shape_cast %get3A_254 : vector<1x16xf32> to vector<16xf32>
          %add3A_256 = arith.addf %get3A_249, %get3A_255 : vector<16xf32>
          %max3A_257 = arith.maximumf %add3A_256, %broadcast_in_dim3A_16 : vector<16xf32>
          %div3A_258 = arith.divf %broadcast_in_dim3A_16, %max3A_257 : vector<16xf32>
          %add3A_259 = arith.constant 1 : i32
          %add3A_260 = arith.addi %mul3A_131, %add3A_259 : i32
          %get3A_261 = arith.index_cast %add3A_260 : i32 to index
          %get3A_262 = arith.constant 0 : index
          %get3A_263 = tpu.vector_load %arg6[%get3A_261, %get3A_262] {strides = array<i32>} : memref<80x64xf32, #tpu.memory_space<vmem>>, vector<1x16xf32>,
          %get3A_264 = vector.shape_cast %get3A_263 : vector<1x16xf32> to vector<16xf32>
          %add3A_265 = arith.constant 1 : i32
          %add3A_266 = arith.addi %mul3A_131, %add3A_265 : i32
          %get3A_267 = arith.index_cast %add3A_266 : i32 to index
          %get3A_268 = arith.constant 0 : index
          %get3A_269 = tpu.vector_load %arg7[%get3A_267, %get3A_268] {strides = array<i32>} : memref<80x64xf32, #tpu.memory_space<vmem>>, vector<1x16xf32>,
          %get3A_270 = vector.shape_cast %get3A_269 : vector<1x16xf32> to vector<16xf32>
          %add3A_271 = arith.addf %get3A_264, %get3A_270 : vector<16xf32>
          %mul3A_272 = arith.mulf %add3A_271, %div3A_258 : vector<16xf32>
          %add3A_273 = arith.addf %mul3A_272, %get3A_6 : vector<16xf32>
          %max3A_274 = arith.constant 0.000000e+00 : f32
          %max3A_275 = vector.broadcast %max3A_274 : f32 to vector<16xf32>
          %max3A_276 = arith.maximumf %add3A_273, %max3A_275 : vector<16xf32>
          %add3A_277 = arith.constant 1 : i32
          %add3A_278 = arith.addi %mul3A_131, %add3A_277 : i32
          %swap3A_279 = arith.index_cast %add3A_278 : i32 to index
          %swap3A_280 = arith.constant 0 : index
          %swap3A_281 = tpu.vector_load %arg14[%swap3A_279, %swap3A_280] {strides = array<i32>} : memref<80x64xf32, #tpu.memory_space<vmem>>, vector<1x16xf32>,
          %swap3A_282 = vector.shape_cast %swap3A_281 : vector<1x16xf32> to vector<16xf32>
          %swap3A_283 = vector.shape_cast %max3A_276 : vector<16xf32> to vector<1x16xf32>
          tpu.vector_store %arg14[%swap3A_279, %swap3A_280], %swap3A_283 {strides = array<i32>} : memref<80x64xf32, #tpu.memory_space<vmem>>, vector<1x16xf32>,
          %add3A_284 = arith.constant 1 : i32
          %add3A_285 = arith.addi %mul3A_131, %add3A_284 : i32
          %get3A_286 = arith.index_cast %add3A_285 : i32 to index
          %get3A_287 = arith.constant 16 : index
          %get3A_288 = tpu.vector_load %arg6[%get3A_286, %get3A_287] {strides = array<i32>} : memref<80x64xf32, #tpu.memory_space<vmem>>, vector<1x16xf32>,
          %get3A_289 = vector.shape_cast %get3A_288 : vector<1x16xf32> to vector<16xf32>
          %add3A_290 = arith.constant 1 : i32
          %add3A_291 = arith.addi %mul3A_131, %add3A_290 : i32
          %get3A_292 = arith.index_cast %add3A_291 : i32 to index
          %get3A_293 = arith.constant 16 : index
          %get3A_294 = tpu.vector_load %arg7[%get3A_292, %get3A_293] {strides = array<i32>} : memref<80x64xf32, #tpu.memory_space<vmem>>, vector<1x16xf32>,
          %get3A_295 = vector.shape_cast %get3A_294 : vector<1x16xf32> to vector<16xf32>
          %add3A_296 = arith.addf %get3A_289, %get3A_295 : vector<16xf32>
          %mul3A_297 = arith.mulf %add3A_296, %div3A_258 : vector<16xf32>
          %add3A_298 = arith.addf %mul3A_297, %get3A_9 : vector<16xf32>
          %max3A_299 = arith.constant 0.000000e+00 : f32
          %max3A_300 = vector.broadcast %max3A_299 : f32 to vector<16xf32>
          %max3A_301 = arith.maximumf %add3A_298, %max3A_300 : vector<16xf32>
          %add3A_302 = arith.constant 1 : i32
          %add3A_303 = arith.addi %mul3A_131, %add3A_302 : i32
          %swap3A_304 = arith.index_cast %add3A_303 : i32 to index
          %swap3A_305 = arith.constant 16 : index
          %swap3A_306 = tpu.vector_load %arg14[%swap3A_304, %swap3A_305] {strides = array<i32>} : memref<80x64xf32, #tpu.memory_space<vmem>>, vector<1x16xf32>,
          %swap3A_307 = vector.shape_cast %swap3A_306 : vector<1x16xf32> to vector<16xf32>
          %swap3A_308 = vector.shape_cast %max3A_301 : vector<16xf32> to vector<1x16xf32>
          tpu.vector_store %arg14[%swap3A_304, %swap3A_305], %swap3A_308 {strides = array<i32>} : memref<80x64xf32, #tpu.memory_space<vmem>>, vector<1x16xf32>,
          %add3A_309 = arith.constant 1 : i32
          %add3A_310 = arith.addi %mul3A_131, %add3A_309 : i32
          %get3A_311 = arith.index_cast %add3A_310 : i32 to index
          %get3A_312 = arith.constant 32 : index
          %get3A_313 = tpu.vector_load %arg6[%get3A_311, %get3A_312] {strides = array<i32>} : memref<80x64xf32, #tpu.memory_space<vmem>>, vector<1x16xf32>,
          %get3A_314 = vector.shape_cast %get3A_313 : vector<1x16xf32> to vector<16xf32>
          %add3A_315 = arith.constant 1 : i32
          %add3A_316 = arith.addi %mul3A_131, %add3A_315 : i32
          %get3A_317 = arith.index_cast %add3A_316 : i32 to index
          %get3A_318 = arith.constant 32 : index
          %get3A_319 = tpu.vector_load %arg7[%get3A_317, %get3A_318] {strides = array<i32>} : memref<80x64xf32, #tpu.memory_space<vmem>>, vector<1x16xf32>,
          %get3A_320 = vector.shape_cast %get3A_319 : vector<1x16xf32> to vector<16xf32>
          %add3A_321 = arith.addf %get3A_314, %get3A_320 : vector<16xf32>
          %mul3A_322 = arith.mulf %add3A_321, %div3A_258 : vector<16xf32>
          %add3A_323 = arith.addf %mul3A_322, %get3A_12 : vector<16xf32>
          %max3A_324 = arith.constant 0.000000e+00 : f32
          %max3A_325 = vector.broadcast %max3A_324 : f32 to vector<16xf32>
          %max3A_326 = arith.maximumf %add3A_323, %max3A_325 : vector<16xf32>
          %add3A_327 = arith.constant 1 : i32
          %add3A_328 = arith.addi %mul3A_131, %add3A_327 : i32
          %swap3A_329 = arith.index_cast %add3A_328 : i32 to index
          %swap3A_330 = arith.constant 32 : index
          %swap3A_331 = tpu.vector_load %arg14[%swap3A_329, %swap3A_330] {strides = array<i32>} : memref<80x64xf32, #tpu.memory_space<vmem>>, vector<1x16xf32>,
          %swap3A_332 = vector.shape_cast %swap3A_331 : vector<1x16xf32> to vector<16xf32>
          %swap3A_333 = vector.shape_cast %max3A_326 : vector<16xf32> to vector<1x16xf32>
          tpu.vector_store %arg14[%swap3A_329, %swap3A_330], %swap3A_333 {strides = array<i32>} : memref<80x64xf32, #tpu.memory_space<vmem>>, vector<1x16xf32>,
          %add3A_334 = arith.constant 1 : i32
          %add3A_335 = arith.addi %mul3A_131, %add3A_334 : i32
          %get3A_336 = arith.index_cast %add3A_335 : i32 to index
          %get3A_337 = arith.constant 48 : index
          %get3A_338 = tpu.vector_load %arg6[%get3A_336, %get3A_337] {strides = array<i32>} : memref<80x64xf32, #tpu.memory_space<vmem>>, vector<1x16xf32>,
          %get3A_339 = vector.shape_cast %get3A_338 : vector<1x16xf32> to vector<16xf32>
          %add3A_340 = arith.constant 1 : i32
          %add3A_341 = arith.addi %mul3A_131, %add3A_340 : i32
          %get3A_342 = arith.index_cast %add3A_341 : i32 to index
          %get3A_343 = arith.constant 48 : index
          %get3A_344 = tpu.vector_load %arg7[%get3A_342, %get3A_343] {strides = array<i32>} : memref<80x64xf32, #tpu.memory_space<vmem>>, vector<1x16xf32>,
          %get3A_345 = vector.shape_cast %get3A_344 : vector<1x16xf32> to vector<16xf32>
          %add3A_346 = arith.addf %get3A_339, %get3A_345 : vector<16xf32>
          %mul3A_347 = arith.mulf %add3A_346, %div3A_258 : vector<16xf32>
          %add3A_348 = arith.addf %mul3A_347, %get3A_15 : vector<16xf32>
          %max3A_349 = arith.constant 0.000000e+00 : f32
          %max3A_350 = vector.broadcast %max3A_349 : f32 to vector<16xf32>
          %max3A_351 = arith.maximumf %add3A_348, %max3A_350 : vector<16xf32>
          %add3A_352 = arith.constant 1 : i32
          %add3A_353 = arith.addi %mul3A_131, %add3A_352 : i32
          %swap3A_354 = arith.index_cast %add3A_353 : i32 to index
          %swap3A_355 = arith.constant 48 : index
          %swap3A_356 = tpu.vector_load %arg14[%swap3A_354, %swap3A_355] {strides = array<i32>} : memref<80x64xf32, #tpu.memory_space<vmem>>, vector<1x16xf32>,
          %swap3A_357 = vector.shape_cast %swap3A_356 : vector<1x16xf32> to vector<16xf32>
          %swap3A_358 = vector.shape_cast %max3A_351 : vector<16xf32> to vector<1x16xf32>
          tpu.vector_store %arg14[%swap3A_354, %swap3A_355], %swap3A_358 {strides = array<i32>} : memref<80x64xf32, #tpu.memory_space<vmem>>, vector<1x16xf32>,
        }
        %scan3A_128 = arith.constant 40 : i32
      } else {
      }
      %rem3A_73 = arith.constant 2 : i32
      %rem3A_74 = arith.remsi %while3A_60, %rem3A_73 : i32
      %eq3A_75 = arith.constant 1 : i32
      %eq3A_76 = arith.cmpi eq, %rem3A_74, %eq3A_75 : i32
      %convert_element_type3A_77 = arith.extui %eq3A_76 : i1 to i32
      %cond3A_78 = arith.constant 0 : i32
      %cond3A_79 = arith.cmpi ne, %convert_element_type3A_77, %cond3A_78 : i32
      scf.if %cond3A_79 {
        %dma_wait3A_88 = arith.constant 0 : i32
        %dma_wait3A_89 = arith.constant 0 : i32
        %dma_wait3A_90 = arith.constant 0 : i32
        %dma_wait3A_91 = tpu.memref_slice %arg2[%dma_wait3A_88, %dma_wait3A_89, %dma_wait3A_90] : memref<2x10240x64xf32, #tpu.memory_space<hbm>> -> memref<1x80x64xf32, #tpu.memory_space<hbm>>
        %dma_wait3A_92 = tpu.memref_squeeze %dma_wait3A_91 : memref<1x80x64xf32, #tpu.memory_space<hbm>> -> memref<80x64xf32, #tpu.memory_space<hbm>>
        %dma_wait3A_93 = arith.constant 0 : i32
        %dma_wait3A_94 = arith.constant 0 : i32
        %dma_wait3A_95 = tpu.memref_slice %arg2[%dma_wait3A_88, %dma_wait3A_93, %dma_wait3A_94] : memref<2x10240x64xf32, #tpu.memory_space<hbm>> -> memref<1x80x64xf32, #tpu.memory_space<hbm>>
        %dma_wait3A_96 = tpu.memref_squeeze %dma_wait3A_95 : memref<1x80x64xf32, #tpu.memory_space<hbm>> -> memref<80x64xf32, #tpu.memory_space<hbm>>
        tpu.wait_dma2 semaphore(%arg17 : memref<!tpu.dma_semaphore, #tpu.memory_space<semaphore_mem>>) src(%dma_wait3A_96 : memref<80x64xf32, #tpu.memory_space<hbm>>) dst(%arg10 : memref<80x64xf32, #tpu.memory_space<vmem>>)
        %dma_wait3A_97 = arith.constant 0 : i32
        %dma_wait3A_98 = arith.constant 0 : i32
        %dma_wait3A_99 = arith.constant 0 : i32
        %dma_wait3A_100 = tpu.memref_slice %arg2[%dma_wait3A_97, %dma_wait3A_98, %dma_wait3A_99] : memref<2x10240x64xf32, #tpu.memory_space<hbm>> -> memref<1x80x64xf32, #tpu.memory_space<hbm>>
        %dma_wait3A_101 = tpu.memref_squeeze %dma_wait3A_100 : memref<1x80x64xf32, #tpu.memory_space<hbm>> -> memref<80x64xf32, #tpu.memory_space<hbm>>
        %dma_wait3A_102 = arith.constant 0 : i32
        %dma_wait3A_103 = arith.constant 0 : i32
        %dma_wait3A_104 = tpu.memref_slice %arg2[%dma_wait3A_97, %dma_wait3A_102, %dma_wait3A_103] : memref<2x10240x64xf32, #tpu.memory_space<hbm>> -> memref<1x80x64xf32, #tpu.memory_space<hbm>>
        %dma_wait3A_105 = tpu.memref_squeeze %dma_wait3A_104 : memref<1x80x64xf32, #tpu.memory_space<hbm>> -> memref<80x64xf32, #tpu.memory_space<hbm>>
        tpu.wait_dma2 semaphore(%arg17 : memref<!tpu.dma_semaphore, #tpu.memory_space<semaphore_mem>>) src(%dma_wait3A_105 : memref<80x64xf32, #tpu.memory_space<hbm>>) dst(%arg11 : memref<80x64xf32, #tpu.memory_space<vmem>>)
        %dma_wait3A_106 = arith.constant 0 : i32
        %dma_wait3A_107 = arith.constant 0 : i32
        %dma_wait3A_108 = arith.constant 0 : i32
        %dma_wait3A_109 = tpu.memref_slice %arg3[%dma_wait3A_106, %dma_wait3A_107, %dma_wait3A_108] : memref<2x10240x16xf32, #tpu.memory_space<hbm>> -> memref<1x80x16xf32, #tpu.memory_space<hbm>>
        %dma_wait3A_110 = tpu.memref_squeeze %dma_wait3A_109 : memref<1x80x16xf32, #tpu.memory_space<hbm>> -> memref<80x16xf32, #tpu.memory_space<hbm>>
        %dma_wait3A_111 = arith.constant 0 : i32
        %dma_wait3A_112 = arith.constant 0 : i32
        %dma_wait3A_113 = tpu.memref_slice %arg3[%dma_wait3A_106, %dma_wait3A_111, %dma_wait3A_112] : memref<2x10240x16xf32, #tpu.memory_space<hbm>> -> memref<1x80x16xf32, #tpu.memory_space<hbm>>
        %dma_wait3A_114 = tpu.memref_squeeze %dma_wait3A_113 : memref<1x80x16xf32, #tpu.memory_space<hbm>> -> memref<80x16xf32, #tpu.memory_space<hbm>>
        tpu.wait_dma2 semaphore(%arg17 : memref<!tpu.dma_semaphore, #tpu.memory_space<semaphore_mem>>) src(%dma_wait3A_114 : memref<80x16xf32, #tpu.memory_space<hbm>>) dst(%arg12 : memref<80x16xf32, #tpu.memory_space<vmem>>)
        %dma_wait3A_115 = arith.constant 0 : i32
        %dma_wait3A_116 = arith.constant 0 : i32
        %dma_wait3A_117 = arith.constant 0 : i32
        %dma_wait3A_118 = tpu.memref_slice %arg3[%dma_wait3A_115, %dma_wait3A_116, %dma_wait3A_117] : memref<2x10240x16xf32, #tpu.memory_space<hbm>> -> memref<1x80x16xf32, #tpu.memory_space<hbm>>
        %dma_wait3A_119 = tpu.memref_squeeze %dma_wait3A_118 : memref<1x80x16xf32, #tpu.memory_space<hbm>> -> memref<80x16xf32, #tpu.memory_space<hbm>>
        %dma_wait3A_120 = arith.constant 0 : i32
        %dma_wait3A_121 = arith.constant 0 : i32
        %dma_wait3A_122 = tpu.memref_slice %arg3[%dma_wait3A_115, %dma_wait3A_120, %dma_wait3A_121] : memref<2x10240x16xf32, #tpu.memory_space<hbm>> -> memref<1x80x16xf32, #tpu.memory_space<hbm>>
        %dma_wait3A_123 = tpu.memref_squeeze %dma_wait3A_122 : memref<1x80x16xf32, #tpu.memory_space<hbm>> -> memref<80x16xf32, #tpu.memory_space<hbm>>
        tpu.wait_dma2 semaphore(%arg17 : memref<!tpu.dma_semaphore, #tpu.memory_space<semaphore_mem>>) src(%dma_wait3A_123 : memref<80x16xf32, #tpu.memory_space<hbm>>) dst(%arg13 : memref<80x16xf32, #tpu.memory_space<vmem>>)
        %scan3A = arith.constant 0 : i32
        %scan3A_124 = arith.constant 0 : i32
        %scan3A_125 = arith.constant 40 : i32
        %scan3A_126 = arith.addi %scan3A_124, %scan3A_125 : i32
        %scan3A_127 = arith.constant 1 : i32
        scf.for %scan3A_129 = %scan3A_124 to %scan3A_126 step %scan3A_127  : i32 {
          %mul3A_130 = arith.constant 2 : i32
          %mul3A_131 = arith.muli %scan3A_129, %mul3A_130 : i32
          %add3A_132 = arith.constant 0 : i32
          %add3A_133 = arith.addi %mul3A_131, %add3A_132 : i32
          %get3A_134 = arith.index_cast %add3A_133 : i32 to index
          %get3A_135 = arith.constant 0 : index
          %get3A_136 = tpu.vector_load %arg12[%get3A_134, %get3A_135] {strides = array<i32>} : memref<80x16xf32, #tpu.memory_space<vmem>>, vector<1x16xf32>,
          %get3A_137 = vector.shape_cast %get3A_136 : vector<1x16xf32> to vector<16xf32>
          %add3A_138 = arith.constant 0 : i32
          %add3A_139 = arith.addi %mul3A_131, %add3A_138 : i32
          %get3A_140 = arith.index_cast %add3A_139 : i32 to index
          %get3A_141 = arith.constant 0 : index
          %get3A_142 = tpu.vector_load %arg13[%get3A_140, %get3A_141] {strides = array<i32>} : memref<80x16xf32, #tpu.memory_space<vmem>>, vector<1x16xf32>,
          %get3A_143 = vector.shape_cast %get3A_142 : vector<1x16xf32> to vector<16xf32>
          %add3A_144 = arith.addf %get3A_137, %get3A_143 : vector<16xf32>
          %max3A = arith.maximumf %add3A_144, %broadcast_in_dim3A_16 : vector<16xf32>
          %div3A = arith.divf %broadcast_in_dim3A_16, %max3A : vector<16xf32>
          %add3A_145 = arith.constant 0 : i32
          %add3A_146 = arith.addi %mul3A_131, %add3A_145 : i32
          %get3A_147 = arith.index_cast %add3A_146 : i32 to index
          %get3A_148 = arith.constant 0 : index
          %get3A_149 = tpu.vector_load %arg10[%get3A_147, %get3A_148] {strides = array<i32>} : memref<80x64xf32, #tpu.memory_space<vmem>>, vector<1x16xf32>,
          %get3A_150 = vector.shape_cast %get3A_149 : vector<1x16xf32> to vector<16xf32>
          %add3A_151 = arith.constant 0 : i32
          %add3A_152 = arith.addi %mul3A_131, %add3A_151 : i32
          %get3A_153 = arith.index_cast %add3A_152 : i32 to index
          %get3A_154 = arith.constant 0 : index
          %get3A_155 = tpu.vector_load %arg11[%get3A_153, %get3A_154] {strides = array<i32>} : memref<80x64xf32, #tpu.memory_space<vmem>>, vector<1x16xf32>,
          %get3A_156 = vector.shape_cast %get3A_155 : vector<1x16xf32> to vector<16xf32>
          %add3A_157 = arith.addf %get3A_150, %get3A_156 : vector<16xf32>
          %mul3A_158 = arith.mulf %add3A_157, %div3A : vector<16xf32>
          %add3A_159 = arith.addf %mul3A_158, %get3A_6 : vector<16xf32>
          %max3A_160 = arith.constant 0.000000e+00 : f32
          %max3A_161 = vector.broadcast %max3A_160 : f32 to vector<16xf32>
          %max3A_162 = arith.maximumf %add3A_159, %max3A_161 : vector<16xf32>
          %add3A_163 = arith.constant 0 : i32
          %add3A_164 = arith.addi %mul3A_131, %add3A_163 : i32
          %swap3A = arith.index_cast %add3A_164 : i32 to index
          %swap3A_165 = arith.constant 0 : index
          %swap3A_166 = tpu.vector_load %arg14[%swap3A, %swap3A_165] {strides = array<i32>} : memref<80x64xf32, #tpu.memory_space<vmem>>, vector<1x16xf32>,
          %swap3A_167 = vector.shape_cast %swap3A_166 : vector<1x16xf32> to vector<16xf32>
          %swap3A_168 = vector.shape_cast %max3A_162 : vector<16xf32> to vector<1x16xf32>
          tpu.vector_store %arg14[%swap3A, %swap3A_165], %swap3A_168 {strides = array<i32>} : memref<80x64xf32, #tpu.memory_space<vmem>>, vector<1x16xf32>,
          %add3A_169 = arith.constant 0 : i32
          %add3A_170 = arith.addi %mul3A_131, %add3A_169 : i32
          %get3A_171 = arith.index_cast %add3A_170 : i32 to index
          %get3A_172 = arith.constant 16 : index
          %get3A_173 = tpu.vector_load %arg10[%get3A_171, %get3A_172] {strides = array<i32>} : memref<80x64xf32, #tpu.memory_space<vmem>>, vector<1x16xf32>,
          %get3A_174 = vector.shape_cast %get3A_173 : vector<1x16xf32> to vector<16xf32>
          %add3A_175 = arith.constant 0 : i32
          %add3A_176 = arith.addi %mul3A_131, %add3A_175 : i32
          %get3A_177 = arith.index_cast %add3A_176 : i32 to index
          %get3A_178 = arith.constant 16 : index
          %get3A_179 = tpu.vector_load %arg11[%get3A_177, %get3A_178] {strides = array<i32>} : memref<80x64xf32, #tpu.memory_space<vmem>>, vector<1x16xf32>,
          %get3A_180 = vector.shape_cast %get3A_179 : vector<1x16xf32> to vector<16xf32>
          %add3A_181 = arith.addf %get3A_174, %get3A_180 : vector<16xf32>
          %mul3A_182 = arith.mulf %add3A_181, %div3A : vector<16xf32>
          %add3A_183 = arith.addf %mul3A_182, %get3A_9 : vector<16xf32>
          %max3A_184 = arith.constant 0.000000e+00 : f32
          %max3A_185 = vector.broadcast %max3A_184 : f32 to vector<16xf32>
          %max3A_186 = arith.maximumf %add3A_183, %max3A_185 : vector<16xf32>
          %add3A_187 = arith.constant 0 : i32
          %add3A_188 = arith.addi %mul3A_131, %add3A_187 : i32
          %swap3A_189 = arith.index_cast %add3A_188 : i32 to index
          %swap3A_190 = arith.constant 16 : index
          %swap3A_191 = tpu.vector_load %arg14[%swap3A_189, %swap3A_190] {strides = array<i32>} : memref<80x64xf32, #tpu.memory_space<vmem>>, vector<1x16xf32>,
          %swap3A_192 = vector.shape_cast %swap3A_191 : vector<1x16xf32> to vector<16xf32>
          %swap3A_193 = vector.shape_cast %max3A_186 : vector<16xf32> to vector<1x16xf32>
          tpu.vector_store %arg14[%swap3A_189, %swap3A_190], %swap3A_193 {strides = array<i32>} : memref<80x64xf32, #tpu.memory_space<vmem>>, vector<1x16xf32>,
          %add3A_194 = arith.constant 0 : i32
          %add3A_195 = arith.addi %mul3A_131, %add3A_194 : i32
          %get3A_196 = arith.index_cast %add3A_195 : i32 to index
          %get3A_197 = arith.constant 32 : index
          %get3A_198 = tpu.vector_load %arg10[%get3A_196, %get3A_197] {strides = array<i32>} : memref<80x64xf32, #tpu.memory_space<vmem>>, vector<1x16xf32>,
          %get3A_199 = vector.shape_cast %get3A_198 : vector<1x16xf32> to vector<16xf32>
          %add3A_200 = arith.constant 0 : i32
          %add3A_201 = arith.addi %mul3A_131, %add3A_200 : i32
          %get3A_202 = arith.index_cast %add3A_201 : i32 to index
          %get3A_203 = arith.constant 32 : index
          %get3A_204 = tpu.vector_load %arg11[%get3A_202, %get3A_203] {strides = array<i32>} : memref<80x64xf32, #tpu.memory_space<vmem>>, vector<1x16xf32>,
          %get3A_205 = vector.shape_cast %get3A_204 : vector<1x16xf32> to vector<16xf32>
          %add3A_206 = arith.addf %get3A_199, %get3A_205 : vector<16xf32>
          %mul3A_207 = arith.mulf %add3A_206, %div3A : vector<16xf32>
          %add3A_208 = arith.addf %mul3A_207, %get3A_12 : vector<16xf32>
          %max3A_209 = arith.constant 0.000000e+00 : f32
          %max3A_210 = vector.broadcast %max3A_209 : f32 to vector<16xf32>
          %max3A_211 = arith.maximumf %add3A_208, %max3A_210 : vector<16xf32>
          %add3A_212 = arith.constant 0 : i32
          %add3A_213 = arith.addi %mul3A_131, %add3A_212 : i32
          %swap3A_214 = arith.index_cast %add3A_213 : i32 to index
          %swap3A_215 = arith.constant 32 : index
          %swap3A_216 = tpu.vector_load %arg14[%swap3A_214, %swap3A_215] {strides = array<i32>} : memref<80x64xf32, #tpu.memory_space<vmem>>, vector<1x16xf32>,
          %swap3A_217 = vector.shape_cast %swap3A_216 : vector<1x16xf32> to vector<16xf32>
          %swap3A_218 = vector.shape_cast %max3A_211 : vector<16xf32> to vector<1x16xf32>
          tpu.vector_store %arg14[%swap3A_214, %swap3A_215], %swap3A_218 {strides = array<i32>} : memref<80x64xf32, #tpu.memory_space<vmem>>, vector<1x16xf32>,
          %add3A_219 = arith.constant 0 : i32
          %add3A_220 = arith.addi %mul3A_131, %add3A_219 : i32
          %get3A_221 = arith.index_cast %add3A_220 : i32 to index
          %get3A_222 = arith.constant 48 : index
          %get3A_223 = tpu.vector_load %arg10[%get3A_221, %get3A_222] {strides = array<i32>} : memref<80x64xf32, #tpu.memory_space<vmem>>, vector<1x16xf32>,
          %get3A_224 = vector.shape_cast %get3A_223 : vector<1x16xf32> to vector<16xf32>
          %add3A_225 = arith.constant 0 : i32
          %add3A_226 = arith.addi %mul3A_131, %add3A_225 : i32
          %get3A_227 = arith.index_cast %add3A_226 : i32 to index
          %get3A_228 = arith.constant 48 : index
          %get3A_229 = tpu.vector_load %arg11[%get3A_227, %get3A_228] {strides = array<i32>} : memref<80x64xf32, #tpu.memory_space<vmem>>, vector<1x16xf32>,
          %get3A_230 = vector.shape_cast %get3A_229 : vector<1x16xf32> to vector<16xf32>
          %add3A_231 = arith.addf %get3A_224, %get3A_230 : vector<16xf32>
          %mul3A_232 = arith.mulf %add3A_231, %div3A : vector<16xf32>
          %add3A_233 = arith.addf %mul3A_232, %get3A_15 : vector<16xf32>
          %max3A_234 = arith.constant 0.000000e+00 : f32
          %max3A_235 = vector.broadcast %max3A_234 : f32 to vector<16xf32>
          %max3A_236 = arith.maximumf %add3A_233, %max3A_235 : vector<16xf32>
          %add3A_237 = arith.constant 0 : i32
          %add3A_238 = arith.addi %mul3A_131, %add3A_237 : i32
          %swap3A_239 = arith.index_cast %add3A_238 : i32 to index
          %swap3A_240 = arith.constant 48 : index
          %swap3A_241 = tpu.vector_load %arg14[%swap3A_239, %swap3A_240] {strides = array<i32>} : memref<80x64xf32, #tpu.memory_space<vmem>>, vector<1x16xf32>,
          %swap3A_242 = vector.shape_cast %swap3A_241 : vector<1x16xf32> to vector<16xf32>
          %swap3A_243 = vector.shape_cast %max3A_236 : vector<16xf32> to vector<1x16xf32>
          tpu.vector_store %arg14[%swap3A_239, %swap3A_240], %swap3A_243 {strides = array<i32>} : memref<80x64xf32, #tpu.memory_space<vmem>>, vector<1x16xf32>,
          %add3A_244 = arith.constant 1 : i32
          %add3A_245 = arith.addi %mul3A_131, %add3A_244 : i32
          %get3A_246 = arith.index_cast %add3A_245 : i32 to index
          %get3A_247 = arith.constant 0 : index
          %get3A_248 = tpu.vector_load %arg12[%get3A_246, %get3A_247] {strides = array<i32>} : memref<80x16xf32, #tpu.memory_space<vmem>>, vector<1x16xf32>,
          %get3A_249 = vector.shape_cast %get3A_248 : vector<1x16xf32> to vector<16xf32>
          %add3A_250 = arith.constant 1 : i32
          %add3A_251 = arith.addi %mul3A_131, %add3A_250 : i32
          %get3A_252 = arith.index_cast %add3A_251 : i32 to index
          %get3A_253 = arith.constant 0 : index
          %get3A_254 = tpu.vector_load %arg13[%get3A_252, %get3A_253] {strides = array<i32>} : memref<80x16xf32, #tpu.memory_space<vmem>>, vector<1x16xf32>,
          %get3A_255 = vector.shape_cast %get3A_254 : vector<1x16xf32> to vector<16xf32>
          %add3A_256 = arith.addf %get3A_249, %get3A_255 : vector<16xf32>
          %max3A_257 = arith.maximumf %add3A_256, %broadcast_in_dim3A_16 : vector<16xf32>
          %div3A_258 = arith.divf %broadcast_in_dim3A_16, %max3A_257 : vector<16xf32>
          %add3A_259 = arith.constant 1 : i32
          %add3A_260 = arith.addi %mul3A_131, %add3A_259 : i32
          %get3A_261 = arith.index_cast %add3A_260 : i32 to index
          %get3A_262 = arith.constant 0 : index
          %get3A_263 = tpu.vector_load %arg10[%get3A_261, %get3A_262] {strides = array<i32>} : memref<80x64xf32, #tpu.memory_space<vmem>>, vector<1x16xf32>,
          %get3A_264 = vector.shape_cast %get3A_263 : vector<1x16xf32> to vector<16xf32>
          %add3A_265 = arith.constant 1 : i32
          %add3A_266 = arith.addi %mul3A_131, %add3A_265 : i32
          %get3A_267 = arith.index_cast %add3A_266 : i32 to index
          %get3A_268 = arith.constant 0 : index
          %get3A_269 = tpu.vector_load %arg11[%get3A_267, %get3A_268] {strides = array<i32>} : memref<80x64xf32, #tpu.memory_space<vmem>>, vector<1x16xf32>,
          %get3A_270 = vector.shape_cast %get3A_269 : vector<1x16xf32> to vector<16xf32>
          %add3A_271 = arith.addf %get3A_264, %get3A_270 : vector<16xf32>
          %mul3A_272 = arith.mulf %add3A_271, %div3A_258 : vector<16xf32>
          %add3A_273 = arith.addf %mul3A_272, %get3A_6 : vector<16xf32>
          %max3A_274 = arith.constant 0.000000e+00 : f32
          %max3A_275 = vector.broadcast %max3A_274 : f32 to vector<16xf32>
          %max3A_276 = arith.maximumf %add3A_273, %max3A_275 : vector<16xf32>
          %add3A_277 = arith.constant 1 : i32
          %add3A_278 = arith.addi %mul3A_131, %add3A_277 : i32
          %swap3A_279 = arith.index_cast %add3A_278 : i32 to index
          %swap3A_280 = arith.constant 0 : index
          %swap3A_281 = tpu.vector_load %arg14[%swap3A_279, %swap3A_280] {strides = array<i32>} : memref<80x64xf32, #tpu.memory_space<vmem>>, vector<1x16xf32>,
          %swap3A_282 = vector.shape_cast %swap3A_281 : vector<1x16xf32> to vector<16xf32>
          %swap3A_283 = vector.shape_cast %max3A_276 : vector<16xf32> to vector<1x16xf32>
          tpu.vector_store %arg14[%swap3A_279, %swap3A_280], %swap3A_283 {strides = array<i32>} : memref<80x64xf32, #tpu.memory_space<vmem>>, vector<1x16xf32>,
          %add3A_284 = arith.constant 1 : i32
          %add3A_285 = arith.addi %mul3A_131, %add3A_284 : i32
          %get3A_286 = arith.index_cast %add3A_285 : i32 to index
          %get3A_287 = arith.constant 16 : index
          %get3A_288 = tpu.vector_load %arg10[%get3A_286, %get3A_287] {strides = array<i32>} : memref<80x64xf32, #tpu.memory_space<vmem>>, vector<1x16xf32>,
          %get3A_289 = vector.shape_cast %get3A_288 : vector<1x16xf32> to vector<16xf32>
          %add3A_290 = arith.constant 1 : i32
          %add3A_291 = arith.addi %mul3A_131, %add3A_290 : i32
          %get3A_292 = arith.index_cast %add3A_291 : i32 to index
          %get3A_293 = arith.constant 16 : index
          %get3A_294 = tpu.vector_load %arg11[%get3A_292, %get3A_293] {strides = array<i32>} : memref<80x64xf32, #tpu.memory_space<vmem>>, vector<1x16xf32>,
          %get3A_295 = vector.shape_cast %get3A_294 : vector<1x16xf32> to vector<16xf32>
          %add3A_296 = arith.addf %get3A_289, %get3A_295 : vector<16xf32>
          %mul3A_297 = arith.mulf %add3A_296, %div3A_258 : vector<16xf32>
          %add3A_298 = arith.addf %mul3A_297, %get3A_9 : vector<16xf32>
          %max3A_299 = arith.constant 0.000000e+00 : f32
          %max3A_300 = vector.broadcast %max3A_299 : f32 to vector<16xf32>
          %max3A_301 = arith.maximumf %add3A_298, %max3A_300 : vector<16xf32>
          %add3A_302 = arith.constant 1 : i32
          %add3A_303 = arith.addi %mul3A_131, %add3A_302 : i32
          %swap3A_304 = arith.index_cast %add3A_303 : i32 to index
          %swap3A_305 = arith.constant 16 : index
          %swap3A_306 = tpu.vector_load %arg14[%swap3A_304, %swap3A_305] {strides = array<i32>} : memref<80x64xf32, #tpu.memory_space<vmem>>, vector<1x16xf32>,
          %swap3A_307 = vector.shape_cast %swap3A_306 : vector<1x16xf32> to vector<16xf32>
          %swap3A_308 = vector.shape_cast %max3A_301 : vector<16xf32> to vector<1x16xf32>
          tpu.vector_store %arg14[%swap3A_304, %swap3A_305], %swap3A_308 {strides = array<i32>} : memref<80x64xf32, #tpu.memory_space<vmem>>, vector<1x16xf32>,
          %add3A_309 = arith.constant 1 : i32
          %add3A_310 = arith.addi %mul3A_131, %add3A_309 : i32
          %get3A_311 = arith.index_cast %add3A_310 : i32 to index
          %get3A_312 = arith.constant 32 : index
          %get3A_313 = tpu.vector_load %arg10[%get3A_311, %get3A_312] {strides = array<i32>} : memref<80x64xf32, #tpu.memory_space<vmem>>, vector<1x16xf32>,
          %get3A_314 = vector.shape_cast %get3A_313 : vector<1x16xf32> to vector<16xf32>
          %add3A_315 = arith.constant 1 : i32
          %add3A_316 = arith.addi %mul3A_131, %add3A_315 : i32
          %get3A_317 = arith.index_cast %add3A_316 : i32 to index
          %get3A_318 = arith.constant 32 : index
          %get3A_319 = tpu.vector_load %arg11[%get3A_317, %get3A_318] {strides = array<i32>} : memref<80x64xf32, #tpu.memory_space<vmem>>, vector<1x16xf32>,
          %get3A_320 = vector.shape_cast %get3A_319 : vector<1x16xf32> to vector<16xf32>
          %add3A_321 = arith.addf %get3A_314, %get3A_320 : vector<16xf32>
          %mul3A_322 = arith.mulf %add3A_321, %div3A_258 : vector<16xf32>
          %add3A_323 = arith.addf %mul3A_322, %get3A_12 : vector<16xf32>
          %max3A_324 = arith.constant 0.000000e+00 : f32
          %max3A_325 = vector.broadcast %max3A_324 : f32 to vector<16xf32>
          %max3A_326 = arith.maximumf %add3A_323, %max3A_325 : vector<16xf32>
          %add3A_327 = arith.constant 1 : i32
          %add3A_328 = arith.addi %mul3A_131, %add3A_327 : i32
          %swap3A_329 = arith.index_cast %add3A_328 : i32 to index
          %swap3A_330 = arith.constant 32 : index
          %swap3A_331 = tpu.vector_load %arg14[%swap3A_329, %swap3A_330] {strides = array<i32>} : memref<80x64xf32, #tpu.memory_space<vmem>>, vector<1x16xf32>,
          %swap3A_332 = vector.shape_cast %swap3A_331 : vector<1x16xf32> to vector<16xf32>
          %swap3A_333 = vector.shape_cast %max3A_326 : vector<16xf32> to vector<1x16xf32>
          tpu.vector_store %arg14[%swap3A_329, %swap3A_330], %swap3A_333 {strides = array<i32>} : memref<80x64xf32, #tpu.memory_space<vmem>>, vector<1x16xf32>,
          %add3A_334 = arith.constant 1 : i32
          %add3A_335 = arith.addi %mul3A_131, %add3A_334 : i32
          %get3A_336 = arith.index_cast %add3A_335 : i32 to index
          %get3A_337 = arith.constant 48 : index
          %get3A_338 = tpu.vector_load %arg10[%get3A_336, %get3A_337] {strides = array<i32>} : memref<80x64xf32, #tpu.memory_space<vmem>>, vector<1x16xf32>,
          %get3A_339 = vector.shape_cast %get3A_338 : vector<1x16xf32> to vector<16xf32>
          %add3A_340 = arith.constant 1 : i32
          %add3A_341 = arith.addi %mul3A_131, %add3A_340 : i32
          %get3A_342 = arith.index_cast %add3A_341 : i32 to index
          %get3A_343 = arith.constant 48 : index
          %get3A_344 = tpu.vector_load %arg11[%get3A_342, %get3A_343] {strides = array<i32>} : memref<80x64xf32, #tpu.memory_space<vmem>>, vector<1x16xf32>,
          %get3A_345 = vector.shape_cast %get3A_344 : vector<1x16xf32> to vector<16xf32>
          %add3A_346 = arith.addf %get3A_339, %get3A_345 : vector<16xf32>
          %mul3A_347 = arith.mulf %add3A_346, %div3A_258 : vector<16xf32>
          %add3A_348 = arith.addf %mul3A_347, %get3A_15 : vector<16xf32>
          %max3A_349 = arith.constant 0.000000e+00 : f32
          %max3A_350 = vector.broadcast %max3A_349 : f32 to vector<16xf32>
          %max3A_351 = arith.maximumf %add3A_348, %max3A_350 : vector<16xf32>
          %add3A_352 = arith.constant 1 : i32
          %add3A_353 = arith.addi %mul3A_131, %add3A_352 : i32
          %swap3A_354 = arith.index_cast %add3A_353 : i32 to index
          %swap3A_355 = arith.constant 48 : index
          %swap3A_356 = tpu.vector_load %arg14[%swap3A_354, %swap3A_355] {strides = array<i32>} : memref<80x64xf32, #tpu.memory_space<vmem>>, vector<1x16xf32>,
          %swap3A_357 = vector.shape_cast %swap3A_356 : vector<1x16xf32> to vector<16xf32>
          %swap3A_358 = vector.shape_cast %max3A_351 : vector<16xf32> to vector<1x16xf32>
          tpu.vector_store %arg14[%swap3A_354, %swap3A_355], %swap3A_358 {strides = array<i32>} : memref<80x64xf32, #tpu.memory_space<vmem>>, vector<1x16xf32>,
        }
        %scan3A_128 = arith.constant 40 : i32
      } else {
      }
      %gt3A = arith.constant 0 : i32
      %gt3A_80 = arith.cmpi sgt, %while3A_60, %gt3A : i32
      %convert_element_type3A_81 = arith.extui %gt3A_80 : i1 to i32
      %cond3A_82 = arith.constant 0 : i32
      %cond3A_83 = arith.cmpi ne, %convert_element_type3A_81, %cond3A_82 : i32
      scf.if %cond3A_83 {
        %dma_wait3A_88 = arith.constant 0 : i32
        %dma_wait3A_89 = arith.constant 0 : i32
        %dma_wait3A_90 = tpu.memref_slice %arg5[%dma_wait3A_88, %dma_wait3A_89] : memref<10000x64xf32, #tpu.memory_space<hbm>> -> memref<80x64xf32, #tpu.memory_space<hbm>>
        %dma_wait3A_91 = arith.constant 0 : i32
        %dma_wait3A_92 = arith.constant 0 : i32
        %dma_wait3A_93 = tpu.memref_slice %arg5[%dma_wait3A_91, %dma_wait3A_92] : memref<10000x64xf32, #tpu.memory_space<hbm>> -> memref<80x64xf32, #tpu.memory_space<hbm>>
        tpu.wait_dma2 semaphore(%arg18 : memref<!tpu.dma_semaphore, #tpu.memory_space<semaphore_mem>>) src(%arg14 : memref<80x64xf32, #tpu.memory_space<vmem>>) dst(%dma_wait3A_93 : memref<80x64xf32, #tpu.memory_space<hbm>>)
      } else {
      }
      %dma_start3A_84 = arith.constant 0 : i32
      %dma_start3A_85 = tpu.memref_slice %arg5[%add3A_63, %dma_start3A_84] : memref<10000x64xf32, #tpu.memory_space<hbm>> -> memref<80x64xf32, #tpu.memory_space<hbm>>
      %dma_start3A_86 = arith.constant 0 : i32
      %dma_start3A_87 = tpu.memref_slice %arg5[%add3A_63, %dma_start3A_86] : memref<10000x64xf32, #tpu.memory_space<hbm>> -> memref<80x64xf32, #tpu.memory_space<hbm>>
      tpu.enqueue_dma source(%arg14 : memref<80x64xf32, #tpu.memory_space<vmem>>) target(%dma_start3A_87 : memref<80x64xf32, #tpu.memory_space<hbm>>) target_semaphore(%arg18 : memref<!tpu.dma_semaphore, #tpu.memory_space<semaphore_mem>>)
    }
    %while3A_54 = arith.constant 1 : i32
    scf.for %while3A_60 = %while3A_52 to %while3A_48 step %while3A_54  : i32 {
      %mul3A_61 = arith.constant 80 : i32
      %mul3A_62 = arith.muli %while3A_60, %mul3A_61 : i32
      %add3A_63 = arith.addi %mul3A_2, %mul3A_62 : i32
      %add3A_64 = arith.constant 1 : i32
      %add3A_65 = arith.addi %while3A_60, %add3A_64 : i32
      %lt3A = arith.cmpi slt, %add3A_65, %select_n3A : i32
      %convert_element_type3A = arith.extui %lt3A : i1 to i32
      %cond3A = arith.constant 0 : i32
      %cond3A_66 = arith.cmpi ne, %convert_element_type3A, %cond3A : i32
      scf.if %cond3A_66 {
        %add3A_88 = arith.constant 1 : i32
        %add3A_89 = arith.addi %while3A_60, %add3A_88 : i32
        %rem3A_90 = arith.constant 2 : i32
        %rem3A_91 = arith.remsi %add3A_89, %rem3A_90 : i32
        %eq3A_92 = arith.constant 0 : i32
        %eq3A_93 = arith.cmpi eq, %rem3A_91, %eq3A_92 : i32
        %convert_element_type3A_94 = arith.extui %eq3A_93 : i1 to i32
        %cond3A_95 = arith.constant 0 : i32
        %cond3A_96 = arith.cmpi ne, %convert_element_type3A_94, %cond3A_95 : i32
        scf.if %cond3A_96 {
          %add3A_106 = arith.constant 1 : i32
          %add3A_107 = arith.addi %while3A_60, %add3A_106 : i32
          %mul3A_108 = arith.constant 80 : i32
          %mul3A_109 = arith.muli %add3A_107, %mul3A_108 : i32
          %add3A_110 = arith.addi %mul3A_2, %mul3A_109 : i32
          %dma_start3A_111 = arith.constant 0 : i32
          %dma_start3A_112 = arith.constant 0 : i32
          %dma_start3A_113 = tpu.memref_slice %arg2[%dma_start3A_111, %add3A_110, %dma_start3A_112] : memref<2x10240x64xf32, #tpu.memory_space<hbm>> -> memref<1x80x64xf32, #tpu.memory_space<hbm>>
          %dma_start3A_114 = tpu.memref_squeeze %dma_start3A_113 : memref<1x80x64xf32, #tpu.memory_space<hbm>> -> memref<80x64xf32, #tpu.memory_space<hbm>>
          %dma_start3A_115 = arith.constant 0 : i32
          %dma_start3A_116 = tpu.memref_slice %arg2[%dma_start3A_111, %add3A_110, %dma_start3A_115] : memref<2x10240x64xf32, #tpu.memory_space<hbm>> -> memref<1x80x64xf32, #tpu.memory_space<hbm>>
          %dma_start3A_117 = tpu.memref_squeeze %dma_start3A_116 : memref<1x80x64xf32, #tpu.memory_space<hbm>> -> memref<80x64xf32, #tpu.memory_space<hbm>>
          tpu.enqueue_dma source(%dma_start3A_117 : memref<80x64xf32, #tpu.memory_space<hbm>>) target(%arg6 : memref<80x64xf32, #tpu.memory_space<vmem>>) target_semaphore(%arg16 : memref<!tpu.dma_semaphore, #tpu.memory_space<semaphore_mem>>)
          %dma_start3A_118 = arith.constant 1 : i32
          %dma_start3A_119 = arith.constant 0 : i32
          %dma_start3A_120 = tpu.memref_slice %arg2[%dma_start3A_118, %add3A_110, %dma_start3A_119] : memref<2x10240x64xf32, #tpu.memory_space<hbm>> -> memref<1x80x64xf32, #tpu.memory_space<hbm>>
          %dma_start3A_121 = tpu.memref_squeeze %dma_start3A_120 : memref<1x80x64xf32, #tpu.memory_space<hbm>> -> memref<80x64xf32, #tpu.memory_space<hbm>>
          %dma_start3A_122 = arith.constant 0 : i32
          %dma_start3A_123 = tpu.memref_slice %arg2[%dma_start3A_118, %add3A_110, %dma_start3A_122] : memref<2x10240x64xf32, #tpu.memory_space<hbm>> -> memref<1x80x64xf32, #tpu.memory_space<hbm>>
          %dma_start3A_124 = tpu.memref_squeeze %dma_start3A_123 : memref<1x80x64xf32, #tpu.memory_space<hbm>> -> memref<80x64xf32, #tpu.memory_space<hbm>>
          tpu.enqueue_dma source(%dma_start3A_124 : memref<80x64xf32, #tpu.memory_space<hbm>>) target(%arg7 : memref<80x64xf32, #tpu.memory_space<vmem>>) target_semaphore(%arg16 : memref<!tpu.dma_semaphore, #tpu.memory_space<semaphore_mem>>)
          %dma_start3A_125 = arith.constant 0 : i32
          %dma_start3A_126 = arith.constant 0 : i32
          %dma_start3A_127 = tpu.memref_slice %arg3[%dma_start3A_125, %add3A_110, %dma_start3A_126] : memref<2x10240x16xf32, #tpu.memory_space<hbm>> -> memref<1x80x16xf32, #tpu.memory_space<hbm>>
          %dma_start3A_128 = tpu.memref_squeeze %dma_start3A_127 : memref<1x80x16xf32, #tpu.memory_space<hbm>> -> memref<80x16xf32, #tpu.memory_space<hbm>>
          %dma_start3A_129 = arith.constant 0 : i32
          %dma_start3A_130 = tpu.memref_slice %arg3[%dma_start3A_125, %add3A_110, %dma_start3A_129] : memref<2x10240x16xf32, #tpu.memory_space<hbm>> -> memref<1x80x16xf32, #tpu.memory_space<hbm>>
          %dma_start3A_131 = tpu.memref_squeeze %dma_start3A_130 : memref<1x80x16xf32, #tpu.memory_space<hbm>> -> memref<80x16xf32, #tpu.memory_space<hbm>>
          tpu.enqueue_dma source(%dma_start3A_131 : memref<80x16xf32, #tpu.memory_space<hbm>>) target(%arg8 : memref<80x16xf32, #tpu.memory_space<vmem>>) target_semaphore(%arg16 : memref<!tpu.dma_semaphore, #tpu.memory_space<semaphore_mem>>)
          %dma_start3A_132 = arith.constant 1 : i32
          %dma_start3A_133 = arith.constant 0 : i32
          %dma_start3A_134 = tpu.memref_slice %arg3[%dma_start3A_132, %add3A_110, %dma_start3A_133] : memref<2x10240x16xf32, #tpu.memory_space<hbm>> -> memref<1x80x16xf32, #tpu.memory_space<hbm>>
          %dma_start3A_135 = tpu.memref_squeeze %dma_start3A_134 : memref<1x80x16xf32, #tpu.memory_space<hbm>> -> memref<80x16xf32, #tpu.memory_space<hbm>>
          %dma_start3A_136 = arith.constant 0 : i32
          %dma_start3A_137 = tpu.memref_slice %arg3[%dma_start3A_132, %add3A_110, %dma_start3A_136] : memref<2x10240x16xf32, #tpu.memory_space<hbm>> -> memref<1x80x16xf32, #tpu.memory_space<hbm>>
          %dma_start3A_138 = tpu.memref_squeeze %dma_start3A_137 : memref<1x80x16xf32, #tpu.memory_space<hbm>> -> memref<80x16xf32, #tpu.memory_space<hbm>>
          tpu.enqueue_dma source(%dma_start3A_138 : memref<80x16xf32, #tpu.memory_space<hbm>>) target(%arg9 : memref<80x16xf32, #tpu.memory_space<vmem>>) target_semaphore(%arg16 : memref<!tpu.dma_semaphore, #tpu.memory_space<semaphore_mem>>)
        } else {
        }
        %add3A_97 = arith.constant 1 : i32
        %add3A_98 = arith.addi %while3A_60, %add3A_97 : i32
        %rem3A_99 = arith.constant 2 : i32
        %rem3A_100 = arith.remsi %add3A_98, %rem3A_99 : i32
        %eq3A_101 = arith.constant 1 : i32
        %eq3A_102 = arith.cmpi eq, %rem3A_100, %eq3A_101 : i32
        %convert_element_type3A_103 = arith.extui %eq3A_102 : i1 to i32
        %cond3A_104 = arith.constant 0 : i32
        %cond3A_105 = arith.cmpi ne, %convert_element_type3A_103, %cond3A_104 : i32
        scf.if %cond3A_105 {
          %add3A_106 = arith.constant 1 : i32
          %add3A_107 = arith.addi %while3A_60, %add3A_106 : i32
          %mul3A_108 = arith.constant 80 : i32
          %mul3A_109 = arith.muli %add3A_107, %mul3A_108 : i32
          %add3A_110 = arith.addi %mul3A_2, %mul3A_109 : i32
          %dma_start3A_111 = arith.constant 0 : i32
          %dma_start3A_112 = arith.constant 0 : i32
          %dma_start3A_113 = tpu.memref_slice %arg2[%dma_start3A_111, %add3A_110, %dma_start3A_112] : memref<2x10240x64xf32, #tpu.memory_space<hbm>> -> memref<1x80x64xf32, #tpu.memory_space<hbm>>
          %dma_start3A_114 = tpu.memref_squeeze %dma_start3A_113 : memref<1x80x64xf32, #tpu.memory_space<hbm>> -> memref<80x64xf32, #tpu.memory_space<hbm>>
          %dma_start3A_115 = arith.constant 0 : i32
          %dma_start3A_116 = tpu.memref_slice %arg2[%dma_start3A_111, %add3A_110, %dma_start3A_115] : memref<2x10240x64xf32, #tpu.memory_space<hbm>> -> memref<1x80x64xf32, #tpu.memory_space<hbm>>
          %dma_start3A_117 = tpu.memref_squeeze %dma_start3A_116 : memref<1x80x64xf32, #tpu.memory_space<hbm>> -> memref<80x64xf32, #tpu.memory_space<hbm>>
          tpu.enqueue_dma source(%dma_start3A_117 : memref<80x64xf32, #tpu.memory_space<hbm>>) target(%arg10 : memref<80x64xf32, #tpu.memory_space<vmem>>) target_semaphore(%arg17 : memref<!tpu.dma_semaphore, #tpu.memory_space<semaphore_mem>>)
          %dma_start3A_118 = arith.constant 1 : i32
          %dma_start3A_119 = arith.constant 0 : i32
          %dma_start3A_120 = tpu.memref_slice %arg2[%dma_start3A_118, %add3A_110, %dma_start3A_119] : memref<2x10240x64xf32, #tpu.memory_space<hbm>> -> memref<1x80x64xf32, #tpu.memory_space<hbm>>
          %dma_start3A_121 = tpu.memref_squeeze %dma_start3A_120 : memref<1x80x64xf32, #tpu.memory_space<hbm>> -> memref<80x64xf32, #tpu.memory_space<hbm>>
          %dma_start3A_122 = arith.constant 0 : i32
          %dma_start3A_123 = tpu.memref_slice %arg2[%dma_start3A_118, %add3A_110, %dma_start3A_122] : memref<2x10240x64xf32, #tpu.memory_space<hbm>> -> memref<1x80x64xf32, #tpu.memory_space<hbm>>
          %dma_start3A_124 = tpu.memref_squeeze %dma_start3A_123 : memref<1x80x64xf32, #tpu.memory_space<hbm>> -> memref<80x64xf32, #tpu.memory_space<hbm>>
          tpu.enqueue_dma source(%dma_start3A_124 : memref<80x64xf32, #tpu.memory_space<hbm>>) target(%arg11 : memref<80x64xf32, #tpu.memory_space<vmem>>) target_semaphore(%arg17 : memref<!tpu.dma_semaphore, #tpu.memory_space<semaphore_mem>>)
          %dma_start3A_125 = arith.constant 0 : i32
          %dma_start3A_126 = arith.constant 0 : i32
          %dma_start3A_127 = tpu.memref_slice %arg3[%dma_start3A_125, %add3A_110, %dma_start3A_126] : memref<2x10240x16xf32, #tpu.memory_space<hbm>> -> memref<1x80x16xf32, #tpu.memory_space<hbm>>
          %dma_start3A_128 = tpu.memref_squeeze %dma_start3A_127 : memref<1x80x16xf32, #tpu.memory_space<hbm>> -> memref<80x16xf32, #tpu.memory_space<hbm>>
          %dma_start3A_129 = arith.constant 0 : i32
          %dma_start3A_130 = tpu.memref_slice %arg3[%dma_start3A_125, %add3A_110, %dma_start3A_129] : memref<2x10240x16xf32, #tpu.memory_space<hbm>> -> memref<1x80x16xf32, #tpu.memory_space<hbm>>
          %dma_start3A_131 = tpu.memref_squeeze %dma_start3A_130 : memref<1x80x16xf32, #tpu.memory_space<hbm>> -> memref<80x16xf32, #tpu.memory_space<hbm>>
          tpu.enqueue_dma source(%dma_start3A_131 : memref<80x16xf32, #tpu.memory_space<hbm>>) target(%arg12 : memref<80x16xf32, #tpu.memory_space<vmem>>) target_semaphore(%arg17 : memref<!tpu.dma_semaphore, #tpu.memory_space<semaphore_mem>>)
          %dma_start3A_132 = arith.constant 1 : i32
          %dma_start3A_133 = arith.constant 0 : i32
          %dma_start3A_134 = tpu.memref_slice %arg3[%dma_start3A_132, %add3A_110, %dma_start3A_133] : memref<2x10240x16xf32, #tpu.memory_space<hbm>> -> memref<1x80x16xf32, #tpu.memory_space<hbm>>
          %dma_start3A_135 = tpu.memref_squeeze %dma_start3A_134 : memref<1x80x16xf32, #tpu.memory_space<hbm>> -> memref<80x16xf32, #tpu.memory_space<hbm>>
          %dma_start3A_136 = arith.constant 0 : i32
          %dma_start3A_137 = tpu.memref_slice %arg3[%dma_start3A_132, %add3A_110, %dma_start3A_136] : memref<2x10240x16xf32, #tpu.memory_space<hbm>> -> memref<1x80x16xf32, #tpu.memory_space<hbm>>
          %dma_start3A_138 = tpu.memref_squeeze %dma_start3A_137 : memref<1x80x16xf32, #tpu.memory_space<hbm>> -> memref<80x16xf32, #tpu.memory_space<hbm>>
          tpu.enqueue_dma source(%dma_start3A_138 : memref<80x16xf32, #tpu.memory_space<hbm>>) target(%arg13 : memref<80x16xf32, #tpu.memory_space<vmem>>) target_semaphore(%arg17 : memref<!tpu.dma_semaphore, #tpu.memory_space<semaphore_mem>>)
        } else {
        }
      } else {
      }
      %rem3A = arith.constant 2 : i32
      %rem3A_67 = arith.remsi %while3A_60, %rem3A : i32
      %eq3A_68 = arith.constant 0 : i32
      %eq3A_69 = arith.cmpi eq, %rem3A_67, %eq3A_68 : i32
      %convert_element_type3A_70 = arith.extui %eq3A_69 : i1 to i32
      %cond3A_71 = arith.constant 0 : i32
      %cond3A_72 = arith.cmpi ne, %convert_element_type3A_70, %cond3A_71 : i32
      scf.if %cond3A_72 {
        %dma_wait3A_88 = arith.constant 0 : i32
        %dma_wait3A_89 = arith.constant 0 : i32
        %dma_wait3A_90 = arith.constant 0 : i32
        %dma_wait3A_91 = tpu.memref_slice %arg2[%dma_wait3A_88, %dma_wait3A_89, %dma_wait3A_90] : memref<2x10240x64xf32, #tpu.memory_space<hbm>> -> memref<1x80x64xf32, #tpu.memory_space<hbm>>
        %dma_wait3A_92 = tpu.memref_squeeze %dma_wait3A_91 : memref<1x80x64xf32, #tpu.memory_space<hbm>> -> memref<80x64xf32, #tpu.memory_space<hbm>>
        %dma_wait3A_93 = arith.constant 0 : i32
        %dma_wait3A_94 = arith.constant 0 : i32
        %dma_wait3A_95 = tpu.memref_slice %arg2[%dma_wait3A_88, %dma_wait3A_93, %dma_wait3A_94] : memref<2x10240x64xf32, #tpu.memory_space<hbm>> -> memref<1x80x64xf32, #tpu.memory_space<hbm>>
        %dma_wait3A_96 = tpu.memref_squeeze %dma_wait3A_95 : memref<1x80x64xf32, #tpu.memory_space<hbm>> -> memref<80x64xf32, #tpu.memory_space<hbm>>
        tpu.wait_dma2 semaphore(%arg16 : memref<!tpu.dma_semaphore, #tpu.memory_space<semaphore_mem>>) src(%dma_wait3A_96 : memref<80x64xf32, #tpu.memory_space<hbm>>) dst(%arg6 : memref<80x64xf32, #tpu.memory_space<vmem>>)
        %dma_wait3A_97 = arith.constant 0 : i32
        %dma_wait3A_98 = arith.constant 0 : i32
        %dma_wait3A_99 = arith.constant 0 : i32
        %dma_wait3A_100 = tpu.memref_slice %arg2[%dma_wait3A_97, %dma_wait3A_98, %dma_wait3A_99] : memref<2x10240x64xf32, #tpu.memory_space<hbm>> -> memref<1x80x64xf32, #tpu.memory_space<hbm>>
        %dma_wait3A_101 = tpu.memref_squeeze %dma_wait3A_100 : memref<1x80x64xf32, #tpu.memory_space<hbm>> -> memref<80x64xf32, #tpu.memory_space<hbm>>
        %dma_wait3A_102 = arith.constant 0 : i32
        %dma_wait3A_103 = arith.constant 0 : i32
        %dma_wait3A_104 = tpu.memref_slice %arg2[%dma_wait3A_97, %dma_wait3A_102, %dma_wait3A_103] : memref<2x10240x64xf32, #tpu.memory_space<hbm>> -> memref<1x80x64xf32, #tpu.memory_space<hbm>>
        %dma_wait3A_105 = tpu.memref_squeeze %dma_wait3A_104 : memref<1x80x64xf32, #tpu.memory_space<hbm>> -> memref<80x64xf32, #tpu.memory_space<hbm>>
        tpu.wait_dma2 semaphore(%arg16 : memref<!tpu.dma_semaphore, #tpu.memory_space<semaphore_mem>>) src(%dma_wait3A_105 : memref<80x64xf32, #tpu.memory_space<hbm>>) dst(%arg7 : memref<80x64xf32, #tpu.memory_space<vmem>>)
        %dma_wait3A_106 = arith.constant 0 : i32
        %dma_wait3A_107 = arith.constant 0 : i32
        %dma_wait3A_108 = arith.constant 0 : i32
        %dma_wait3A_109 = tpu.memref_slice %arg3[%dma_wait3A_106, %dma_wait3A_107, %dma_wait3A_108] : memref<2x10240x16xf32, #tpu.memory_space<hbm>> -> memref<1x80x16xf32, #tpu.memory_space<hbm>>
        %dma_wait3A_110 = tpu.memref_squeeze %dma_wait3A_109 : memref<1x80x16xf32, #tpu.memory_space<hbm>> -> memref<80x16xf32, #tpu.memory_space<hbm>>
        %dma_wait3A_111 = arith.constant 0 : i32
        %dma_wait3A_112 = arith.constant 0 : i32
        %dma_wait3A_113 = tpu.memref_slice %arg3[%dma_wait3A_106, %dma_wait3A_111, %dma_wait3A_112] : memref<2x10240x16xf32, #tpu.memory_space<hbm>> -> memref<1x80x16xf32, #tpu.memory_space<hbm>>
        %dma_wait3A_114 = tpu.memref_squeeze %dma_wait3A_113 : memref<1x80x16xf32, #tpu.memory_space<hbm>> -> memref<80x16xf32, #tpu.memory_space<hbm>>
        tpu.wait_dma2 semaphore(%arg16 : memref<!tpu.dma_semaphore, #tpu.memory_space<semaphore_mem>>) src(%dma_wait3A_114 : memref<80x16xf32, #tpu.memory_space<hbm>>) dst(%arg8 : memref<80x16xf32, #tpu.memory_space<vmem>>)
        %dma_wait3A_115 = arith.constant 0 : i32
        %dma_wait3A_116 = arith.constant 0 : i32
        %dma_wait3A_117 = arith.constant 0 : i32
        %dma_wait3A_118 = tpu.memref_slice %arg3[%dma_wait3A_115, %dma_wait3A_116, %dma_wait3A_117] : memref<2x10240x16xf32, #tpu.memory_space<hbm>> -> memref<1x80x16xf32, #tpu.memory_space<hbm>>
        %dma_wait3A_119 = tpu.memref_squeeze %dma_wait3A_118 : memref<1x80x16xf32, #tpu.memory_space<hbm>> -> memref<80x16xf32, #tpu.memory_space<hbm>>
        %dma_wait3A_120 = arith.constant 0 : i32
        %dma_wait3A_121 = arith.constant 0 : i32
        %dma_wait3A_122 = tpu.memref_slice %arg3[%dma_wait3A_115, %dma_wait3A_120, %dma_wait3A_121] : memref<2x10240x16xf32, #tpu.memory_space<hbm>> -> memref<1x80x16xf32, #tpu.memory_space<hbm>>
        %dma_wait3A_123 = tpu.memref_squeeze %dma_wait3A_122 : memref<1x80x16xf32, #tpu.memory_space<hbm>> -> memref<80x16xf32, #tpu.memory_space<hbm>>
        tpu.wait_dma2 semaphore(%arg16 : memref<!tpu.dma_semaphore, #tpu.memory_space<semaphore_mem>>) src(%dma_wait3A_123 : memref<80x16xf32, #tpu.memory_space<hbm>>) dst(%arg9 : memref<80x16xf32, #tpu.memory_space<vmem>>)
        %scan3A = arith.constant 0 : i32
        %scan3A_124 = arith.constant 0 : i32
        %scan3A_125 = arith.constant 40 : i32
        %scan3A_126 = arith.addi %scan3A_124, %scan3A_125 : i32
        %scan3A_127 = arith.constant 1 : i32
        scf.for %scan3A_129 = %scan3A_124 to %scan3A_126 step %scan3A_127  : i32 {
          %mul3A_130 = arith.constant 2 : i32
          %mul3A_131 = arith.muli %scan3A_129, %mul3A_130 : i32
          %add3A_132 = arith.constant 0 : i32
          %add3A_133 = arith.addi %mul3A_131, %add3A_132 : i32
          %get3A_134 = arith.index_cast %add3A_133 : i32 to index
          %get3A_135 = arith.constant 0 : index
          %get3A_136 = tpu.vector_load %arg8[%get3A_134, %get3A_135] {strides = array<i32>} : memref<80x16xf32, #tpu.memory_space<vmem>>, vector<1x16xf32>,
          %get3A_137 = vector.shape_cast %get3A_136 : vector<1x16xf32> to vector<16xf32>
          %add3A_138 = arith.constant 0 : i32
          %add3A_139 = arith.addi %mul3A_131, %add3A_138 : i32
          %get3A_140 = arith.index_cast %add3A_139 : i32 to index
          %get3A_141 = arith.constant 0 : index
          %get3A_142 = tpu.vector_load %arg9[%get3A_140, %get3A_141] {strides = array<i32>} : memref<80x16xf32, #tpu.memory_space<vmem>>, vector<1x16xf32>,
          %get3A_143 = vector.shape_cast %get3A_142 : vector<1x16xf32> to vector<16xf32>
          %add3A_144 = arith.addf %get3A_137, %get3A_143 : vector<16xf32>
          %max3A = arith.maximumf %add3A_144, %broadcast_in_dim3A_16 : vector<16xf32>
          %div3A = arith.divf %broadcast_in_dim3A_16, %max3A : vector<16xf32>
          %add3A_145 = arith.constant 0 : i32
          %add3A_146 = arith.addi %mul3A_131, %add3A_145 : i32
          %get3A_147 = arith.index_cast %add3A_146 : i32 to index
          %get3A_148 = arith.constant 0 : index
          %get3A_149 = tpu.vector_load %arg6[%get3A_147, %get3A_148] {strides = array<i32>} : memref<80x64xf32, #tpu.memory_space<vmem>>, vector<1x16xf32>,
          %get3A_150 = vector.shape_cast %get3A_149 : vector<1x16xf32> to vector<16xf32>
          %add3A_151 = arith.constant 0 : i32
          %add3A_152 = arith.addi %mul3A_131, %add3A_151 : i32
          %get3A_153 = arith.index_cast %add3A_152 : i32 to index
          %get3A_154 = arith.constant 0 : index
          %get3A_155 = tpu.vector_load %arg7[%get3A_153, %get3A_154] {strides = array<i32>} : memref<80x64xf32, #tpu.memory_space<vmem>>, vector<1x16xf32>,
          %get3A_156 = vector.shape_cast %get3A_155 : vector<1x16xf32> to vector<16xf32>
          %add3A_157 = arith.addf %get3A_150, %get3A_156 : vector<16xf32>
          %mul3A_158 = arith.mulf %add3A_157, %div3A : vector<16xf32>
          %add3A_159 = arith.addf %mul3A_158, %get3A_6 : vector<16xf32>
          %max3A_160 = arith.constant 0.000000e+00 : f32
          %max3A_161 = vector.broadcast %max3A_160 : f32 to vector<16xf32>
          %max3A_162 = arith.maximumf %add3A_159, %max3A_161 : vector<16xf32>
          %add3A_163 = arith.constant 0 : i32
          %add3A_164 = arith.addi %mul3A_131, %add3A_163 : i32
          %swap3A = arith.index_cast %add3A_164 : i32 to index
          %swap3A_165 = arith.constant 0 : index
          %swap3A_166 = tpu.vector_load %arg14[%swap3A, %swap3A_165] {strides = array<i32>} : memref<80x64xf32, #tpu.memory_space<vmem>>, vector<1x16xf32>,
          %swap3A_167 = vector.shape_cast %swap3A_166 : vector<1x16xf32> to vector<16xf32>
          %swap3A_168 = vector.shape_cast %max3A_162 : vector<16xf32> to vector<1x16xf32>
          tpu.vector_store %arg14[%swap3A, %swap3A_165], %swap3A_168 {strides = array<i32>} : memref<80x64xf32, #tpu.memory_space<vmem>>, vector<1x16xf32>,
          %add3A_169 = arith.constant 0 : i32
          %add3A_170 = arith.addi %mul3A_131, %add3A_169 : i32
          %get3A_171 = arith.index_cast %add3A_170 : i32 to index
          %get3A_172 = arith.constant 16 : index
          %get3A_173 = tpu.vector_load %arg6[%get3A_171, %get3A_172] {strides = array<i32>} : memref<80x64xf32, #tpu.memory_space<vmem>>, vector<1x16xf32>,
          %get3A_174 = vector.shape_cast %get3A_173 : vector<1x16xf32> to vector<16xf32>
          %add3A_175 = arith.constant 0 : i32
          %add3A_176 = arith.addi %mul3A_131, %add3A_175 : i32
          %get3A_177 = arith.index_cast %add3A_176 : i32 to index
          %get3A_178 = arith.constant 16 : index
          %get3A_179 = tpu.vector_load %arg7[%get3A_177, %get3A_178] {strides = array<i32>} : memref<80x64xf32, #tpu.memory_space<vmem>>, vector<1x16xf32>,
          %get3A_180 = vector.shape_cast %get3A_179 : vector<1x16xf32> to vector<16xf32>
          %add3A_181 = arith.addf %get3A_174, %get3A_180 : vector<16xf32>
          %mul3A_182 = arith.mulf %add3A_181, %div3A : vector<16xf32>
          %add3A_183 = arith.addf %mul3A_182, %get3A_9 : vector<16xf32>
          %max3A_184 = arith.constant 0.000000e+00 : f32
          %max3A_185 = vector.broadcast %max3A_184 : f32 to vector<16xf32>
          %max3A_186 = arith.maximumf %add3A_183, %max3A_185 : vector<16xf32>
          %add3A_187 = arith.constant 0 : i32
          %add3A_188 = arith.addi %mul3A_131, %add3A_187 : i32
          %swap3A_189 = arith.index_cast %add3A_188 : i32 to index
          %swap3A_190 = arith.constant 16 : index
          %swap3A_191 = tpu.vector_load %arg14[%swap3A_189, %swap3A_190] {strides = array<i32>} : memref<80x64xf32, #tpu.memory_space<vmem>>, vector<1x16xf32>,
          %swap3A_192 = vector.shape_cast %swap3A_191 : vector<1x16xf32> to vector<16xf32>
          %swap3A_193 = vector.shape_cast %max3A_186 : vector<16xf32> to vector<1x16xf32>
          tpu.vector_store %arg14[%swap3A_189, %swap3A_190], %swap3A_193 {strides = array<i32>} : memref<80x64xf32, #tpu.memory_space<vmem>>, vector<1x16xf32>,
          %add3A_194 = arith.constant 0 : i32
          %add3A_195 = arith.addi %mul3A_131, %add3A_194 : i32
          %get3A_196 = arith.index_cast %add3A_195 : i32 to index
          %get3A_197 = arith.constant 32 : index
          %get3A_198 = tpu.vector_load %arg6[%get3A_196, %get3A_197] {strides = array<i32>} : memref<80x64xf32, #tpu.memory_space<vmem>>, vector<1x16xf32>,
          %get3A_199 = vector.shape_cast %get3A_198 : vector<1x16xf32> to vector<16xf32>
          %add3A_200 = arith.constant 0 : i32
          %add3A_201 = arith.addi %mul3A_131, %add3A_200 : i32
          %get3A_202 = arith.index_cast %add3A_201 : i32 to index
          %get3A_203 = arith.constant 32 : index
          %get3A_204 = tpu.vector_load %arg7[%get3A_202, %get3A_203] {strides = array<i32>} : memref<80x64xf32, #tpu.memory_space<vmem>>, vector<1x16xf32>,
          %get3A_205 = vector.shape_cast %get3A_204 : vector<1x16xf32> to vector<16xf32>
          %add3A_206 = arith.addf %get3A_199, %get3A_205 : vector<16xf32>
          %mul3A_207 = arith.mulf %add3A_206, %div3A : vector<16xf32>
          %add3A_208 = arith.addf %mul3A_207, %get3A_12 : vector<16xf32>
          %max3A_209 = arith.constant 0.000000e+00 : f32
          %max3A_210 = vector.broadcast %max3A_209 : f32 to vector<16xf32>
          %max3A_211 = arith.maximumf %add3A_208, %max3A_210 : vector<16xf32>
          %add3A_212 = arith.constant 0 : i32
          %add3A_213 = arith.addi %mul3A_131, %add3A_212 : i32
          %swap3A_214 = arith.index_cast %add3A_213 : i32 to index
          %swap3A_215 = arith.constant 32 : index
          %swap3A_216 = tpu.vector_load %arg14[%swap3A_214, %swap3A_215] {strides = array<i32>} : memref<80x64xf32, #tpu.memory_space<vmem>>, vector<1x16xf32>,
          %swap3A_217 = vector.shape_cast %swap3A_216 : vector<1x16xf32> to vector<16xf32>
          %swap3A_218 = vector.shape_cast %max3A_211 : vector<16xf32> to vector<1x16xf32>
          tpu.vector_store %arg14[%swap3A_214, %swap3A_215], %swap3A_218 {strides = array<i32>} : memref<80x64xf32, #tpu.memory_space<vmem>>, vector<1x16xf32>,
          %add3A_219 = arith.constant 0 : i32
          %add3A_220 = arith.addi %mul3A_131, %add3A_219 : i32
          %get3A_221 = arith.index_cast %add3A_220 : i32 to index
          %get3A_222 = arith.constant 48 : index
          %get3A_223 = tpu.vector_load %arg6[%get3A_221, %get3A_222] {strides = array<i32>} : memref<80x64xf32, #tpu.memory_space<vmem>>, vector<1x16xf32>,
          %get3A_224 = vector.shape_cast %get3A_223 : vector<1x16xf32> to vector<16xf32>
          %add3A_225 = arith.constant 0 : i32
          %add3A_226 = arith.addi %mul3A_131, %add3A_225 : i32
          %get3A_227 = arith.index_cast %add3A_226 : i32 to index
          %get3A_228 = arith.constant 48 : index
          %get3A_229 = tpu.vector_load %arg7[%get3A_227, %get3A_228] {strides = array<i32>} : memref<80x64xf32, #tpu.memory_space<vmem>>, vector<1x16xf32>,
          %get3A_230 = vector.shape_cast %get3A_229 : vector<1x16xf32> to vector<16xf32>
          %add3A_231 = arith.addf %get3A_224, %get3A_230 : vector<16xf32>
          %mul3A_232 = arith.mulf %add3A_231, %div3A : vector<16xf32>
          %add3A_233 = arith.addf %mul3A_232, %get3A_15 : vector<16xf32>
          %max3A_234 = arith.constant 0.000000e+00 : f32
          %max3A_235 = vector.broadcast %max3A_234 : f32 to vector<16xf32>
          %max3A_236 = arith.maximumf %add3A_233, %max3A_235 : vector<16xf32>
          %add3A_237 = arith.constant 0 : i32
          %add3A_238 = arith.addi %mul3A_131, %add3A_237 : i32
          %swap3A_239 = arith.index_cast %add3A_238 : i32 to index
          %swap3A_240 = arith.constant 48 : index
          %swap3A_241 = tpu.vector_load %arg14[%swap3A_239, %swap3A_240] {strides = array<i32>} : memref<80x64xf32, #tpu.memory_space<vmem>>, vector<1x16xf32>,
          %swap3A_242 = vector.shape_cast %swap3A_241 : vector<1x16xf32> to vector<16xf32>
          %swap3A_243 = vector.shape_cast %max3A_236 : vector<16xf32> to vector<1x16xf32>
          tpu.vector_store %arg14[%swap3A_239, %swap3A_240], %swap3A_243 {strides = array<i32>} : memref<80x64xf32, #tpu.memory_space<vmem>>, vector<1x16xf32>,
          %add3A_244 = arith.constant 1 : i32
          %add3A_245 = arith.addi %mul3A_131, %add3A_244 : i32
          %get3A_246 = arith.index_cast %add3A_245 : i32 to index
          %get3A_247 = arith.constant 0 : index
          %get3A_248 = tpu.vector_load %arg8[%get3A_246, %get3A_247] {strides = array<i32>} : memref<80x16xf32, #tpu.memory_space<vmem>>, vector<1x16xf32>,
          %get3A_249 = vector.shape_cast %get3A_248 : vector<1x16xf32> to vector<16xf32>
          %add3A_250 = arith.constant 1 : i32
          %add3A_251 = arith.addi %mul3A_131, %add3A_250 : i32
          %get3A_252 = arith.index_cast %add3A_251 : i32 to index
          %get3A_253 = arith.constant 0 : index
          %get3A_254 = tpu.vector_load %arg9[%get3A_252, %get3A_253] {strides = array<i32>} : memref<80x16xf32, #tpu.memory_space<vmem>>, vector<1x16xf32>,
          %get3A_255 = vector.shape_cast %get3A_254 : vector<1x16xf32> to vector<16xf32>
          %add3A_256 = arith.addf %get3A_249, %get3A_255 : vector<16xf32>
          %max3A_257 = arith.maximumf %add3A_256, %broadcast_in_dim3A_16 : vector<16xf32>
          %div3A_258 = arith.divf %broadcast_in_dim3A_16, %max3A_257 : vector<16xf32>
          %add3A_259 = arith.constant 1 : i32
          %add3A_260 = arith.addi %mul3A_131, %add3A_259 : i32
          %get3A_261 = arith.index_cast %add3A_260 : i32 to index
          %get3A_262 = arith.constant 0 : index
          %get3A_263 = tpu.vector_load %arg6[%get3A_261, %get3A_262] {strides = array<i32>} : memref<80x64xf32, #tpu.memory_space<vmem>>, vector<1x16xf32>,
          %get3A_264 = vector.shape_cast %get3A_263 : vector<1x16xf32> to vector<16xf32>
          %add3A_265 = arith.constant 1 : i32
          %add3A_266 = arith.addi %mul3A_131, %add3A_265 : i32
          %get3A_267 = arith.index_cast %add3A_266 : i32 to index
          %get3A_268 = arith.constant 0 : index
          %get3A_269 = tpu.vector_load %arg7[%get3A_267, %get3A_268] {strides = array<i32>} : memref<80x64xf32, #tpu.memory_space<vmem>>, vector<1x16xf32>,
          %get3A_270 = vector.shape_cast %get3A_269 : vector<1x16xf32> to vector<16xf32>
          %add3A_271 = arith.addf %get3A_264, %get3A_270 : vector<16xf32>
          %mul3A_272 = arith.mulf %add3A_271, %div3A_258 : vector<16xf32>
          %add3A_273 = arith.addf %mul3A_272, %get3A_6 : vector<16xf32>
          %max3A_274 = arith.constant 0.000000e+00 : f32
          %max3A_275 = vector.broadcast %max3A_274 : f32 to vector<16xf32>
          %max3A_276 = arith.maximumf %add3A_273, %max3A_275 : vector<16xf32>
          %add3A_277 = arith.constant 1 : i32
          %add3A_278 = arith.addi %mul3A_131, %add3A_277 : i32
          %swap3A_279 = arith.index_cast %add3A_278 : i32 to index
          %swap3A_280 = arith.constant 0 : index
          %swap3A_281 = tpu.vector_load %arg14[%swap3A_279, %swap3A_280] {strides = array<i32>} : memref<80x64xf32, #tpu.memory_space<vmem>>, vector<1x16xf32>,
          %swap3A_282 = vector.shape_cast %swap3A_281 : vector<1x16xf32> to vector<16xf32>
          %swap3A_283 = vector.shape_cast %max3A_276 : vector<16xf32> to vector<1x16xf32>
          tpu.vector_store %arg14[%swap3A_279, %swap3A_280], %swap3A_283 {strides = array<i32>} : memref<80x64xf32, #tpu.memory_space<vmem>>, vector<1x16xf32>,
          %add3A_284 = arith.constant 1 : i32
          %add3A_285 = arith.addi %mul3A_131, %add3A_284 : i32
          %get3A_286 = arith.index_cast %add3A_285 : i32 to index
          %get3A_287 = arith.constant 16 : index
          %get3A_288 = tpu.vector_load %arg6[%get3A_286, %get3A_287] {strides = array<i32>} : memref<80x64xf32, #tpu.memory_space<vmem>>, vector<1x16xf32>,
          %get3A_289 = vector.shape_cast %get3A_288 : vector<1x16xf32> to vector<16xf32>
          %add3A_290 = arith.constant 1 : i32
          %add3A_291 = arith.addi %mul3A_131, %add3A_290 : i32
          %get3A_292 = arith.index_cast %add3A_291 : i32 to index
          %get3A_293 = arith.constant 16 : index
          %get3A_294 = tpu.vector_load %arg7[%get3A_292, %get3A_293] {strides = array<i32>} : memref<80x64xf32, #tpu.memory_space<vmem>>, vector<1x16xf32>,
          %get3A_295 = vector.shape_cast %get3A_294 : vector<1x16xf32> to vector<16xf32>
          %add3A_296 = arith.addf %get3A_289, %get3A_295 : vector<16xf32>
          %mul3A_297 = arith.mulf %add3A_296, %div3A_258 : vector<16xf32>
          %add3A_298 = arith.addf %mul3A_297, %get3A_9 : vector<16xf32>
          %max3A_299 = arith.constant 0.000000e+00 : f32
          %max3A_300 = vector.broadcast %max3A_299 : f32 to vector<16xf32>
          %max3A_301 = arith.maximumf %add3A_298, %max3A_300 : vector<16xf32>
          %add3A_302 = arith.constant 1 : i32
          %add3A_303 = arith.addi %mul3A_131, %add3A_302 : i32
          %swap3A_304 = arith.index_cast %add3A_303 : i32 to index
          %swap3A_305 = arith.constant 16 : index
          %swap3A_306 = tpu.vector_load %arg14[%swap3A_304, %swap3A_305] {strides = array<i32>} : memref<80x64xf32, #tpu.memory_space<vmem>>, vector<1x16xf32>,
          %swap3A_307 = vector.shape_cast %swap3A_306 : vector<1x16xf32> to vector<16xf32>
          %swap3A_308 = vector.shape_cast %max3A_301 : vector<16xf32> to vector<1x16xf32>
          tpu.vector_store %arg14[%swap3A_304, %swap3A_305], %swap3A_308 {strides = array<i32>} : memref<80x64xf32, #tpu.memory_space<vmem>>, vector<1x16xf32>,
          %add3A_309 = arith.constant 1 : i32
          %add3A_310 = arith.addi %mul3A_131, %add3A_309 : i32
          %get3A_311 = arith.index_cast %add3A_310 : i32 to index
          %get3A_312 = arith.constant 32 : index
          %get3A_313 = tpu.vector_load %arg6[%get3A_311, %get3A_312] {strides = array<i32>} : memref<80x64xf32, #tpu.memory_space<vmem>>, vector<1x16xf32>,
          %get3A_314 = vector.shape_cast %get3A_313 : vector<1x16xf32> to vector<16xf32>
          %add3A_315 = arith.constant 1 : i32
          %add3A_316 = arith.addi %mul3A_131, %add3A_315 : i32
          %get3A_317 = arith.index_cast %add3A_316 : i32 to index
          %get3A_318 = arith.constant 32 : index
          %get3A_319 = tpu.vector_load %arg7[%get3A_317, %get3A_318] {strides = array<i32>} : memref<80x64xf32, #tpu.memory_space<vmem>>, vector<1x16xf32>,
          %get3A_320 = vector.shape_cast %get3A_319 : vector<1x16xf32> to vector<16xf32>
          %add3A_321 = arith.addf %get3A_314, %get3A_320 : vector<16xf32>
          %mul3A_322 = arith.mulf %add3A_321, %div3A_258 : vector<16xf32>
          %add3A_323 = arith.addf %mul3A_322, %get3A_12 : vector<16xf32>
          %max3A_324 = arith.constant 0.000000e+00 : f32
          %max3A_325 = vector.broadcast %max3A_324 : f32 to vector<16xf32>
          %max3A_326 = arith.maximumf %add3A_323, %max3A_325 : vector<16xf32>
          %add3A_327 = arith.constant 1 : i32
          %add3A_328 = arith.addi %mul3A_131, %add3A_327 : i32
          %swap3A_329 = arith.index_cast %add3A_328 : i32 to index
          %swap3A_330 = arith.constant 32 : index
          %swap3A_331 = tpu.vector_load %arg14[%swap3A_329, %swap3A_330] {strides = array<i32>} : memref<80x64xf32, #tpu.memory_space<vmem>>, vector<1x16xf32>,
          %swap3A_332 = vector.shape_cast %swap3A_331 : vector<1x16xf32> to vector<16xf32>
          %swap3A_333 = vector.shape_cast %max3A_326 : vector<16xf32> to vector<1x16xf32>
          tpu.vector_store %arg14[%swap3A_329, %swap3A_330], %swap3A_333 {strides = array<i32>} : memref<80x64xf32, #tpu.memory_space<vmem>>, vector<1x16xf32>,
          %add3A_334 = arith.constant 1 : i32
          %add3A_335 = arith.addi %mul3A_131, %add3A_334 : i32
          %get3A_336 = arith.index_cast %add3A_335 : i32 to index
          %get3A_337 = arith.constant 48 : index
          %get3A_338 = tpu.vector_load %arg6[%get3A_336, %get3A_337] {strides = array<i32>} : memref<80x64xf32, #tpu.memory_space<vmem>>, vector<1x16xf32>,
          %get3A_339 = vector.shape_cast %get3A_338 : vector<1x16xf32> to vector<16xf32>
          %add3A_340 = arith.constant 1 : i32
          %add3A_341 = arith.addi %mul3A_131, %add3A_340 : i32
          %get3A_342 = arith.index_cast %add3A_341 : i32 to index
          %get3A_343 = arith.constant 48 : index
          %get3A_344 = tpu.vector_load %arg7[%get3A_342, %get3A_343] {strides = array<i32>} : memref<80x64xf32, #tpu.memory_space<vmem>>, vector<1x16xf32>,
          %get3A_345 = vector.shape_cast %get3A_344 : vector<1x16xf32> to vector<16xf32>
          %add3A_346 = arith.addf %get3A_339, %get3A_345 : vector<16xf32>
          %mul3A_347 = arith.mulf %add3A_346, %div3A_258 : vector<16xf32>
          %add3A_348 = arith.addf %mul3A_347, %get3A_15 : vector<16xf32>
          %max3A_349 = arith.constant 0.000000e+00 : f32
          %max3A_350 = vector.broadcast %max3A_349 : f32 to vector<16xf32>
          %max3A_351 = arith.maximumf %add3A_348, %max3A_350 : vector<16xf32>
          %add3A_352 = arith.constant 1 : i32
          %add3A_353 = arith.addi %mul3A_131, %add3A_352 : i32
          %swap3A_354 = arith.index_cast %add3A_353 : i32 to index
          %swap3A_355 = arith.constant 48 : index
          %swap3A_356 = tpu.vector_load %arg14[%swap3A_354, %swap3A_355] {strides = array<i32>} : memref<80x64xf32, #tpu.memory_space<vmem>>, vector<1x16xf32>,
          %swap3A_357 = vector.shape_cast %swap3A_356 : vector<1x16xf32> to vector<16xf32>
          %swap3A_358 = vector.shape_cast %max3A_351 : vector<16xf32> to vector<1x16xf32>
          tpu.vector_store %arg14[%swap3A_354, %swap3A_355], %swap3A_358 {strides = array<i32>} : memref<80x64xf32, #tpu.memory_space<vmem>>, vector<1x16xf32>,
        }
        %scan3A_128 = arith.constant 40 : i32
      } else {
      }
      %rem3A_73 = arith.constant 2 : i32
      %rem3A_74 = arith.remsi %while3A_60, %rem3A_73 : i32
      %eq3A_75 = arith.constant 1 : i32
      %eq3A_76 = arith.cmpi eq, %rem3A_74, %eq3A_75 : i32
      %convert_element_type3A_77 = arith.extui %eq3A_76 : i1 to i32
      %cond3A_78 = arith.constant 0 : i32
      %cond3A_79 = arith.cmpi ne, %convert_element_type3A_77, %cond3A_78 : i32
      scf.if %cond3A_79 {
        %dma_wait3A_88 = arith.constant 0 : i32
        %dma_wait3A_89 = arith.constant 0 : i32
        %dma_wait3A_90 = arith.constant 0 : i32
        %dma_wait3A_91 = tpu.memref_slice %arg2[%dma_wait3A_88, %dma_wait3A_89, %dma_wait3A_90] : memref<2x10240x64xf32, #tpu.memory_space<hbm>> -> memref<1x80x64xf32, #tpu.memory_space<hbm>>
        %dma_wait3A_92 = tpu.memref_squeeze %dma_wait3A_91 : memref<1x80x64xf32, #tpu.memory_space<hbm>> -> memref<80x64xf32, #tpu.memory_space<hbm>>
        %dma_wait3A_93 = arith.constant 0 : i32
        %dma_wait3A_94 = arith.constant 0 : i32
        %dma_wait3A_95 = tpu.memref_slice %arg2[%dma_wait3A_88, %dma_wait3A_93, %dma_wait3A_94] : memref<2x10240x64xf32, #tpu.memory_space<hbm>> -> memref<1x80x64xf32, #tpu.memory_space<hbm>>
        %dma_wait3A_96 = tpu.memref_squeeze %dma_wait3A_95 : memref<1x80x64xf32, #tpu.memory_space<hbm>> -> memref<80x64xf32, #tpu.memory_space<hbm>>
        tpu.wait_dma2 semaphore(%arg17 : memref<!tpu.dma_semaphore, #tpu.memory_space<semaphore_mem>>) src(%dma_wait3A_96 : memref<80x64xf32, #tpu.memory_space<hbm>>) dst(%arg10 : memref<80x64xf32, #tpu.memory_space<vmem>>)
        %dma_wait3A_97 = arith.constant 0 : i32
        %dma_wait3A_98 = arith.constant 0 : i32
        %dma_wait3A_99 = arith.constant 0 : i32
        %dma_wait3A_100 = tpu.memref_slice %arg2[%dma_wait3A_97, %dma_wait3A_98, %dma_wait3A_99] : memref<2x10240x64xf32, #tpu.memory_space<hbm>> -> memref<1x80x64xf32, #tpu.memory_space<hbm>>
        %dma_wait3A_101 = tpu.memref_squeeze %dma_wait3A_100 : memref<1x80x64xf32, #tpu.memory_space<hbm>> -> memref<80x64xf32, #tpu.memory_space<hbm>>
        %dma_wait3A_102 = arith.constant 0 : i32
        %dma_wait3A_103 = arith.constant 0 : i32
        %dma_wait3A_104 = tpu.memref_slice %arg2[%dma_wait3A_97, %dma_wait3A_102, %dma_wait3A_103] : memref<2x10240x64xf32, #tpu.memory_space<hbm>> -> memref<1x80x64xf32, #tpu.memory_space<hbm>>
        %dma_wait3A_105 = tpu.memref_squeeze %dma_wait3A_104 : memref<1x80x64xf32, #tpu.memory_space<hbm>> -> memref<80x64xf32, #tpu.memory_space<hbm>>
        tpu.wait_dma2 semaphore(%arg17 : memref<!tpu.dma_semaphore, #tpu.memory_space<semaphore_mem>>) src(%dma_wait3A_105 : memref<80x64xf32, #tpu.memory_space<hbm>>) dst(%arg11 : memref<80x64xf32, #tpu.memory_space<vmem>>)
        %dma_wait3A_106 = arith.constant 0 : i32
        %dma_wait3A_107 = arith.constant 0 : i32
        %dma_wait3A_108 = arith.constant 0 : i32
        %dma_wait3A_109 = tpu.memref_slice %arg3[%dma_wait3A_106, %dma_wait3A_107, %dma_wait3A_108] : memref<2x10240x16xf32, #tpu.memory_space<hbm>> -> memref<1x80x16xf32, #tpu.memory_space<hbm>>
        %dma_wait3A_110 = tpu.memref_squeeze %dma_wait3A_109 : memref<1x80x16xf32, #tpu.memory_space<hbm>> -> memref<80x16xf32, #tpu.memory_space<hbm>>
        %dma_wait3A_111 = arith.constant 0 : i32
        %dma_wait3A_112 = arith.constant 0 : i32
        %dma_wait3A_113 = tpu.memref_slice %arg3[%dma_wait3A_106, %dma_wait3A_111, %dma_wait3A_112] : memref<2x10240x16xf32, #tpu.memory_space<hbm>> -> memref<1x80x16xf32, #tpu.memory_space<hbm>>
        %dma_wait3A_114 = tpu.memref_squeeze %dma_wait3A_113 : memref<1x80x16xf32, #tpu.memory_space<hbm>> -> memref<80x16xf32, #tpu.memory_space<hbm>>
        tpu.wait_dma2 semaphore(%arg17 : memref<!tpu.dma_semaphore, #tpu.memory_space<semaphore_mem>>) src(%dma_wait3A_114 : memref<80x16xf32, #tpu.memory_space<hbm>>) dst(%arg12 : memref<80x16xf32, #tpu.memory_space<vmem>>)
        %dma_wait3A_115 = arith.constant 0 : i32
        %dma_wait3A_116 = arith.constant 0 : i32
        %dma_wait3A_117 = arith.constant 0 : i32
        %dma_wait3A_118 = tpu.memref_slice %arg3[%dma_wait3A_115, %dma_wait3A_116, %dma_wait3A_117] : memref<2x10240x16xf32, #tpu.memory_space<hbm>> -> memref<1x80x16xf32, #tpu.memory_space<hbm>>
        %dma_wait3A_119 = tpu.memref_squeeze %dma_wait3A_118 : memref<1x80x16xf32, #tpu.memory_space<hbm>> -> memref<80x16xf32, #tpu.memory_space<hbm>>
        %dma_wait3A_120 = arith.constant 0 : i32
        %dma_wait3A_121 = arith.constant 0 : i32
        %dma_wait3A_122 = tpu.memref_slice %arg3[%dma_wait3A_115, %dma_wait3A_120, %dma_wait3A_121] : memref<2x10240x16xf32, #tpu.memory_space<hbm>> -> memref<1x80x16xf32, #tpu.memory_space<hbm>>
        %dma_wait3A_123 = tpu.memref_squeeze %dma_wait3A_122 : memref<1x80x16xf32, #tpu.memory_space<hbm>> -> memref<80x16xf32, #tpu.memory_space<hbm>>
        tpu.wait_dma2 semaphore(%arg17 : memref<!tpu.dma_semaphore, #tpu.memory_space<semaphore_mem>>) src(%dma_wait3A_123 : memref<80x16xf32, #tpu.memory_space<hbm>>) dst(%arg13 : memref<80x16xf32, #tpu.memory_space<vmem>>)
        %scan3A = arith.constant 0 : i32
        %scan3A_124 = arith.constant 0 : i32
        %scan3A_125 = arith.constant 40 : i32
        %scan3A_126 = arith.addi %scan3A_124, %scan3A_125 : i32
        %scan3A_127 = arith.constant 1 : i32
        scf.for %scan3A_129 = %scan3A_124 to %scan3A_126 step %scan3A_127  : i32 {
          %mul3A_130 = arith.constant 2 : i32
          %mul3A_131 = arith.muli %scan3A_129, %mul3A_130 : i32
          %add3A_132 = arith.constant 0 : i32
          %add3A_133 = arith.addi %mul3A_131, %add3A_132 : i32
          %get3A_134 = arith.index_cast %add3A_133 : i32 to index
          %get3A_135 = arith.constant 0 : index
          %get3A_136 = tpu.vector_load %arg12[%get3A_134, %get3A_135] {strides = array<i32>} : memref<80x16xf32, #tpu.memory_space<vmem>>, vector<1x16xf32>,
          %get3A_137 = vector.shape_cast %get3A_136 : vector<1x16xf32> to vector<16xf32>
          %add3A_138 = arith.constant 0 : i32
          %add3A_139 = arith.addi %mul3A_131, %add3A_138 : i32
          %get3A_140 = arith.index_cast %add3A_139 : i32 to index
          %get3A_141 = arith.constant 0 : index
          %get3A_142 = tpu.vector_load %arg13[%get3A_140, %get3A_141] {strides = array<i32>} : memref<80x16xf32, #tpu.memory_space<vmem>>, vector<1x16xf32>,
          %get3A_143 = vector.shape_cast %get3A_142 : vector<1x16xf32> to vector<16xf32>
          %add3A_144 = arith.addf %get3A_137, %get3A_143 : vector<16xf32>
          %max3A = arith.maximumf %add3A_144, %broadcast_in_dim3A_16 : vector<16xf32>
          %div3A = arith.divf %broadcast_in_dim3A_16, %max3A : vector<16xf32>
          %add3A_145 = arith.constant 0 : i32
          %add3A_146 = arith.addi %mul3A_131, %add3A_145 : i32
          %get3A_147 = arith.index_cast %add3A_146 : i32 to index
          %get3A_148 = arith.constant 0 : index
          %get3A_149 = tpu.vector_load %arg10[%get3A_147, %get3A_148] {strides = array<i32>} : memref<80x64xf32, #tpu.memory_space<vmem>>, vector<1x16xf32>,
          %get3A_150 = vector.shape_cast %get3A_149 : vector<1x16xf32> to vector<16xf32>
          %add3A_151 = arith.constant 0 : i32
          %add3A_152 = arith.addi %mul3A_131, %add3A_151 : i32
          %get3A_153 = arith.index_cast %add3A_152 : i32 to index
          %get3A_154 = arith.constant 0 : index
          %get3A_155 = tpu.vector_load %arg11[%get3A_153, %get3A_154] {strides = array<i32>} : memref<80x64xf32, #tpu.memory_space<vmem>>, vector<1x16xf32>,
          %get3A_156 = vector.shape_cast %get3A_155 : vector<1x16xf32> to vector<16xf32>
          %add3A_157 = arith.addf %get3A_150, %get3A_156 : vector<16xf32>
          %mul3A_158 = arith.mulf %add3A_157, %div3A : vector<16xf32>
          %add3A_159 = arith.addf %mul3A_158, %get3A_6 : vector<16xf32>
          %max3A_160 = arith.constant 0.000000e+00 : f32
          %max3A_161 = vector.broadcast %max3A_160 : f32 to vector<16xf32>
          %max3A_162 = arith.maximumf %add3A_159, %max3A_161 : vector<16xf32>
          %add3A_163 = arith.constant 0 : i32
          %add3A_164 = arith.addi %mul3A_131, %add3A_163 : i32
          %swap3A = arith.index_cast %add3A_164 : i32 to index
          %swap3A_165 = arith.constant 0 : index
          %swap3A_166 = tpu.vector_load %arg14[%swap3A, %swap3A_165] {strides = array<i32>} : memref<80x64xf32, #tpu.memory_space<vmem>>, vector<1x16xf32>,
          %swap3A_167 = vector.shape_cast %swap3A_166 : vector<1x16xf32> to vector<16xf32>
          %swap3A_168 = vector.shape_cast %max3A_162 : vector<16xf32> to vector<1x16xf32>
          tpu.vector_store %arg14[%swap3A, %swap3A_165], %swap3A_168 {strides = array<i32>} : memref<80x64xf32, #tpu.memory_space<vmem>>, vector<1x16xf32>,
          %add3A_169 = arith.constant 0 : i32
          %add3A_170 = arith.addi %mul3A_131, %add3A_169 : i32
          %get3A_171 = arith.index_cast %add3A_170 : i32 to index
          %get3A_172 = arith.constant 16 : index
          %get3A_173 = tpu.vector_load %arg10[%get3A_171, %get3A_172] {strides = array<i32>} : memref<80x64xf32, #tpu.memory_space<vmem>>, vector<1x16xf32>,
          %get3A_174 = vector.shape_cast %get3A_173 : vector<1x16xf32> to vector<16xf32>
          %add3A_175 = arith.constant 0 : i32
          %add3A_176 = arith.addi %mul3A_131, %add3A_175 : i32
          %get3A_177 = arith.index_cast %add3A_176 : i32 to index
          %get3A_178 = arith.constant 16 : index
          %get3A_179 = tpu.vector_load %arg11[%get3A_177, %get3A_178] {strides = array<i32>} : memref<80x64xf32, #tpu.memory_space<vmem>>, vector<1x16xf32>,
          %get3A_180 = vector.shape_cast %get3A_179 : vector<1x16xf32> to vector<16xf32>
          %add3A_181 = arith.addf %get3A_174, %get3A_180 : vector<16xf32>
          %mul3A_182 = arith.mulf %add3A_181, %div3A : vector<16xf32>
          %add3A_183 = arith.addf %mul3A_182, %get3A_9 : vector<16xf32>
          %max3A_184 = arith.constant 0.000000e+00 : f32
          %max3A_185 = vector.broadcast %max3A_184 : f32 to vector<16xf32>
          %max3A_186 = arith.maximumf %add3A_183, %max3A_185 : vector<16xf32>
          %add3A_187 = arith.constant 0 : i32
          %add3A_188 = arith.addi %mul3A_131, %add3A_187 : i32
          %swap3A_189 = arith.index_cast %add3A_188 : i32 to index
          %swap3A_190 = arith.constant 16 : index
          %swap3A_191 = tpu.vector_load %arg14[%swap3A_189, %swap3A_190] {strides = array<i32>} : memref<80x64xf32, #tpu.memory_space<vmem>>, vector<1x16xf32>,
          %swap3A_192 = vector.shape_cast %swap3A_191 : vector<1x16xf32> to vector<16xf32>
          %swap3A_193 = vector.shape_cast %max3A_186 : vector<16xf32> to vector<1x16xf32>
          tpu.vector_store %arg14[%swap3A_189, %swap3A_190], %swap3A_193 {strides = array<i32>} : memref<80x64xf32, #tpu.memory_space<vmem>>, vector<1x16xf32>,
          %add3A_194 = arith.constant 0 : i32
          %add3A_195 = arith.addi %mul3A_131, %add3A_194 : i32
          %get3A_196 = arith.index_cast %add3A_195 : i32 to index
          %get3A_197 = arith.constant 32 : index
          %get3A_198 = tpu.vector_load %arg10[%get3A_196, %get3A_197] {strides = array<i32>} : memref<80x64xf32, #tpu.memory_space<vmem>>, vector<1x16xf32>,
          %get3A_199 = vector.shape_cast %get3A_198 : vector<1x16xf32> to vector<16xf32>
          %add3A_200 = arith.constant 0 : i32
          %add3A_201 = arith.addi %mul3A_131, %add3A_200 : i32
          %get3A_202 = arith.index_cast %add3A_201 : i32 to index
          %get3A_203 = arith.constant 32 : index
          %get3A_204 = tpu.vector_load %arg11[%get3A_202, %get3A_203] {strides = array<i32>} : memref<80x64xf32, #tpu.memory_space<vmem>>, vector<1x16xf32>,
          %get3A_205 = vector.shape_cast %get3A_204 : vector<1x16xf32> to vector<16xf32>
          %add3A_206 = arith.addf %get3A_199, %get3A_205 : vector<16xf32>
          %mul3A_207 = arith.mulf %add3A_206, %div3A : vector<16xf32>
          %add3A_208 = arith.addf %mul3A_207, %get3A_12 : vector<16xf32>
          %max3A_209 = arith.constant 0.000000e+00 : f32
          %max3A_210 = vector.broadcast %max3A_209 : f32 to vector<16xf32>
          %max3A_211 = arith.maximumf %add3A_208, %max3A_210 : vector<16xf32>
          %add3A_212 = arith.constant 0 : i32
          %add3A_213 = arith.addi %mul3A_131, %add3A_212 : i32
          %swap3A_214 = arith.index_cast %add3A_213 : i32 to index
          %swap3A_215 = arith.constant 32 : index
          %swap3A_216 = tpu.vector_load %arg14[%swap3A_214, %swap3A_215] {strides = array<i32>} : memref<80x64xf32, #tpu.memory_space<vmem>>, vector<1x16xf32>,
          %swap3A_217 = vector.shape_cast %swap3A_216 : vector<1x16xf32> to vector<16xf32>
          %swap3A_218 = vector.shape_cast %max3A_211 : vector<16xf32> to vector<1x16xf32>
          tpu.vector_store %arg14[%swap3A_214, %swap3A_215], %swap3A_218 {strides = array<i32>} : memref<80x64xf32, #tpu.memory_space<vmem>>, vector<1x16xf32>,
          %add3A_219 = arith.constant 0 : i32
          %add3A_220 = arith.addi %mul3A_131, %add3A_219 : i32
          %get3A_221 = arith.index_cast %add3A_220 : i32 to index
          %get3A_222 = arith.constant 48 : index
          %get3A_223 = tpu.vector_load %arg10[%get3A_221, %get3A_222] {strides = array<i32>} : memref<80x64xf32, #tpu.memory_space<vmem>>, vector<1x16xf32>,
          %get3A_224 = vector.shape_cast %get3A_223 : vector<1x16xf32> to vector<16xf32>
          %add3A_225 = arith.constant 0 : i32
          %add3A_226 = arith.addi %mul3A_131, %add3A_225 : i32
          %get3A_227 = arith.index_cast %add3A_226 : i32 to index
          %get3A_228 = arith.constant 48 : index
          %get3A_229 = tpu.vector_load %arg11[%get3A_227, %get3A_228] {strides = array<i32>} : memref<80x64xf32, #tpu.memory_space<vmem>>, vector<1x16xf32>,
          %get3A_230 = vector.shape_cast %get3A_229 : vector<1x16xf32> to vector<16xf32>
          %add3A_231 = arith.addf %get3A_224, %get3A_230 : vector<16xf32>
          %mul3A_232 = arith.mulf %add3A_231, %div3A : vector<16xf32>
          %add3A_233 = arith.addf %mul3A_232, %get3A_15 : vector<16xf32>
          %max3A_234 = arith.constant 0.000000e+00 : f32
          %max3A_235 = vector.broadcast %max3A_234 : f32 to vector<16xf32>
          %max3A_236 = arith.maximumf %add3A_233, %max3A_235 : vector<16xf32>
          %add3A_237 = arith.constant 0 : i32
          %add3A_238 = arith.addi %mul3A_131, %add3A_237 : i32
          %swap3A_239 = arith.index_cast %add3A_238 : i32 to index
          %swap3A_240 = arith.constant 48 : index
          %swap3A_241 = tpu.vector_load %arg14[%swap3A_239, %swap3A_240] {strides = array<i32>} : memref<80x64xf32, #tpu.memory_space<vmem>>, vector<1x16xf32>,
          %swap3A_242 = vector.shape_cast %swap3A_241 : vector<1x16xf32> to vector<16xf32>
          %swap3A_243 = vector.shape_cast %max3A_236 : vector<16xf32> to vector<1x16xf32>
          tpu.vector_store %arg14[%swap3A_239, %swap3A_240], %swap3A_243 {strides = array<i32>} : memref<80x64xf32, #tpu.memory_space<vmem>>, vector<1x16xf32>,
          %add3A_244 = arith.constant 1 : i32
          %add3A_245 = arith.addi %mul3A_131, %add3A_244 : i32
          %get3A_246 = arith.index_cast %add3A_245 : i32 to index
          %get3A_247 = arith.constant 0 : index
          %get3A_248 = tpu.vector_load %arg12[%get3A_246, %get3A_247] {strides = array<i32>} : memref<80x16xf32, #tpu.memory_space<vmem>>, vector<1x16xf32>,
          %get3A_249 = vector.shape_cast %get3A_248 : vector<1x16xf32> to vector<16xf32>
          %add3A_250 = arith.constant 1 : i32
          %add3A_251 = arith.addi %mul3A_131, %add3A_250 : i32
          %get3A_252 = arith.index_cast %add3A_251 : i32 to index
          %get3A_253 = arith.constant 0 : index
          %get3A_254 = tpu.vector_load %arg13[%get3A_252, %get3A_253] {strides = array<i32>} : memref<80x16xf32, #tpu.memory_space<vmem>>, vector<1x16xf32>,
          %get3A_255 = vector.shape_cast %get3A_254 : vector<1x16xf32> to vector<16xf32>
          %add3A_256 = arith.addf %get3A_249, %get3A_255 : vector<16xf32>
          %max3A_257 = arith.maximumf %add3A_256, %broadcast_in_dim3A_16 : vector<16xf32>
          %div3A_258 = arith.divf %broadcast_in_dim3A_16, %max3A_257 : vector<16xf32>
          %add3A_259 = arith.constant 1 : i32
          %add3A_260 = arith.addi %mul3A_131, %add3A_259 : i32
          %get3A_261 = arith.index_cast %add3A_260 : i32 to index
          %get3A_262 = arith.constant 0 : index
          %get3A_263 = tpu.vector_load %arg10[%get3A_261, %get3A_262] {strides = array<i32>} : memref<80x64xf32, #tpu.memory_space<vmem>>, vector<1x16xf32>,
          %get3A_264 = vector.shape_cast %get3A_263 : vector<1x16xf32> to vector<16xf32>
          %add3A_265 = arith.constant 1 : i32
          %add3A_266 = arith.addi %mul3A_131, %add3A_265 : i32
          %get3A_267 = arith.index_cast %add3A_266 : i32 to index
          %get3A_268 = arith.constant 0 : index
          %get3A_269 = tpu.vector_load %arg11[%get3A_267, %get3A_268] {strides = array<i32>} : memref<80x64xf32, #tpu.memory_space<vmem>>, vector<1x16xf32>,
          %get3A_270 = vector.shape_cast %get3A_269 : vector<1x16xf32> to vector<16xf32>
          %add3A_271 = arith.addf %get3A_264, %get3A_270 : vector<16xf32>
          %mul3A_272 = arith.mulf %add3A_271, %div3A_258 : vector<16xf32>
          %add3A_273 = arith.addf %mul3A_272, %get3A_6 : vector<16xf32>
          %max3A_274 = arith.constant 0.000000e+00 : f32
          %max3A_275 = vector.broadcast %max3A_274 : f32 to vector<16xf32>
          %max3A_276 = arith.maximumf %add3A_273, %max3A_275 : vector<16xf32>
          %add3A_277 = arith.constant 1 : i32
          %add3A_278 = arith.addi %mul3A_131, %add3A_277 : i32
          %swap3A_279 = arith.index_cast %add3A_278 : i32 to index
          %swap3A_280 = arith.constant 0 : index
          %swap3A_281 = tpu.vector_load %arg14[%swap3A_279, %swap3A_280] {strides = array<i32>} : memref<80x64xf32, #tpu.memory_space<vmem>>, vector<1x16xf32>,
          %swap3A_282 = vector.shape_cast %swap3A_281 : vector<1x16xf32> to vector<16xf32>
          %swap3A_283 = vector.shape_cast %max3A_276 : vector<16xf32> to vector<1x16xf32>
          tpu.vector_store %arg14[%swap3A_279, %swap3A_280], %swap3A_283 {strides = array<i32>} : memref<80x64xf32, #tpu.memory_space<vmem>>, vector<1x16xf32>,
          %add3A_284 = arith.constant 1 : i32
          %add3A_285 = arith.addi %mul3A_131, %add3A_284 : i32
          %get3A_286 = arith.index_cast %add3A_285 : i32 to index
          %get3A_287 = arith.constant 16 : index
          %get3A_288 = tpu.vector_load %arg10[%get3A_286, %get3A_287] {strides = array<i32>} : memref<80x64xf32, #tpu.memory_space<vmem>>, vector<1x16xf32>,
          %get3A_289 = vector.shape_cast %get3A_288 : vector<1x16xf32> to vector<16xf32>
          %add3A_290 = arith.constant 1 : i32
          %add3A_291 = arith.addi %mul3A_131, %add3A_290 : i32
          %get3A_292 = arith.index_cast %add3A_291 : i32 to index
          %get3A_293 = arith.constant 16 : index
          %get3A_294 = tpu.vector_load %arg11[%get3A_292, %get3A_293] {strides = array<i32>} : memref<80x64xf32, #tpu.memory_space<vmem>>, vector<1x16xf32>,
          %get3A_295 = vector.shape_cast %get3A_294 : vector<1x16xf32> to vector<16xf32>
          %add3A_296 = arith.addf %get3A_289, %get3A_295 : vector<16xf32>
          %mul3A_297 = arith.mulf %add3A_296, %div3A_258 : vector<16xf32>
          %add3A_298 = arith.addf %mul3A_297, %get3A_9 : vector<16xf32>
          %max3A_299 = arith.constant 0.000000e+00 : f32
          %max3A_300 = vector.broadcast %max3A_299 : f32 to vector<16xf32>
          %max3A_301 = arith.maximumf %add3A_298, %max3A_300 : vector<16xf32>
          %add3A_302 = arith.constant 1 : i32
          %add3A_303 = arith.addi %mul3A_131, %add3A_302 : i32
          %swap3A_304 = arith.index_cast %add3A_303 : i32 to index
          %swap3A_305 = arith.constant 16 : index
          %swap3A_306 = tpu.vector_load %arg14[%swap3A_304, %swap3A_305] {strides = array<i32>} : memref<80x64xf32, #tpu.memory_space<vmem>>, vector<1x16xf32>,
          %swap3A_307 = vector.shape_cast %swap3A_306 : vector<1x16xf32> to vector<16xf32>
          %swap3A_308 = vector.shape_cast %max3A_301 : vector<16xf32> to vector<1x16xf32>
          tpu.vector_store %arg14[%swap3A_304, %swap3A_305], %swap3A_308 {strides = array<i32>} : memref<80x64xf32, #tpu.memory_space<vmem>>, vector<1x16xf32>,
          %add3A_309 = arith.constant 1 : i32
          %add3A_310 = arith.addi %mul3A_131, %add3A_309 : i32
          %get3A_311 = arith.index_cast %add3A_310 : i32 to index
          %get3A_312 = arith.constant 32 : index
          %get3A_313 = tpu.vector_load %arg10[%get3A_311, %get3A_312] {strides = array<i32>} : memref<80x64xf32, #tpu.memory_space<vmem>>, vector<1x16xf32>,
          %get3A_314 = vector.shape_cast %get3A_313 : vector<1x16xf32> to vector<16xf32>
          %add3A_315 = arith.constant 1 : i32
          %add3A_316 = arith.addi %mul3A_131, %add3A_315 : i32
          %get3A_317 = arith.index_cast %add3A_316 : i32 to index
          %get3A_318 = arith.constant 32 : index
          %get3A_319 = tpu.vector_load %arg11[%get3A_317, %get3A_318] {strides = array<i32>} : memref<80x64xf32, #tpu.memory_space<vmem>>, vector<1x16xf32>,
          %get3A_320 = vector.shape_cast %get3A_319 : vector<1x16xf32> to vector<16xf32>
          %add3A_321 = arith.addf %get3A_314, %get3A_320 : vector<16xf32>
          %mul3A_322 = arith.mulf %add3A_321, %div3A_258 : vector<16xf32>
          %add3A_323 = arith.addf %mul3A_322, %get3A_12 : vector<16xf32>
          %max3A_324 = arith.constant 0.000000e+00 : f32
          %max3A_325 = vector.broadcast %max3A_324 : f32 to vector<16xf32>
          %max3A_326 = arith.maximumf %add3A_323, %max3A_325 : vector<16xf32>
          %add3A_327 = arith.constant 1 : i32
          %add3A_328 = arith.addi %mul3A_131, %add3A_327 : i32
          %swap3A_329 = arith.index_cast %add3A_328 : i32 to index
          %swap3A_330 = arith.constant 32 : index
          %swap3A_331 = tpu.vector_load %arg14[%swap3A_329, %swap3A_330] {strides = array<i32>} : memref<80x64xf32, #tpu.memory_space<vmem>>, vector<1x16xf32>,
          %swap3A_332 = vector.shape_cast %swap3A_331 : vector<1x16xf32> to vector<16xf32>
          %swap3A_333 = vector.shape_cast %max3A_326 : vector<16xf32> to vector<1x16xf32>
          tpu.vector_store %arg14[%swap3A_329, %swap3A_330], %swap3A_333 {strides = array<i32>} : memref<80x64xf32, #tpu.memory_space<vmem>>, vector<1x16xf32>,
          %add3A_334 = arith.constant 1 : i32
          %add3A_335 = arith.addi %mul3A_131, %add3A_334 : i32
          %get3A_336 = arith.index_cast %add3A_335 : i32 to index
          %get3A_337 = arith.constant 48 : index
          %get3A_338 = tpu.vector_load %arg10[%get3A_336, %get3A_337] {strides = array<i32>} : memref<80x64xf32, #tpu.memory_space<vmem>>, vector<1x16xf32>,
          %get3A_339 = vector.shape_cast %get3A_338 : vector<1x16xf32> to vector<16xf32>
          %add3A_340 = arith.constant 1 : i32
          %add3A_341 = arith.addi %mul3A_131, %add3A_340 : i32
          %get3A_342 = arith.index_cast %add3A_341 : i32 to index
          %get3A_343 = arith.constant 48 : index
          %get3A_344 = tpu.vector_load %arg11[%get3A_342, %get3A_343] {strides = array<i32>} : memref<80x64xf32, #tpu.memory_space<vmem>>, vector<1x16xf32>,
          %get3A_345 = vector.shape_cast %get3A_344 : vector<1x16xf32> to vector<16xf32>
          %add3A_346 = arith.addf %get3A_339, %get3A_345 : vector<16xf32>
          %mul3A_347 = arith.mulf %add3A_346, %div3A_258 : vector<16xf32>
          %add3A_348 = arith.addf %mul3A_347, %get3A_15 : vector<16xf32>
          %max3A_349 = arith.constant 0.000000e+00 : f32
          %max3A_350 = vector.broadcast %max3A_349 : f32 to vector<16xf32>
          %max3A_351 = arith.maximumf %add3A_348, %max3A_350 : vector<16xf32>
          %add3A_352 = arith.constant 1 : i32
          %add3A_353 = arith.addi %mul3A_131, %add3A_352 : i32
          %swap3A_354 = arith.index_cast %add3A_353 : i32 to index
          %swap3A_355 = arith.constant 48 : index
          %swap3A_356 = tpu.vector_load %arg14[%swap3A_354, %swap3A_355] {strides = array<i32>} : memref<80x64xf32, #tpu.memory_space<vmem>>, vector<1x16xf32>,
          %swap3A_357 = vector.shape_cast %swap3A_356 : vector<1x16xf32> to vector<16xf32>
          %swap3A_358 = vector.shape_cast %max3A_351 : vector<16xf32> to vector<1x16xf32>
          tpu.vector_store %arg14[%swap3A_354, %swap3A_355], %swap3A_358 {strides = array<i32>} : memref<80x64xf32, #tpu.memory_space<vmem>>, vector<1x16xf32>,
        }
        %scan3A_128 = arith.constant 40 : i32
      } else {
      }
      %gt3A = arith.constant 0 : i32
      %gt3A_80 = arith.cmpi sgt, %while3A_60, %gt3A : i32
      %convert_element_type3A_81 = arith.extui %gt3A_80 : i1 to i32
      %cond3A_82 = arith.constant 0 : i32
      %cond3A_83 = arith.cmpi ne, %convert_element_type3A_81, %cond3A_82 : i32
      scf.if %cond3A_83 {
        %dma_wait3A_88 = arith.constant 0 : i32
        %dma_wait3A_89 = arith.constant 0 : i32
        %dma_wait3A_90 = tpu.memref_slice %arg5[%dma_wait3A_88, %dma_wait3A_89] : memref<10000x64xf32, #tpu.memory_space<hbm>> -> memref<80x64xf32, #tpu.memory_space<hbm>>
        %dma_wait3A_91 = arith.constant 0 : i32
        %dma_wait3A_92 = arith.constant 0 : i32
        %dma_wait3A_93 = tpu.memref_slice %arg5[%dma_wait3A_91, %dma_wait3A_92] : memref<10000x64xf32, #tpu.memory_space<hbm>> -> memref<80x64xf32, #tpu.memory_space<hbm>>
        tpu.wait_dma2 semaphore(%arg18 : memref<!tpu.dma_semaphore, #tpu.memory_space<semaphore_mem>>) src(%arg14 : memref<80x64xf32, #tpu.memory_space<vmem>>) dst(%dma_wait3A_93 : memref<80x64xf32, #tpu.memory_space<hbm>>)
      } else {
      }
      %dma_start3A_84 = arith.constant 0 : i32
      %dma_start3A_85 = tpu.memref_slice %arg5[%add3A_63, %dma_start3A_84] : memref<10000x64xf32, #tpu.memory_space<hbm>> -> memref<80x64xf32, #tpu.memory_space<hbm>>
      %dma_start3A_86 = arith.constant 0 : i32
      %dma_start3A_87 = tpu.memref_slice %arg5[%add3A_63, %dma_start3A_86] : memref<10000x64xf32, #tpu.memory_space<hbm>> -> memref<80x64xf32, #tpu.memory_space<hbm>>
      tpu.enqueue_dma source(%arg14 : memref<80x64xf32, #tpu.memory_space<vmem>>) target(%dma_start3A_87 : memref<80x64xf32, #tpu.memory_space<hbm>>) target_semaphore(%arg18 : memref<!tpu.dma_semaphore, #tpu.memory_space<semaphore_mem>>)
    }
    %dma_wait3A = arith.constant 0 : i32
    %dma_wait3A_55 = arith.constant 0 : i32
    %dma_wait3A_56 = tpu.memref_slice %arg5[%dma_wait3A, %dma_wait3A_55] : memref<10000x64xf32, #tpu.memory_space<hbm>> -> memref<80x64xf32, #tpu.memory_space<hbm>>
    %dma_wait3A_57 = arith.constant 0 : i32
    %dma_wait3A_58 = arith.constant 0 : i32
    %dma_wait3A_59 = tpu.memref_slice %arg5[%dma_wait3A_57, %dma_wait3A_58] : memref<10000x64xf32, #tpu.memory_space<hbm>> -> memref<80x64xf32, #tpu.memory_space<hbm>>
    tpu.wait_dma2 semaphore(%arg18 : memref<!tpu.dma_semaphore, #tpu.memory_space<semaphore_mem>>) src(%arg14 : memref<80x64xf32, #tpu.memory_space<vmem>>) dst(%dma_wait3A_59 : memref<80x64xf32, #tpu.memory_space<hbm>>)
    return
  }
}

#map = affine_map<(d0, d1) -> (0, 0, 0)>
#map1 = affine_map<(d0, d1) -> (0, 0)>
module attributes {stable_mosaic.version = 14 : i64} {
  func.func @_sc_agg_body(%arg0: i32, %arg1: i32, %arg2: memref<2x2500x128xi32, #tpu.memory_space<hbm>>, %arg3: memref<10000x64xf32, #tpu.memory_space<hbm>>, %arg4: memref<2x10240x64xf32, #tpu.memory_space<hbm>>, %arg5: memref<2x10240x16xf32, #tpu.memory_space<hbm>>, %arg6: memref<79x128xi32, #tpu.memory_space<vmem>>, %arg7: memref<79x128xi32, #tpu.memory_space<vmem>>, %arg8: memref<128x64xf32, #tpu.memory_space<vmem>>, %arg9: memref<128x64xf32, #tpu.memory_space<vmem>>, %arg10: memref<128x64xf32, #tpu.memory_space<vmem>>, %arg11: memref<128x64xf32, #tpu.memory_space<vmem>>, %arg12: memref<128x64xf32, #tpu.memory_space<vmem>>, %arg13: memref<128x64xf32, #tpu.memory_space<vmem>>, %arg14: memref<128x16xf32, #tpu.memory_space<vmem>>, %arg15: memref<10240x64xf32, #tpu.memory_space<vmem_shared>>, %arg16: memref<10240x16xf32, #tpu.memory_space<vmem_shared>>, %arg17: memref<!tpu.dma_semaphore, #tpu.memory_space<semaphore_mem>>, %arg18: memref<!tpu.dma_semaphore, #tpu.memory_space<semaphore_mem>>, %arg19: memref<!tpu.dma_semaphore, #tpu.memory_space<semaphore_mem>>, %arg20: memref<!tpu.dma_semaphore, #tpu.memory_space<semaphore_mem>>, %arg21: memref<!tpu.dma_semaphore, #tpu.memory_space<semaphore_mem>>, %arg22: memref<!tpu.dma_semaphore, #tpu.memory_space<semaphore_mem>>, %arg23: memref<!tpu.dma_semaphore, #tpu.memory_space<semaphore_mem>>, %arg24: memref<!tpu.dma_semaphore, #tpu.memory_space<semaphore_mem>>, %arg25: memref<!tpu.dma_semaphore, #tpu.memory_space<semaphore_mem>>, %arg26: memref<!tpu.dma_semaphore, #tpu.memory_space<semaphore_mem>>, %arg27: memref<!tpu.dma_semaphore, #tpu.memory_space<semaphore_mem>>, %arg28: memref<!tpu.dma_semaphore, #tpu.memory_space<semaphore_mem>>, %arg29: memref<!tpu.dma_semaphore, #tpu.memory_space<semaphore_mem>>) attributes {dimension_semantics = [#tpu.dimension_semantics<core_parallel>, #tpu.dimension_semantics<subcore_parallel>], iteration_bounds = array<i64: 2, 16>, scalar_prefetch = 0 : i64, scratch_operands = 24 : i64, tpu.core_type = #tpu.core_type<sc_vector_subcore>, window_params = [{transform_indices = #map}, {transform_indices = #map1}, {transform_indices = #map}, {transform_indices = #map}]} {
    %broadcast_in_dim3A = arith.constant 0.000000e+00 : f32
    %broadcast_in_dim3A_0 = vector.broadcast %broadcast_in_dim3A : f32 to vector<16xf32>
    %scan3A = arith.constant 0 : i32
    %scan3A_1 = arith.constant 0 : i32
    %scan3A_2 = arith.constant 128 : i32
    %scan3A_3 = arith.addi %scan3A_1, %scan3A_2 : i32
    %scan3A_4 = arith.constant 1 : i32
    scf.for %scan3A_149 = %scan3A_1 to %scan3A_3 step %scan3A_4  : i32 {
      %swap3A = arith.index_cast %scan3A_149 : i32 to index
      %swap3A_150 = arith.constant 0 : index
      %swap3A_151 = tpu.vector_load %arg8[%swap3A, %swap3A_150] {strides = array<i32>} : memref<128x64xf32, #tpu.memory_space<vmem>>, vector<1x16xf32>,
      %swap3A_152 = vector.shape_cast %swap3A_151 : vector<1x16xf32> to vector<16xf32>
      %swap3A_153 = vector.shape_cast %broadcast_in_dim3A_0 : vector<16xf32> to vector<1x16xf32>
      tpu.vector_store %arg8[%swap3A, %swap3A_150], %swap3A_153 {strides = array<i32>} : memref<128x64xf32, #tpu.memory_space<vmem>>, vector<1x16xf32>,
      %swap3A_154 = arith.index_cast %scan3A_149 : i32 to index
      %swap3A_155 = arith.constant 16 : index
      %swap3A_156 = tpu.vector_load %arg8[%swap3A_154, %swap3A_155] {strides = array<i32>} : memref<128x64xf32, #tpu.memory_space<vmem>>, vector<1x16xf32>,
      %swap3A_157 = vector.shape_cast %swap3A_156 : vector<1x16xf32> to vector<16xf32>
      %swap3A_158 = vector.shape_cast %broadcast_in_dim3A_0 : vector<16xf32> to vector<1x16xf32>
      tpu.vector_store %arg8[%swap3A_154, %swap3A_155], %swap3A_158 {strides = array<i32>} : memref<128x64xf32, #tpu.memory_space<vmem>>, vector<1x16xf32>,
      %swap3A_159 = arith.index_cast %scan3A_149 : i32 to index
      %swap3A_160 = arith.constant 32 : index
      %swap3A_161 = tpu.vector_load %arg8[%swap3A_159, %swap3A_160] {strides = array<i32>} : memref<128x64xf32, #tpu.memory_space<vmem>>, vector<1x16xf32>,
      %swap3A_162 = vector.shape_cast %swap3A_161 : vector<1x16xf32> to vector<16xf32>
      %swap3A_163 = vector.shape_cast %broadcast_in_dim3A_0 : vector<16xf32> to vector<1x16xf32>
      tpu.vector_store %arg8[%swap3A_159, %swap3A_160], %swap3A_163 {strides = array<i32>} : memref<128x64xf32, #tpu.memory_space<vmem>>, vector<1x16xf32>,
      %swap3A_164 = arith.index_cast %scan3A_149 : i32 to index
      %swap3A_165 = arith.constant 48 : index
      %swap3A_166 = tpu.vector_load %arg8[%swap3A_164, %swap3A_165] {strides = array<i32>} : memref<128x64xf32, #tpu.memory_space<vmem>>, vector<1x16xf32>,
      %swap3A_167 = vector.shape_cast %swap3A_166 : vector<1x16xf32> to vector<16xf32>
      %swap3A_168 = vector.shape_cast %broadcast_in_dim3A_0 : vector<16xf32> to vector<1x16xf32>
      tpu.vector_store %arg8[%swap3A_164, %swap3A_165], %swap3A_168 {strides = array<i32>} : memref<128x64xf32, #tpu.memory_space<vmem>>, vector<1x16xf32>,
      %swap3A_169 = arith.index_cast %scan3A_149 : i32 to index
      %swap3A_170 = arith.constant 0 : index
      %swap3A_171 = tpu.vector_load %arg14[%swap3A_169, %swap3A_170] {strides = array<i32>} : memref<128x16xf32, #tpu.memory_space<vmem>>, vector<1x16xf32>,
      %swap3A_172 = vector.shape_cast %swap3A_171 : vector<1x16xf32> to vector<16xf32>
      %swap3A_173 = vector.shape_cast %broadcast_in_dim3A_0 : vector<16xf32> to vector<1x16xf32>
      tpu.vector_store %arg14[%swap3A_169, %swap3A_170], %swap3A_173 {strides = array<i32>} : memref<128x16xf32, #tpu.memory_space<vmem>>, vector<1x16xf32>,
    }
    %scan3A_5 = arith.constant 128 : i32
    %mul3A = arith.constant 640 : i32
    %mul3A_6 = arith.muli %arg1, %mul3A : i32
    %add3A = arith.constant 0 : i32
    %add3A_7 = arith.addi %mul3A_6, %add3A : i32
    "tpu.region"() ({
      %run_scoped3A_149 = tpu.sem_alloc : memref<!tpu.dma_semaphore, #tpu.memory_space<semaphore_mem>>
      %dma_start3A_150 = arith.constant 0 : i32
      %dma_start3A_151 = arith.constant 0 : i32
      %dma_start3A_152 = tpu.memref_slice %arg8[%dma_start3A_150, %dma_start3A_151] : memref<128x64xf32, #tpu.memory_space<vmem>> -> memref<128x64xf32, #tpu.memory_space<vmem>>
      %dma_start3A_153 = arith.constant 0 : i32
      %dma_start3A_154 = tpu.memref_slice %arg15[%add3A_7, %dma_start3A_153] : memref<10240x64xf32, #tpu.memory_space<vmem_shared>> -> memref<128x64xf32, #tpu.memory_space<vmem_shared>>
      %dma_start3A_155 = arith.constant 0 : i32
      %dma_start3A_156 = tpu.memref_slice %arg15[%add3A_7, %dma_start3A_155] : memref<10240x64xf32, #tpu.memory_space<vmem_shared>> -> memref<128x64xf32, #tpu.memory_space<vmem_shared>>
      %dma_start3A_157 = arith.constant 0 : i32
      %dma_start3A_158 = arith.constant 0 : i32
      %dma_start3A_159 = tpu.memref_slice %arg8[%dma_start3A_157, %dma_start3A_158] : memref<128x64xf32, #tpu.memory_space<vmem>> -> memref<128x64xf32, #tpu.memory_space<vmem>>
      tpu.enqueue_dma source(%dma_start3A_159 : memref<128x64xf32, #tpu.memory_space<vmem>>) target(%dma_start3A_156 : memref<128x64xf32, #tpu.memory_space<vmem_shared>>) target_semaphore(%run_scoped3A_149 : memref<!tpu.dma_semaphore, #tpu.memory_space<semaphore_mem>>)
      %dma_wait3A_160 = arith.constant 0 : i32
      %dma_wait3A_161 = arith.constant 0 : i32
      %dma_wait3A_162 = tpu.memref_slice %arg8[%dma_wait3A_160, %dma_wait3A_161] : memref<128x64xf32, #tpu.memory_space<vmem>> -> memref<128x64xf32, #tpu.memory_space<vmem>>
      %dma_wait3A_163 = arith.constant 0 : i32
      %dma_wait3A_164 = tpu.memref_slice %arg15[%add3A_7, %dma_wait3A_163] : memref<10240x64xf32, #tpu.memory_space<vmem_shared>> -> memref<128x64xf32, #tpu.memory_space<vmem_shared>>
      %dma_wait3A_165 = arith.constant 0 : i32
      %dma_wait3A_166 = tpu.memref_slice %arg15[%add3A_7, %dma_wait3A_165] : memref<10240x64xf32, #tpu.memory_space<vmem_shared>> -> memref<128x64xf32, #tpu.memory_space<vmem_shared>>
      %dma_wait3A_167 = arith.constant 0 : i32
      %dma_wait3A_168 = arith.constant 0 : i32
      %dma_wait3A_169 = tpu.memref_slice %arg8[%dma_wait3A_167, %dma_wait3A_168] : memref<128x64xf32, #tpu.memory_space<vmem>> -> memref<128x64xf32, #tpu.memory_space<vmem>>
      tpu.wait_dma2 semaphore(%run_scoped3A_149 : memref<!tpu.dma_semaphore, #tpu.memory_space<semaphore_mem>>) src(%dma_wait3A_169 : memref<128x64xf32, #tpu.memory_space<vmem>>) dst(%dma_wait3A_166 : memref<128x64xf32, #tpu.memory_space<vmem_shared>>)
      tpu.yield
    }) : () -> ()
    %add3A_8 = arith.constant 0 : i32
    %add3A_9 = arith.addi %mul3A_6, %add3A_8 : i32
    "tpu.region"() ({
      %run_scoped3A_149 = tpu.sem_alloc : memref<!tpu.dma_semaphore, #tpu.memory_space<semaphore_mem>>
      %dma_start3A_150 = arith.constant 0 : i32
      %dma_start3A_151 = arith.constant 0 : i32
      %dma_start3A_152 = tpu.memref_slice %arg14[%dma_start3A_150, %dma_start3A_151] : memref<128x16xf32, #tpu.memory_space<vmem>> -> memref<128x16xf32, #tpu.memory_space<vmem>>
      %dma_start3A_153 = arith.constant 0 : i32
      %dma_start3A_154 = tpu.memref_slice %arg16[%add3A_9, %dma_start3A_153] : memref<10240x16xf32, #tpu.memory_space<vmem_shared>> -> memref<128x16xf32, #tpu.memory_space<vmem_shared>>
      %dma_start3A_155 = arith.constant 0 : i32
      %dma_start3A_156 = tpu.memref_slice %arg16[%add3A_9, %dma_start3A_155] : memref<10240x16xf32, #tpu.memory_space<vmem_shared>> -> memref<128x16xf32, #tpu.memory_space<vmem_shared>>
      %dma_start3A_157 = arith.constant 0 : i32
      %dma_start3A_158 = arith.constant 0 : i32
      %dma_start3A_159 = tpu.memref_slice %arg14[%dma_start3A_157, %dma_start3A_158] : memref<128x16xf32, #tpu.memory_space<vmem>> -> memref<128x16xf32, #tpu.memory_space<vmem>>
      tpu.enqueue_dma source(%dma_start3A_159 : memref<128x16xf32, #tpu.memory_space<vmem>>) target(%dma_start3A_156 : memref<128x16xf32, #tpu.memory_space<vmem_shared>>) target_semaphore(%run_scoped3A_149 : memref<!tpu.dma_semaphore, #tpu.memory_space<semaphore_mem>>)
      %dma_wait3A_160 = arith.constant 0 : i32
      %dma_wait3A_161 = arith.constant 0 : i32
      %dma_wait3A_162 = tpu.memref_slice %arg14[%dma_wait3A_160, %dma_wait3A_161] : memref<128x16xf32, #tpu.memory_space<vmem>> -> memref<128x16xf32, #tpu.memory_space<vmem>>
      %dma_wait3A_163 = arith.constant 0 : i32
      %dma_wait3A_164 = tpu.memref_slice %arg16[%add3A_9, %dma_wait3A_163] : memref<10240x16xf32, #tpu.memory_space<vmem_shared>> -> memref<128x16xf32, #tpu.memory_space<vmem_shared>>
      %dma_wait3A_165 = arith.constant 0 : i32
      %dma_wait3A_166 = tpu.memref_slice %arg16[%add3A_9, %dma_wait3A_165] : memref<10240x16xf32, #tpu.memory_space<vmem_shared>> -> memref<128x16xf32, #tpu.memory_space<vmem_shared>>
      %dma_wait3A_167 = arith.constant 0 : i32
      %dma_wait3A_168 = arith.constant 0 : i32
      %dma_wait3A_169 = tpu.memref_slice %arg14[%dma_wait3A_167, %dma_wait3A_168] : memref<128x16xf32, #tpu.memory_space<vmem>> -> memref<128x16xf32, #tpu.memory_space<vmem>>
      tpu.wait_dma2 semaphore(%run_scoped3A_149 : memref<!tpu.dma_semaphore, #tpu.memory_space<semaphore_mem>>) src(%dma_wait3A_169 : memref<128x16xf32, #tpu.memory_space<vmem>>) dst(%dma_wait3A_166 : memref<128x16xf32, #tpu.memory_space<vmem_shared>>)
      tpu.yield
    }) : () -> ()
    %add3A_10 = arith.constant 128 : i32
    %add3A_11 = arith.addi %mul3A_6, %add3A_10 : i32
    "tpu.region"() ({
      %run_scoped3A_149 = tpu.sem_alloc : memref<!tpu.dma_semaphore, #tpu.memory_space<semaphore_mem>>
      %dma_start3A_150 = arith.constant 0 : i32
      %dma_start3A_151 = arith.constant 0 : i32
      %dma_start3A_152 = tpu.memref_slice %arg8[%dma_start3A_150, %dma_start3A_151] : memref<128x64xf32, #tpu.memory_space<vmem>> -> memref<128x64xf32, #tpu.memory_space<vmem>>
      %dma_start3A_153 = arith.constant 0 : i32
      %dma_start3A_154 = tpu.memref_slice %arg15[%add3A_11, %dma_start3A_153] : memref<10240x64xf32, #tpu.memory_space<vmem_shared>> -> memref<128x64xf32, #tpu.memory_space<vmem_shared>>
      %dma_start3A_155 = arith.constant 0 : i32
      %dma_start3A_156 = tpu.memref_slice %arg15[%add3A_11, %dma_start3A_155] : memref<10240x64xf32, #tpu.memory_space<vmem_shared>> -> memref<128x64xf32, #tpu.memory_space<vmem_shared>>
      %dma_start3A_157 = arith.constant 0 : i32
      %dma_start3A_158 = arith.constant 0 : i32
      %dma_start3A_159 = tpu.memref_slice %arg8[%dma_start3A_157, %dma_start3A_158] : memref<128x64xf32, #tpu.memory_space<vmem>> -> memref<128x64xf32, #tpu.memory_space<vmem>>
      tpu.enqueue_dma source(%dma_start3A_159 : memref<128x64xf32, #tpu.memory_space<vmem>>) target(%dma_start3A_156 : memref<128x64xf32, #tpu.memory_space<vmem_shared>>) target_semaphore(%run_scoped3A_149 : memref<!tpu.dma_semaphore, #tpu.memory_space<semaphore_mem>>)
      %dma_wait3A_160 = arith.constant 0 : i32
      %dma_wait3A_161 = arith.constant 0 : i32
      %dma_wait3A_162 = tpu.memref_slice %arg8[%dma_wait3A_160, %dma_wait3A_161] : memref<128x64xf32, #tpu.memory_space<vmem>> -> memref<128x64xf32, #tpu.memory_space<vmem>>
      %dma_wait3A_163 = arith.constant 0 : i32
      %dma_wait3A_164 = tpu.memref_slice %arg15[%add3A_11, %dma_wait3A_163] : memref<10240x64xf32, #tpu.memory_space<vmem_shared>> -> memref<128x64xf32, #tpu.memory_space<vmem_shared>>
      %dma_wait3A_165 = arith.constant 0 : i32
      %dma_wait3A_166 = tpu.memref_slice %arg15[%add3A_11, %dma_wait3A_165] : memref<10240x64xf32, #tpu.memory_space<vmem_shared>> -> memref<128x64xf32, #tpu.memory_space<vmem_shared>>
      %dma_wait3A_167 = arith.constant 0 : i32
      %dma_wait3A_168 = arith.constant 0 : i32
      %dma_wait3A_169 = tpu.memref_slice %arg8[%dma_wait3A_167, %dma_wait3A_168] : memref<128x64xf32, #tpu.memory_space<vmem>> -> memref<128x64xf32, #tpu.memory_space<vmem>>
      tpu.wait_dma2 semaphore(%run_scoped3A_149 : memref<!tpu.dma_semaphore, #tpu.memory_space<semaphore_mem>>) src(%dma_wait3A_169 : memref<128x64xf32, #tpu.memory_space<vmem>>) dst(%dma_wait3A_166 : memref<128x64xf32, #tpu.memory_space<vmem_shared>>)
      tpu.yield
    }) : () -> ()
    %add3A_12 = arith.constant 128 : i32
    %add3A_13 = arith.addi %mul3A_6, %add3A_12 : i32
    "tpu.region"() ({
      %run_scoped3A_149 = tpu.sem_alloc : memref<!tpu.dma_semaphore, #tpu.memory_space<semaphore_mem>>
      %dma_start3A_150 = arith.constant 0 : i32
      %dma_start3A_151 = arith.constant 0 : i32
      %dma_start3A_152 = tpu.memref_slice %arg14[%dma_start3A_150, %dma_start3A_151] : memref<128x16xf32, #tpu.memory_space<vmem>> -> memref<128x16xf32, #tpu.memory_space<vmem>>
      %dma_start3A_153 = arith.constant 0 : i32
      %dma_start3A_154 = tpu.memref_slice %arg16[%add3A_13, %dma_start3A_153] : memref<10240x16xf32, #tpu.memory_space<vmem_shared>> -> memref<128x16xf32, #tpu.memory_space<vmem_shared>>
      %dma_start3A_155 = arith.constant 0 : i32
      %dma_start3A_156 = tpu.memref_slice %arg16[%add3A_13, %dma_start3A_155] : memref<10240x16xf32, #tpu.memory_space<vmem_shared>> -> memref<128x16xf32, #tpu.memory_space<vmem_shared>>
      %dma_start3A_157 = arith.constant 0 : i32
      %dma_start3A_158 = arith.constant 0 : i32
      %dma_start3A_159 = tpu.memref_slice %arg14[%dma_start3A_157, %dma_start3A_158] : memref<128x16xf32, #tpu.memory_space<vmem>> -> memref<128x16xf32, #tpu.memory_space<vmem>>
      tpu.enqueue_dma source(%dma_start3A_159 : memref<128x16xf32, #tpu.memory_space<vmem>>) target(%dma_start3A_156 : memref<128x16xf32, #tpu.memory_space<vmem_shared>>) target_semaphore(%run_scoped3A_149 : memref<!tpu.dma_semaphore, #tpu.memory_space<semaphore_mem>>)
      %dma_wait3A_160 = arith.constant 0 : i32
      %dma_wait3A_161 = arith.constant 0 : i32
      %dma_wait3A_162 = tpu.memref_slice %arg14[%dma_wait3A_160, %dma_wait3A_161] : memref<128x16xf32, #tpu.memory_space<vmem>> -> memref<128x16xf32, #tpu.memory_space<vmem>>
      %dma_wait3A_163 = arith.constant 0 : i32
      %dma_wait3A_164 = tpu.memref_slice %arg16[%add3A_13, %dma_wait3A_163] : memref<10240x16xf32, #tpu.memory_space<vmem_shared>> -> memref<128x16xf32, #tpu.memory_space<vmem_shared>>
      %dma_wait3A_165 = arith.constant 0 : i32
      %dma_wait3A_166 = tpu.memref_slice %arg16[%add3A_13, %dma_wait3A_165] : memref<10240x16xf32, #tpu.memory_space<vmem_shared>> -> memref<128x16xf32, #tpu.memory_space<vmem_shared>>
      %dma_wait3A_167 = arith.constant 0 : i32
      %dma_wait3A_168 = arith.constant 0 : i32
      %dma_wait3A_169 = tpu.memref_slice %arg14[%dma_wait3A_167, %dma_wait3A_168] : memref<128x16xf32, #tpu.memory_space<vmem>> -> memref<128x16xf32, #tpu.memory_space<vmem>>
      tpu.wait_dma2 semaphore(%run_scoped3A_149 : memref<!tpu.dma_semaphore, #tpu.memory_space<semaphore_mem>>) src(%dma_wait3A_169 : memref<128x16xf32, #tpu.memory_space<vmem>>) dst(%dma_wait3A_166 : memref<128x16xf32, #tpu.memory_space<vmem_shared>>)
      tpu.yield
    }) : () -> ()
    %add3A_14 = arith.constant 256 : i32
    %add3A_15 = arith.addi %mul3A_6, %add3A_14 : i32
    "tpu.region"() ({
      %run_scoped3A_149 = tpu.sem_alloc : memref<!tpu.dma_semaphore, #tpu.memory_space<semaphore_mem>>
      %dma_start3A_150 = arith.constant 0 : i32
      %dma_start3A_151 = arith.constant 0 : i32
      %dma_start3A_152 = tpu.memref_slice %arg8[%dma_start3A_150, %dma_start3A_151] : memref<128x64xf32, #tpu.memory_space<vmem>> -> memref<128x64xf32, #tpu.memory_space<vmem>>
      %dma_start3A_153 = arith.constant 0 : i32
      %dma_start3A_154 = tpu.memref_slice %arg15[%add3A_15, %dma_start3A_153] : memref<10240x64xf32, #tpu.memory_space<vmem_shared>> -> memref<128x64xf32, #tpu.memory_space<vmem_shared>>
      %dma_start3A_155 = arith.constant 0 : i32
      %dma_start3A_156 = tpu.memref_slice %arg15[%add3A_15, %dma_start3A_155] : memref<10240x64xf32, #tpu.memory_space<vmem_shared>> -> memref<128x64xf32, #tpu.memory_space<vmem_shared>>
      %dma_start3A_157 = arith.constant 0 : i32
      %dma_start3A_158 = arith.constant 0 : i32
      %dma_start3A_159 = tpu.memref_slice %arg8[%dma_start3A_157, %dma_start3A_158] : memref<128x64xf32, #tpu.memory_space<vmem>> -> memref<128x64xf32, #tpu.memory_space<vmem>>
      tpu.enqueue_dma source(%dma_start3A_159 : memref<128x64xf32, #tpu.memory_space<vmem>>) target(%dma_start3A_156 : memref<128x64xf32, #tpu.memory_space<vmem_shared>>) target_semaphore(%run_scoped3A_149 : memref<!tpu.dma_semaphore, #tpu.memory_space<semaphore_mem>>)
      %dma_wait3A_160 = arith.constant 0 : i32
      %dma_wait3A_161 = arith.constant 0 : i32
      %dma_wait3A_162 = tpu.memref_slice %arg8[%dma_wait3A_160, %dma_wait3A_161] : memref<128x64xf32, #tpu.memory_space<vmem>> -> memref<128x64xf32, #tpu.memory_space<vmem>>
      %dma_wait3A_163 = arith.constant 0 : i32
      %dma_wait3A_164 = tpu.memref_slice %arg15[%add3A_15, %dma_wait3A_163] : memref<10240x64xf32, #tpu.memory_space<vmem_shared>> -> memref<128x64xf32, #tpu.memory_space<vmem_shared>>
      %dma_wait3A_165 = arith.constant 0 : i32
      %dma_wait3A_166 = tpu.memref_slice %arg15[%add3A_15, %dma_wait3A_165] : memref<10240x64xf32, #tpu.memory_space<vmem_shared>> -> memref<128x64xf32, #tpu.memory_space<vmem_shared>>
      %dma_wait3A_167 = arith.constant 0 : i32
      %dma_wait3A_168 = arith.constant 0 : i32
      %dma_wait3A_169 = tpu.memref_slice %arg8[%dma_wait3A_167, %dma_wait3A_168] : memref<128x64xf32, #tpu.memory_space<vmem>> -> memref<128x64xf32, #tpu.memory_space<vmem>>
      tpu.wait_dma2 semaphore(%run_scoped3A_149 : memref<!tpu.dma_semaphore, #tpu.memory_space<semaphore_mem>>) src(%dma_wait3A_169 : memref<128x64xf32, #tpu.memory_space<vmem>>) dst(%dma_wait3A_166 : memref<128x64xf32, #tpu.memory_space<vmem_shared>>)
      tpu.yield
    }) : () -> ()
    %add3A_16 = arith.constant 256 : i32
    %add3A_17 = arith.addi %mul3A_6, %add3A_16 : i32
    "tpu.region"() ({
      %run_scoped3A_149 = tpu.sem_alloc : memref<!tpu.dma_semaphore, #tpu.memory_space<semaphore_mem>>
      %dma_start3A_150 = arith.constant 0 : i32
      %dma_start3A_151 = arith.constant 0 : i32
      %dma_start3A_152 = tpu.memref_slice %arg14[%dma_start3A_150, %dma_start3A_151] : memref<128x16xf32, #tpu.memory_space<vmem>> -> memref<128x16xf32, #tpu.memory_space<vmem>>
      %dma_start3A_153 = arith.constant 0 : i32
      %dma_start3A_154 = tpu.memref_slice %arg16[%add3A_17, %dma_start3A_153] : memref<10240x16xf32, #tpu.memory_space<vmem_shared>> -> memref<128x16xf32, #tpu.memory_space<vmem_shared>>
      %dma_start3A_155 = arith.constant 0 : i32
      %dma_start3A_156 = tpu.memref_slice %arg16[%add3A_17, %dma_start3A_155] : memref<10240x16xf32, #tpu.memory_space<vmem_shared>> -> memref<128x16xf32, #tpu.memory_space<vmem_shared>>
      %dma_start3A_157 = arith.constant 0 : i32
      %dma_start3A_158 = arith.constant 0 : i32
      %dma_start3A_159 = tpu.memref_slice %arg14[%dma_start3A_157, %dma_start3A_158] : memref<128x16xf32, #tpu.memory_space<vmem>> -> memref<128x16xf32, #tpu.memory_space<vmem>>
      tpu.enqueue_dma source(%dma_start3A_159 : memref<128x16xf32, #tpu.memory_space<vmem>>) target(%dma_start3A_156 : memref<128x16xf32, #tpu.memory_space<vmem_shared>>) target_semaphore(%run_scoped3A_149 : memref<!tpu.dma_semaphore, #tpu.memory_space<semaphore_mem>>)
      %dma_wait3A_160 = arith.constant 0 : i32
      %dma_wait3A_161 = arith.constant 0 : i32
      %dma_wait3A_162 = tpu.memref_slice %arg14[%dma_wait3A_160, %dma_wait3A_161] : memref<128x16xf32, #tpu.memory_space<vmem>> -> memref<128x16xf32, #tpu.memory_space<vmem>>
      %dma_wait3A_163 = arith.constant 0 : i32
      %dma_wait3A_164 = tpu.memref_slice %arg16[%add3A_17, %dma_wait3A_163] : memref<10240x16xf32, #tpu.memory_space<vmem_shared>> -> memref<128x16xf32, #tpu.memory_space<vmem_shared>>
      %dma_wait3A_165 = arith.constant 0 : i32
      %dma_wait3A_166 = tpu.memref_slice %arg16[%add3A_17, %dma_wait3A_165] : memref<10240x16xf32, #tpu.memory_space<vmem_shared>> -> memref<128x16xf32, #tpu.memory_space<vmem_shared>>
      %dma_wait3A_167 = arith.constant 0 : i32
      %dma_wait3A_168 = arith.constant 0 : i32
      %dma_wait3A_169 = tpu.memref_slice %arg14[%dma_wait3A_167, %dma_wait3A_168] : memref<128x16xf32, #tpu.memory_space<vmem>> -> memref<128x16xf32, #tpu.memory_space<vmem>>
      tpu.wait_dma2 semaphore(%run_scoped3A_149 : memref<!tpu.dma_semaphore, #tpu.memory_space<semaphore_mem>>) src(%dma_wait3A_169 : memref<128x16xf32, #tpu.memory_space<vmem>>) dst(%dma_wait3A_166 : memref<128x16xf32, #tpu.memory_space<vmem_shared>>)
      tpu.yield
    }) : () -> ()
    %add3A_18 = arith.constant 384 : i32
    %add3A_19 = arith.addi %mul3A_6, %add3A_18 : i32
    "tpu.region"() ({
      %run_scoped3A_149 = tpu.sem_alloc : memref<!tpu.dma_semaphore, #tpu.memory_space<semaphore_mem>>
      %dma_start3A_150 = arith.constant 0 : i32
      %dma_start3A_151 = arith.constant 0 : i32
      %dma_start3A_152 = tpu.memref_slice %arg8[%dma_start3A_150, %dma_start3A_151] : memref<128x64xf32, #tpu.memory_space<vmem>> -> memref<128x64xf32, #tpu.memory_space<vmem>>
      %dma_start3A_153 = arith.constant 0 : i32
      %dma_start3A_154 = tpu.memref_slice %arg15[%add3A_19, %dma_start3A_153] : memref<10240x64xf32, #tpu.memory_space<vmem_shared>> -> memref<128x64xf32, #tpu.memory_space<vmem_shared>>
      %dma_start3A_155 = arith.constant 0 : i32
      %dma_start3A_156 = tpu.memref_slice %arg15[%add3A_19, %dma_start3A_155] : memref<10240x64xf32, #tpu.memory_space<vmem_shared>> -> memref<128x64xf32, #tpu.memory_space<vmem_shared>>
      %dma_start3A_157 = arith.constant 0 : i32
      %dma_start3A_158 = arith.constant 0 : i32
      %dma_start3A_159 = tpu.memref_slice %arg8[%dma_start3A_157, %dma_start3A_158] : memref<128x64xf32, #tpu.memory_space<vmem>> -> memref<128x64xf32, #tpu.memory_space<vmem>>
      tpu.enqueue_dma source(%dma_start3A_159 : memref<128x64xf32, #tpu.memory_space<vmem>>) target(%dma_start3A_156 : memref<128x64xf32, #tpu.memory_space<vmem_shared>>) target_semaphore(%run_scoped3A_149 : memref<!tpu.dma_semaphore, #tpu.memory_space<semaphore_mem>>)
      %dma_wait3A_160 = arith.constant 0 : i32
      %dma_wait3A_161 = arith.constant 0 : i32
      %dma_wait3A_162 = tpu.memref_slice %arg8[%dma_wait3A_160, %dma_wait3A_161] : memref<128x64xf32, #tpu.memory_space<vmem>> -> memref<128x64xf32, #tpu.memory_space<vmem>>
      %dma_wait3A_163 = arith.constant 0 : i32
      %dma_wait3A_164 = tpu.memref_slice %arg15[%add3A_19, %dma_wait3A_163] : memref<10240x64xf32, #tpu.memory_space<vmem_shared>> -> memref<128x64xf32, #tpu.memory_space<vmem_shared>>
      %dma_wait3A_165 = arith.constant 0 : i32
      %dma_wait3A_166 = tpu.memref_slice %arg15[%add3A_19, %dma_wait3A_165] : memref<10240x64xf32, #tpu.memory_space<vmem_shared>> -> memref<128x64xf32, #tpu.memory_space<vmem_shared>>
      %dma_wait3A_167 = arith.constant 0 : i32
      %dma_wait3A_168 = arith.constant 0 : i32
      %dma_wait3A_169 = tpu.memref_slice %arg8[%dma_wait3A_167, %dma_wait3A_168] : memref<128x64xf32, #tpu.memory_space<vmem>> -> memref<128x64xf32, #tpu.memory_space<vmem>>
      tpu.wait_dma2 semaphore(%run_scoped3A_149 : memref<!tpu.dma_semaphore, #tpu.memory_space<semaphore_mem>>) src(%dma_wait3A_169 : memref<128x64xf32, #tpu.memory_space<vmem>>) dst(%dma_wait3A_166 : memref<128x64xf32, #tpu.memory_space<vmem_shared>>)
      tpu.yield
    }) : () -> ()
    %add3A_20 = arith.constant 384 : i32
    %add3A_21 = arith.addi %mul3A_6, %add3A_20 : i32
    "tpu.region"() ({
      %run_scoped3A_149 = tpu.sem_alloc : memref<!tpu.dma_semaphore, #tpu.memory_space<semaphore_mem>>
      %dma_start3A_150 = arith.constant 0 : i32
      %dma_start3A_151 = arith.constant 0 : i32
      %dma_start3A_152 = tpu.memref_slice %arg14[%dma_start3A_150, %dma_start3A_151] : memref<128x16xf32, #tpu.memory_space<vmem>> -> memref<128x16xf32, #tpu.memory_space<vmem>>
      %dma_start3A_153 = arith.constant 0 : i32
      %dma_start3A_154 = tpu.memref_slice %arg16[%add3A_21, %dma_start3A_153] : memref<10240x16xf32, #tpu.memory_space<vmem_shared>> -> memref<128x16xf32, #tpu.memory_space<vmem_shared>>
      %dma_start3A_155 = arith.constant 0 : i32
      %dma_start3A_156 = tpu.memref_slice %arg16[%add3A_21, %dma_start3A_155] : memref<10240x16xf32, #tpu.memory_space<vmem_shared>> -> memref<128x16xf32, #tpu.memory_space<vmem_shared>>
      %dma_start3A_157 = arith.constant 0 : i32
      %dma_start3A_158 = arith.constant 0 : i32
      %dma_start3A_159 = tpu.memref_slice %arg14[%dma_start3A_157, %dma_start3A_158] : memref<128x16xf32, #tpu.memory_space<vmem>> -> memref<128x16xf32, #tpu.memory_space<vmem>>
      tpu.enqueue_dma source(%dma_start3A_159 : memref<128x16xf32, #tpu.memory_space<vmem>>) target(%dma_start3A_156 : memref<128x16xf32, #tpu.memory_space<vmem_shared>>) target_semaphore(%run_scoped3A_149 : memref<!tpu.dma_semaphore, #tpu.memory_space<semaphore_mem>>)
      %dma_wait3A_160 = arith.constant 0 : i32
      %dma_wait3A_161 = arith.constant 0 : i32
      %dma_wait3A_162 = tpu.memref_slice %arg14[%dma_wait3A_160, %dma_wait3A_161] : memref<128x16xf32, #tpu.memory_space<vmem>> -> memref<128x16xf32, #tpu.memory_space<vmem>>
      %dma_wait3A_163 = arith.constant 0 : i32
      %dma_wait3A_164 = tpu.memref_slice %arg16[%add3A_21, %dma_wait3A_163] : memref<10240x16xf32, #tpu.memory_space<vmem_shared>> -> memref<128x16xf32, #tpu.memory_space<vmem_shared>>
      %dma_wait3A_165 = arith.constant 0 : i32
      %dma_wait3A_166 = tpu.memref_slice %arg16[%add3A_21, %dma_wait3A_165] : memref<10240x16xf32, #tpu.memory_space<vmem_shared>> -> memref<128x16xf32, #tpu.memory_space<vmem_shared>>
      %dma_wait3A_167 = arith.constant 0 : i32
      %dma_wait3A_168 = arith.constant 0 : i32
      %dma_wait3A_169 = tpu.memref_slice %arg14[%dma_wait3A_167, %dma_wait3A_168] : memref<128x16xf32, #tpu.memory_space<vmem>> -> memref<128x16xf32, #tpu.memory_space<vmem>>
      tpu.wait_dma2 semaphore(%run_scoped3A_149 : memref<!tpu.dma_semaphore, #tpu.memory_space<semaphore_mem>>) src(%dma_wait3A_169 : memref<128x16xf32, #tpu.memory_space<vmem>>) dst(%dma_wait3A_166 : memref<128x16xf32, #tpu.memory_space<vmem_shared>>)
      tpu.yield
    }) : () -> ()
    %add3A_22 = arith.constant 512 : i32
    %add3A_23 = arith.addi %mul3A_6, %add3A_22 : i32
    "tpu.region"() ({
      %run_scoped3A_149 = tpu.sem_alloc : memref<!tpu.dma_semaphore, #tpu.memory_space<semaphore_mem>>
      %dma_start3A_150 = arith.constant 0 : i32
      %dma_start3A_151 = arith.constant 0 : i32
      %dma_start3A_152 = tpu.memref_slice %arg8[%dma_start3A_150, %dma_start3A_151] : memref<128x64xf32, #tpu.memory_space<vmem>> -> memref<128x64xf32, #tpu.memory_space<vmem>>
      %dma_start3A_153 = arith.constant 0 : i32
      %dma_start3A_154 = tpu.memref_slice %arg15[%add3A_23, %dma_start3A_153] : memref<10240x64xf32, #tpu.memory_space<vmem_shared>> -> memref<128x64xf32, #tpu.memory_space<vmem_shared>>
      %dma_start3A_155 = arith.constant 0 : i32
      %dma_start3A_156 = tpu.memref_slice %arg15[%add3A_23, %dma_start3A_155] : memref<10240x64xf32, #tpu.memory_space<vmem_shared>> -> memref<128x64xf32, #tpu.memory_space<vmem_shared>>
      %dma_start3A_157 = arith.constant 0 : i32
      %dma_start3A_158 = arith.constant 0 : i32
      %dma_start3A_159 = tpu.memref_slice %arg8[%dma_start3A_157, %dma_start3A_158] : memref<128x64xf32, #tpu.memory_space<vmem>> -> memref<128x64xf32, #tpu.memory_space<vmem>>
      tpu.enqueue_dma source(%dma_start3A_159 : memref<128x64xf32, #tpu.memory_space<vmem>>) target(%dma_start3A_156 : memref<128x64xf32, #tpu.memory_space<vmem_shared>>) target_semaphore(%run_scoped3A_149 : memref<!tpu.dma_semaphore, #tpu.memory_space<semaphore_mem>>)
      %dma_wait3A_160 = arith.constant 0 : i32
      %dma_wait3A_161 = arith.constant 0 : i32
      %dma_wait3A_162 = tpu.memref_slice %arg8[%dma_wait3A_160, %dma_wait3A_161] : memref<128x64xf32, #tpu.memory_space<vmem>> -> memref<128x64xf32, #tpu.memory_space<vmem>>
      %dma_wait3A_163 = arith.constant 0 : i32
      %dma_wait3A_164 = tpu.memref_slice %arg15[%add3A_23, %dma_wait3A_163] : memref<10240x64xf32, #tpu.memory_space<vmem_shared>> -> memref<128x64xf32, #tpu.memory_space<vmem_shared>>
      %dma_wait3A_165 = arith.constant 0 : i32
      %dma_wait3A_166 = tpu.memref_slice %arg15[%add3A_23, %dma_wait3A_165] : memref<10240x64xf32, #tpu.memory_space<vmem_shared>> -> memref<128x64xf32, #tpu.memory_space<vmem_shared>>
      %dma_wait3A_167 = arith.constant 0 : i32
      %dma_wait3A_168 = arith.constant 0 : i32
      %dma_wait3A_169 = tpu.memref_slice %arg8[%dma_wait3A_167, %dma_wait3A_168] : memref<128x64xf32, #tpu.memory_space<vmem>> -> memref<128x64xf32, #tpu.memory_space<vmem>>
      tpu.wait_dma2 semaphore(%run_scoped3A_149 : memref<!tpu.dma_semaphore, #tpu.memory_space<semaphore_mem>>) src(%dma_wait3A_169 : memref<128x64xf32, #tpu.memory_space<vmem>>) dst(%dma_wait3A_166 : memref<128x64xf32, #tpu.memory_space<vmem_shared>>)
      tpu.yield
    }) : () -> ()
    %add3A_24 = arith.constant 512 : i32
    %add3A_25 = arith.addi %mul3A_6, %add3A_24 : i32
    "tpu.region"() ({
      %run_scoped3A_149 = tpu.sem_alloc : memref<!tpu.dma_semaphore, #tpu.memory_space<semaphore_mem>>
      %dma_start3A_150 = arith.constant 0 : i32
      %dma_start3A_151 = arith.constant 0 : i32
      %dma_start3A_152 = tpu.memref_slice %arg14[%dma_start3A_150, %dma_start3A_151] : memref<128x16xf32, #tpu.memory_space<vmem>> -> memref<128x16xf32, #tpu.memory_space<vmem>>
      %dma_start3A_153 = arith.constant 0 : i32
      %dma_start3A_154 = tpu.memref_slice %arg16[%add3A_25, %dma_start3A_153] : memref<10240x16xf32, #tpu.memory_space<vmem_shared>> -> memref<128x16xf32, #tpu.memory_space<vmem_shared>>
      %dma_start3A_155 = arith.constant 0 : i32
      %dma_start3A_156 = tpu.memref_slice %arg16[%add3A_25, %dma_start3A_155] : memref<10240x16xf32, #tpu.memory_space<vmem_shared>> -> memref<128x16xf32, #tpu.memory_space<vmem_shared>>
      %dma_start3A_157 = arith.constant 0 : i32
      %dma_start3A_158 = arith.constant 0 : i32
      %dma_start3A_159 = tpu.memref_slice %arg14[%dma_start3A_157, %dma_start3A_158] : memref<128x16xf32, #tpu.memory_space<vmem>> -> memref<128x16xf32, #tpu.memory_space<vmem>>
      tpu.enqueue_dma source(%dma_start3A_159 : memref<128x16xf32, #tpu.memory_space<vmem>>) target(%dma_start3A_156 : memref<128x16xf32, #tpu.memory_space<vmem_shared>>) target_semaphore(%run_scoped3A_149 : memref<!tpu.dma_semaphore, #tpu.memory_space<semaphore_mem>>)
      %dma_wait3A_160 = arith.constant 0 : i32
      %dma_wait3A_161 = arith.constant 0 : i32
      %dma_wait3A_162 = tpu.memref_slice %arg14[%dma_wait3A_160, %dma_wait3A_161] : memref<128x16xf32, #tpu.memory_space<vmem>> -> memref<128x16xf32, #tpu.memory_space<vmem>>
      %dma_wait3A_163 = arith.constant 0 : i32
      %dma_wait3A_164 = tpu.memref_slice %arg16[%add3A_25, %dma_wait3A_163] : memref<10240x16xf32, #tpu.memory_space<vmem_shared>> -> memref<128x16xf32, #tpu.memory_space<vmem_shared>>
      %dma_wait3A_165 = arith.constant 0 : i32
      %dma_wait3A_166 = tpu.memref_slice %arg16[%add3A_25, %dma_wait3A_165] : memref<10240x16xf32, #tpu.memory_space<vmem_shared>> -> memref<128x16xf32, #tpu.memory_space<vmem_shared>>
      %dma_wait3A_167 = arith.constant 0 : i32
      %dma_wait3A_168 = arith.constant 0 : i32
      %dma_wait3A_169 = tpu.memref_slice %arg14[%dma_wait3A_167, %dma_wait3A_168] : memref<128x16xf32, #tpu.memory_space<vmem>> -> memref<128x16xf32, #tpu.memory_space<vmem>>
      tpu.wait_dma2 semaphore(%run_scoped3A_149 : memref<!tpu.dma_semaphore, #tpu.memory_space<semaphore_mem>>) src(%dma_wait3A_169 : memref<128x16xf32, #tpu.memory_space<vmem>>) dst(%dma_wait3A_166 : memref<128x16xf32, #tpu.memory_space<vmem_shared>>)
      tpu.yield
    }) : () -> ()
    %broadcast_in_dim3A_26 = arith.constant 1.000000e+00 : f32
    %broadcast_in_dim3A_27 = vector.broadcast %broadcast_in_dim3A_26 : f32 to vector<16xf32>
    %scan3A_28 = arith.constant 0 : i32
    %scan3A_29 = arith.constant 0 : i32
    %scan3A_30 = arith.constant 128 : i32
    %scan3A_31 = arith.addi %scan3A_29, %scan3A_30 : i32
    %scan3A_32 = arith.constant 1 : i32
    scf.for %scan3A_149 = %scan3A_29 to %scan3A_31 step %scan3A_32  : i32 {
      %swap3A = arith.index_cast %scan3A_149 : i32 to index
      %swap3A_150 = arith.constant 0 : index
      %swap3A_151 = tpu.vector_load %arg14[%swap3A, %swap3A_150] {strides = array<i32>} : memref<128x16xf32, #tpu.memory_space<vmem>>, vector<1x16xf32>,
      %swap3A_152 = vector.shape_cast %swap3A_151 : vector<1x16xf32> to vector<16xf32>
      %swap3A_153 = vector.shape_cast %broadcast_in_dim3A_27 : vector<16xf32> to vector<1x16xf32>
      tpu.vector_store %arg14[%swap3A, %swap3A_150], %swap3A_153 {strides = array<i32>} : memref<128x16xf32, #tpu.memory_space<vmem>>, vector<1x16xf32>,
    }
    %scan3A_33 = arith.constant 128 : i32
    %mul3A_34 = arith.constant 16 : i32
    %mul3A_35 = arith.muli %arg0, %mul3A_34 : i32
    %add3A_36 = arith.addi %mul3A_35, %arg1 : i32
    %mul3A_37 = arith.constant 78 : i32
    %mul3A_38 = arith.muli %add3A_36, %mul3A_37 : i32
    %run_scoped3A = arith.constant 0 : i32
    "tpu.region"() ({
      %run_scoped3A_149 = tpu.sem_alloc : memref<!tpu.dma_semaphore, #tpu.memory_space<semaphore_mem>>
      %dma_start3A_150 = arith.constant 0 : i32
      %dma_start3A_151 = arith.constant 0 : i32
      %dma_start3A_152 = tpu.memref_slice %arg6[%dma_start3A_150, %dma_start3A_151] : memref<79x128xi32, #tpu.memory_space<vmem>> -> memref<78x128xi32, #tpu.memory_space<vmem>>
      %dma_start3A_153 = arith.constant 0 : i32
      %dma_start3A_154 = tpu.memref_slice %arg2[%run_scoped3A, %mul3A_38, %dma_start3A_153] : memref<2x2500x128xi32, #tpu.memory_space<hbm>> -> memref<1x78x128xi32, #tpu.memory_space<hbm>>
      %dma_start3A_155 = tpu.memref_squeeze %dma_start3A_154 : memref<1x78x128xi32, #tpu.memory_space<hbm>> -> memref<78x128xi32, #tpu.memory_space<hbm>>
      %dma_start3A_156 = arith.constant 0 : i32
      %dma_start3A_157 = arith.constant 0 : i32
      %dma_start3A_158 = tpu.memref_slice %arg6[%dma_start3A_156, %dma_start3A_157] : memref<79x128xi32, #tpu.memory_space<vmem>> -> memref<78x128xi32, #tpu.memory_space<vmem>>
      %dma_start3A_159 = arith.constant 0 : i32
      %dma_start3A_160 = tpu.memref_slice %arg2[%run_scoped3A, %mul3A_38, %dma_start3A_159] : memref<2x2500x128xi32, #tpu.memory_space<hbm>> -> memref<1x78x128xi32, #tpu.memory_space<hbm>>
      %dma_start3A_161 = tpu.memref_squeeze %dma_start3A_160 : memref<1x78x128xi32, #tpu.memory_space<hbm>> -> memref<78x128xi32, #tpu.memory_space<hbm>>
      tpu.enqueue_dma source(%dma_start3A_161 : memref<78x128xi32, #tpu.memory_space<hbm>>) target(%dma_start3A_158 : memref<78x128xi32, #tpu.memory_space<vmem>>) target_semaphore(%run_scoped3A_149 : memref<!tpu.dma_semaphore, #tpu.memory_space<semaphore_mem>>)
      %dma_wait3A_162 = arith.constant 0 : i32
      %dma_wait3A_163 = arith.constant 0 : i32
      %dma_wait3A_164 = tpu.memref_slice %arg6[%dma_wait3A_162, %dma_wait3A_163] : memref<79x128xi32, #tpu.memory_space<vmem>> -> memref<78x128xi32, #tpu.memory_space<vmem>>
      %dma_wait3A_165 = arith.constant 0 : i32
      %dma_wait3A_166 = tpu.memref_slice %arg2[%run_scoped3A, %mul3A_38, %dma_wait3A_165] : memref<2x2500x128xi32, #tpu.memory_space<hbm>> -> memref<1x78x128xi32, #tpu.memory_space<hbm>>
      %dma_wait3A_167 = tpu.memref_squeeze %dma_wait3A_166 : memref<1x78x128xi32, #tpu.memory_space<hbm>> -> memref<78x128xi32, #tpu.memory_space<hbm>>
      %dma_wait3A_168 = arith.constant 0 : i32
      %dma_wait3A_169 = arith.constant 0 : i32
      %dma_wait3A_170 = tpu.memref_slice %arg6[%dma_wait3A_168, %dma_wait3A_169] : memref<79x128xi32, #tpu.memory_space<vmem>> -> memref<78x128xi32, #tpu.memory_space<vmem>>
      %dma_wait3A_171 = arith.constant 0 : i32
      %dma_wait3A_172 = tpu.memref_slice %arg2[%run_scoped3A, %mul3A_38, %dma_wait3A_171] : memref<2x2500x128xi32, #tpu.memory_space<hbm>> -> memref<1x78x128xi32, #tpu.memory_space<hbm>>
      %dma_wait3A_173 = tpu.memref_squeeze %dma_wait3A_172 : memref<1x78x128xi32, #tpu.memory_space<hbm>> -> memref<78x128xi32, #tpu.memory_space<hbm>>
      tpu.wait_dma2 semaphore(%run_scoped3A_149 : memref<!tpu.dma_semaphore, #tpu.memory_space<semaphore_mem>>) src(%dma_wait3A_173 : memref<78x128xi32, #tpu.memory_space<hbm>>) dst(%dma_wait3A_170 : memref<78x128xi32, #tpu.memory_space<vmem>>)
      tpu.yield
    }) : () -> ()
    %mul3A_39 = arith.constant 78 : i32
    %mul3A_40 = arith.muli %add3A_36, %mul3A_39 : i32
    %run_scoped3A_41 = arith.constant 1 : i32
    "tpu.region"() ({
      %run_scoped3A_149 = tpu.sem_alloc : memref<!tpu.dma_semaphore, #tpu.memory_space<semaphore_mem>>
      %dma_start3A_150 = arith.constant 0 : i32
      %dma_start3A_151 = arith.constant 0 : i32
      %dma_start3A_152 = tpu.memref_slice %arg7[%dma_start3A_150, %dma_start3A_151] : memref<79x128xi32, #tpu.memory_space<vmem>> -> memref<78x128xi32, #tpu.memory_space<vmem>>
      %dma_start3A_153 = arith.constant 0 : i32
      %dma_start3A_154 = tpu.memref_slice %arg2[%run_scoped3A_41, %mul3A_40, %dma_start3A_153] : memref<2x2500x128xi32, #tpu.memory_space<hbm>> -> memref<1x78x128xi32, #tpu.memory_space<hbm>>
      %dma_start3A_155 = tpu.memref_squeeze %dma_start3A_154 : memref<1x78x128xi32, #tpu.memory_space<hbm>> -> memref<78x128xi32, #tpu.memory_space<hbm>>
      %dma_start3A_156 = arith.constant 0 : i32
      %dma_start3A_157 = arith.constant 0 : i32
      %dma_start3A_158 = tpu.memref_slice %arg7[%dma_start3A_156, %dma_start3A_157] : memref<79x128xi32, #tpu.memory_space<vmem>> -> memref<78x128xi32, #tpu.memory_space<vmem>>
      %dma_start3A_159 = arith.constant 0 : i32
      %dma_start3A_160 = tpu.memref_slice %arg2[%run_scoped3A_41, %mul3A_40, %dma_start3A_159] : memref<2x2500x128xi32, #tpu.memory_space<hbm>> -> memref<1x78x128xi32, #tpu.memory_space<hbm>>
      %dma_start3A_161 = tpu.memref_squeeze %dma_start3A_160 : memref<1x78x128xi32, #tpu.memory_space<hbm>> -> memref<78x128xi32, #tpu.memory_space<hbm>>
      tpu.enqueue_dma source(%dma_start3A_161 : memref<78x128xi32, #tpu.memory_space<hbm>>) target(%dma_start3A_158 : memref<78x128xi32, #tpu.memory_space<vmem>>) target_semaphore(%run_scoped3A_149 : memref<!tpu.dma_semaphore, #tpu.memory_space<semaphore_mem>>)
      %dma_wait3A_162 = arith.constant 0 : i32
      %dma_wait3A_163 = arith.constant 0 : i32
      %dma_wait3A_164 = tpu.memref_slice %arg7[%dma_wait3A_162, %dma_wait3A_163] : memref<79x128xi32, #tpu.memory_space<vmem>> -> memref<78x128xi32, #tpu.memory_space<vmem>>
      %dma_wait3A_165 = arith.constant 0 : i32
      %dma_wait3A_166 = tpu.memref_slice %arg2[%run_scoped3A_41, %mul3A_40, %dma_wait3A_165] : memref<2x2500x128xi32, #tpu.memory_space<hbm>> -> memref<1x78x128xi32, #tpu.memory_space<hbm>>
      %dma_wait3A_167 = tpu.memref_squeeze %dma_wait3A_166 : memref<1x78x128xi32, #tpu.memory_space<hbm>> -> memref<78x128xi32, #tpu.memory_space<hbm>>
      %dma_wait3A_168 = arith.constant 0 : i32
      %dma_wait3A_169 = arith.constant 0 : i32
      %dma_wait3A_170 = tpu.memref_slice %arg7[%dma_wait3A_168, %dma_wait3A_169] : memref<79x128xi32, #tpu.memory_space<vmem>> -> memref<78x128xi32, #tpu.memory_space<vmem>>
      %dma_wait3A_171 = arith.constant 0 : i32
      %dma_wait3A_172 = tpu.memref_slice %arg2[%run_scoped3A_41, %mul3A_40, %dma_wait3A_171] : memref<2x2500x128xi32, #tpu.memory_space<hbm>> -> memref<1x78x128xi32, #tpu.memory_space<hbm>>
      %dma_wait3A_173 = tpu.memref_squeeze %dma_wait3A_172 : memref<1x78x128xi32, #tpu.memory_space<hbm>> -> memref<78x128xi32, #tpu.memory_space<hbm>>
      tpu.wait_dma2 semaphore(%run_scoped3A_149 : memref<!tpu.dma_semaphore, #tpu.memory_space<semaphore_mem>>) src(%dma_wait3A_173 : memref<78x128xi32, #tpu.memory_space<hbm>>) dst(%dma_wait3A_170 : memref<78x128xi32, #tpu.memory_space<vmem>>)
      tpu.yield
    }) : () -> ()
    %lt3A = arith.constant 4 : i32
    %lt3A_42 = arith.cmpi slt, %add3A_36, %lt3A : i32
    %convert_element_type3A = arith.extui %lt3A_42 : i1 to i32
    %cond3A = arith.constant 0 : i32
    %cond3A_43 = arith.cmpi ne, %convert_element_type3A, %cond3A : i32
    scf.if %cond3A_43 {
      %add3A_149 = arith.constant 2496 : i32
      %add3A_150 = arith.addi %add3A_149, %add3A_36 : i32
      %run_scoped3A_151 = arith.constant 0 : i32
      "tpu.region"() ({
        %run_scoped3A_155 = tpu.sem_alloc : memref<!tpu.dma_semaphore, #tpu.memory_space<semaphore_mem>>
        %dma_start3A_156 = arith.constant 78 : i32
        %dma_start3A_157 = arith.constant 0 : i32
        %dma_start3A_158 = tpu.memref_slice %arg6[%dma_start3A_156, %dma_start3A_157] : memref<79x128xi32, #tpu.memory_space<vmem>> -> memref<1x128xi32, #tpu.memory_space<vmem>>
        %dma_start3A_159 = arith.constant 0 : i32
        %dma_start3A_160 = tpu.memref_slice %arg2[%run_scoped3A_151, %add3A_150, %dma_start3A_159] : memref<2x2500x128xi32, #tpu.memory_space<hbm>> -> memref<1x1x128xi32, #tpu.memory_space<hbm>>
        %dma_start3A_161 = tpu.memref_squeeze %dma_start3A_160 : memref<1x1x128xi32, #tpu.memory_space<hbm>> -> memref<1x128xi32, #tpu.memory_space<hbm>>
        %dma_start3A_162 = arith.constant 78 : i32
        %dma_start3A_163 = arith.constant 0 : i32
        %dma_start3A_164 = tpu.memref_slice %arg6[%dma_start3A_162, %dma_start3A_163] : memref<79x128xi32, #tpu.memory_space<vmem>> -> memref<1x128xi32, #tpu.memory_space<vmem>>
        %dma_start3A_165 = arith.constant 0 : i32
        %dma_start3A_166 = tpu.memref_slice %arg2[%run_scoped3A_151, %add3A_150, %dma_start3A_165] : memref<2x2500x128xi32, #tpu.memory_space<hbm>> -> memref<1x1x128xi32, #tpu.memory_space<hbm>>
        %dma_start3A_167 = tpu.memref_squeeze %dma_start3A_166 : memref<1x1x128xi32, #tpu.memory_space<hbm>> -> memref<1x128xi32, #tpu.memory_space<hbm>>
        tpu.enqueue_dma source(%dma_start3A_167 : memref<1x128xi32, #tpu.memory_space<hbm>>) target(%dma_start3A_164 : memref<1x128xi32, #tpu.memory_space<vmem>>) target_semaphore(%run_scoped3A_155 : memref<!tpu.dma_semaphore, #tpu.memory_space<semaphore_mem>>)
        %dma_wait3A_168 = arith.constant 78 : i32
        %dma_wait3A_169 = arith.constant 0 : i32
        %dma_wait3A_170 = tpu.memref_slice %arg6[%dma_wait3A_168, %dma_wait3A_169] : memref<79x128xi32, #tpu.memory_space<vmem>> -> memref<1x128xi32, #tpu.memory_space<vmem>>
        %dma_wait3A_171 = arith.constant 0 : i32
        %dma_wait3A_172 = tpu.memref_slice %arg2[%run_scoped3A_151, %add3A_150, %dma_wait3A_171] : memref<2x2500x128xi32, #tpu.memory_space<hbm>> -> memref<1x1x128xi32, #tpu.memory_space<hbm>>
        %dma_wait3A_173 = tpu.memref_squeeze %dma_wait3A_172 : memref<1x1x128xi32, #tpu.memory_space<hbm>> -> memref<1x128xi32, #tpu.memory_space<hbm>>
        %dma_wait3A_174 = arith.constant 78 : i32
        %dma_wait3A_175 = arith.constant 0 : i32
        %dma_wait3A_176 = tpu.memref_slice %arg6[%dma_wait3A_174, %dma_wait3A_175] : memref<79x128xi32, #tpu.memory_space<vmem>> -> memref<1x128xi32, #tpu.memory_space<vmem>>
        %dma_wait3A_177 = arith.constant 0 : i32
        %dma_wait3A_178 = tpu.memref_slice %arg2[%run_scoped3A_151, %add3A_150, %dma_wait3A_177] : memref<2x2500x128xi32, #tpu.memory_space<hbm>> -> memref<1x1x128xi32, #tpu.memory_space<hbm>>
        %dma_wait3A_179 = tpu.memref_squeeze %dma_wait3A_178 : memref<1x1x128xi32, #tpu.memory_space<hbm>> -> memref<1x128xi32, #tpu.memory_space<hbm>>
        tpu.wait_dma2 semaphore(%run_scoped3A_155 : memref<!tpu.dma_semaphore, #tpu.memory_space<semaphore_mem>>) src(%dma_wait3A_179 : memref<1x128xi32, #tpu.memory_space<hbm>>) dst(%dma_wait3A_176 : memref<1x128xi32, #tpu.memory_space<vmem>>)
        tpu.yield
      }) : () -> ()
      %add3A_152 = arith.constant 2496 : i32
      %add3A_153 = arith.addi %add3A_152, %add3A_36 : i32
      %run_scoped3A_154 = arith.constant 1 : i32
      "tpu.region"() ({
        %run_scoped3A_155 = tpu.sem_alloc : memref<!tpu.dma_semaphore, #tpu.memory_space<semaphore_mem>>
        %dma_start3A_156 = arith.constant 78 : i32
        %dma_start3A_157 = arith.constant 0 : i32
        %dma_start3A_158 = tpu.memref_slice %arg7[%dma_start3A_156, %dma_start3A_157] : memref<79x128xi32, #tpu.memory_space<vmem>> -> memref<1x128xi32, #tpu.memory_space<vmem>>
        %dma_start3A_159 = arith.constant 0 : i32
        %dma_start3A_160 = tpu.memref_slice %arg2[%run_scoped3A_154, %add3A_153, %dma_start3A_159] : memref<2x2500x128xi32, #tpu.memory_space<hbm>> -> memref<1x1x128xi32, #tpu.memory_space<hbm>>
        %dma_start3A_161 = tpu.memref_squeeze %dma_start3A_160 : memref<1x1x128xi32, #tpu.memory_space<hbm>> -> memref<1x128xi32, #tpu.memory_space<hbm>>
        %dma_start3A_162 = arith.constant 78 : i32
        %dma_start3A_163 = arith.constant 0 : i32
        %dma_start3A_164 = tpu.memref_slice %arg7[%dma_start3A_162, %dma_start3A_163] : memref<79x128xi32, #tpu.memory_space<vmem>> -> memref<1x128xi32, #tpu.memory_space<vmem>>
        %dma_start3A_165 = arith.constant 0 : i32
        %dma_start3A_166 = tpu.memref_slice %arg2[%run_scoped3A_154, %add3A_153, %dma_start3A_165] : memref<2x2500x128xi32, #tpu.memory_space<hbm>> -> memref<1x1x128xi32, #tpu.memory_space<hbm>>
        %dma_start3A_167 = tpu.memref_squeeze %dma_start3A_166 : memref<1x1x128xi32, #tpu.memory_space<hbm>> -> memref<1x128xi32, #tpu.memory_space<hbm>>
        tpu.enqueue_dma source(%dma_start3A_167 : memref<1x128xi32, #tpu.memory_space<hbm>>) target(%dma_start3A_164 : memref<1x128xi32, #tpu.memory_space<vmem>>) target_semaphore(%run_scoped3A_155 : memref<!tpu.dma_semaphore, #tpu.memory_space<semaphore_mem>>)
        %dma_wait3A_168 = arith.constant 78 : i32
        %dma_wait3A_169 = arith.constant 0 : i32
        %dma_wait3A_170 = tpu.memref_slice %arg7[%dma_wait3A_168, %dma_wait3A_169] : memref<79x128xi32, #tpu.memory_space<vmem>> -> memref<1x128xi32, #tpu.memory_space<vmem>>
        %dma_wait3A_171 = arith.constant 0 : i32
        %dma_wait3A_172 = tpu.memref_slice %arg2[%run_scoped3A_154, %add3A_153, %dma_wait3A_171] : memref<2x2500x128xi32, #tpu.memory_space<hbm>> -> memref<1x1x128xi32, #tpu.memory_space<hbm>>
        %dma_wait3A_173 = tpu.memref_squeeze %dma_wait3A_172 : memref<1x1x128xi32, #tpu.memory_space<hbm>> -> memref<1x128xi32, #tpu.memory_space<hbm>>
        %dma_wait3A_174 = arith.constant 78 : i32
        %dma_wait3A_175 = arith.constant 0 : i32
        %dma_wait3A_176 = tpu.memref_slice %arg7[%dma_wait3A_174, %dma_wait3A_175] : memref<79x128xi32, #tpu.memory_space<vmem>> -> memref<1x128xi32, #tpu.memory_space<vmem>>
        %dma_wait3A_177 = arith.constant 0 : i32
        %dma_wait3A_178 = tpu.memref_slice %arg2[%run_scoped3A_154, %add3A_153, %dma_wait3A_177] : memref<2x2500x128xi32, #tpu.memory_space<hbm>> -> memref<1x1x128xi32, #tpu.memory_space<hbm>>
        %dma_wait3A_179 = tpu.memref_squeeze %dma_wait3A_178 : memref<1x1x128xi32, #tpu.memory_space<hbm>> -> memref<1x128xi32, #tpu.memory_space<hbm>>
        tpu.wait_dma2 semaphore(%run_scoped3A_155 : memref<!tpu.dma_semaphore, #tpu.memory_space<semaphore_mem>>) src(%dma_wait3A_179 : memref<1x128xi32, #tpu.memory_space<hbm>>) dst(%dma_wait3A_176 : memref<1x128xi32, #tpu.memory_space<vmem>>)
        tpu.yield
      }) : () -> ()
    } else {
    }
    %barrier3A = arith.constant 0 : index
    tpu.barrier barrier_id(%barrier3A)
    %dma_start3A = arith.constant 0 : i32
    %dma_start3A_44 = arith.constant 0 : i32
    %dma_start3A_45 = tpu.memref_slice %arg6[%dma_start3A, %dma_start3A_44] : memref<79x128xi32, #tpu.memory_space<vmem>> -> memref<1x128xi32, #tpu.memory_space<vmem>>
    %dma_start3A_46 = tpu.memref_squeeze %dma_start3A_45 : memref<1x128xi32, #tpu.memory_space<vmem>> -> memref<128xi32, #tpu.memory_space<vmem>>
    %dma_start3A_47 = arith.constant 0 : i32
    %dma_start3A_48 = arith.constant 0 : i32
    %dma_start3A_49 = tpu.memref_slice %arg3[%dma_start3A_47, %dma_start3A_48] : memref<10000x64xf32, #tpu.memory_space<hbm>> -> memref<10000x64xf32, #tpu.memory_space<hbm>>
    tpu.enqueue_indirect_dma source(%dma_start3A_49 : memref<10000x64xf32, #tpu.memory_space<hbm>>) target(%arg8 : memref<128x64xf32, #tpu.memory_space<vmem>>) offsets(%dma_start3A_46 : memref<128xi32, #tpu.memory_space<vmem>>) semaphore(%arg17 : memref<!tpu.dma_semaphore, #tpu.memory_space<semaphore_mem>>)
    %dma_start3A_50 = arith.constant 1 : i32
    %dma_start3A_51 = arith.constant 0 : i32
    %dma_start3A_52 = tpu.memref_slice %arg6[%dma_start3A_50, %dma_start3A_51] : memref<79x128xi32, #tpu.memory_space<vmem>> -> memref<1x128xi32, #tpu.memory_space<vmem>>
    %dma_start3A_53 = tpu.memref_squeeze %dma_start3A_52 : memref<1x128xi32, #tpu.memory_space<vmem>> -> memref<128xi32, #tpu.memory_space<vmem>>
    %dma_start3A_54 = arith.constant 0 : i32
    %dma_start3A_55 = arith.constant 0 : i32
    %dma_start3A_56 = tpu.memref_slice %arg3[%dma_start3A_54, %dma_start3A_55] : memref<10000x64xf32, #tpu.memory_space<hbm>> -> memref<10000x64xf32, #tpu.memory_space<hbm>>
    tpu.enqueue_indirect_dma source(%dma_start3A_56 : memref<10000x64xf32, #tpu.memory_space<hbm>>) target(%arg9 : memref<128x64xf32, #tpu.memory_space<vmem>>) offsets(%dma_start3A_53 : memref<128xi32, #tpu.memory_space<vmem>>) semaphore(%arg18 : memref<!tpu.dma_semaphore, #tpu.memory_space<semaphore_mem>>)
    %dma_start3A_57 = arith.constant 2 : i32
    %dma_start3A_58 = arith.constant 0 : i32
    %dma_start3A_59 = tpu.memref_slice %arg6[%dma_start3A_57, %dma_start3A_58] : memref<79x128xi32, #tpu.memory_space<vmem>> -> memref<1x128xi32, #tpu.memory_space<vmem>>
    %dma_start3A_60 = tpu.memref_squeeze %dma_start3A_59 : memref<1x128xi32, #tpu.memory_space<vmem>> -> memref<128xi32, #tpu.memory_space<vmem>>
    %dma_start3A_61 = arith.constant 0 : i32
    %dma_start3A_62 = arith.constant 0 : i32
    %dma_start3A_63 = tpu.memref_slice %arg3[%dma_start3A_61, %dma_start3A_62] : memref<10000x64xf32, #tpu.memory_space<hbm>> -> memref<10000x64xf32, #tpu.memory_space<hbm>>
    tpu.enqueue_indirect_dma source(%dma_start3A_63 : memref<10000x64xf32, #tpu.memory_space<hbm>>) target(%arg10 : memref<128x64xf32, #tpu.memory_space<vmem>>) offsets(%dma_start3A_60 : memref<128xi32, #tpu.memory_space<vmem>>) semaphore(%arg19 : memref<!tpu.dma_semaphore, #tpu.memory_space<semaphore_mem>>)
    %dma_start3A_64 = arith.constant 3 : i32
    %dma_start3A_65 = arith.constant 0 : i32
    %dma_start3A_66 = tpu.memref_slice %arg6[%dma_start3A_64, %dma_start3A_65] : memref<79x128xi32, #tpu.memory_space<vmem>> -> memref<1x128xi32, #tpu.memory_space<vmem>>
    %dma_start3A_67 = tpu.memref_squeeze %dma_start3A_66 : memref<1x128xi32, #tpu.memory_space<vmem>> -> memref<128xi32, #tpu.memory_space<vmem>>
    %dma_start3A_68 = arith.constant 0 : i32
    %dma_start3A_69 = arith.constant 0 : i32
    %dma_start3A_70 = tpu.memref_slice %arg3[%dma_start3A_68, %dma_start3A_69] : memref<10000x64xf32, #tpu.memory_space<hbm>> -> memref<10000x64xf32, #tpu.memory_space<hbm>>
    tpu.enqueue_indirect_dma source(%dma_start3A_70 : memref<10000x64xf32, #tpu.memory_space<hbm>>) target(%arg11 : memref<128x64xf32, #tpu.memory_space<vmem>>) offsets(%dma_start3A_67 : memref<128xi32, #tpu.memory_space<vmem>>) semaphore(%arg20 : memref<!tpu.dma_semaphore, #tpu.memory_space<semaphore_mem>>)
    %dma_start3A_71 = arith.constant 4 : i32
    %dma_start3A_72 = arith.constant 0 : i32
    %dma_start3A_73 = tpu.memref_slice %arg6[%dma_start3A_71, %dma_start3A_72] : memref<79x128xi32, #tpu.memory_space<vmem>> -> memref<1x128xi32, #tpu.memory_space<vmem>>
    %dma_start3A_74 = tpu.memref_squeeze %dma_start3A_73 : memref<1x128xi32, #tpu.memory_space<vmem>> -> memref<128xi32, #tpu.memory_space<vmem>>
    %dma_start3A_75 = arith.constant 0 : i32
    %dma_start3A_76 = arith.constant 0 : i32
    %dma_start3A_77 = tpu.memref_slice %arg3[%dma_start3A_75, %dma_start3A_76] : memref<10000x64xf32, #tpu.memory_space<hbm>> -> memref<10000x64xf32, #tpu.memory_space<hbm>>
    tpu.enqueue_indirect_dma source(%dma_start3A_77 : memref<10000x64xf32, #tpu.memory_space<hbm>>) target(%arg12 : memref<128x64xf32, #tpu.memory_space<vmem>>) offsets(%dma_start3A_74 : memref<128xi32, #tpu.memory_space<vmem>>) semaphore(%arg21 : memref<!tpu.dma_semaphore, #tpu.memory_space<semaphore_mem>>)
    %dma_start3A_78 = arith.constant 5 : i32
    %dma_start3A_79 = arith.constant 0 : i32
    %dma_start3A_80 = tpu.memref_slice %arg6[%dma_start3A_78, %dma_start3A_79] : memref<79x128xi32, #tpu.memory_space<vmem>> -> memref<1x128xi32, #tpu.memory_space<vmem>>
    %dma_start3A_81 = tpu.memref_squeeze %dma_start3A_80 : memref<1x128xi32, #tpu.memory_space<vmem>> -> memref<128xi32, #tpu.memory_space<vmem>>
    %dma_start3A_82 = arith.constant 0 : i32
    %dma_start3A_83 = arith.constant 0 : i32
    %dma_start3A_84 = tpu.memref_slice %arg3[%dma_start3A_82, %dma_start3A_83] : memref<10000x64xf32, #tpu.memory_space<hbm>> -> memref<10000x64xf32, #tpu.memory_space<hbm>>
    tpu.enqueue_indirect_dma source(%dma_start3A_84 : memref<10000x64xf32, #tpu.memory_space<hbm>>) target(%arg13 : memref<128x64xf32, #tpu.memory_space<vmem>>) offsets(%dma_start3A_81 : memref<128xi32, #tpu.memory_space<vmem>>) semaphore(%arg22 : memref<!tpu.dma_semaphore, #tpu.memory_space<semaphore_mem>>)
    %scan3A_85 = arith.constant 0 : i32
    %scan3A_86 = arith.constant 0 : i32
    %scan3A_87 = arith.constant 13 : i32
    %scan3A_88 = arith.addi %scan3A_86, %scan3A_87 : i32
    %scan3A_89 = arith.constant 1 : i32
    scf.for %scan3A_149 = %scan3A_86 to %scan3A_88 step %scan3A_89  : i32 {
      %mul3A_150 = arith.constant 6 : i32
      %mul3A_151 = arith.muli %scan3A_149, %mul3A_150 : i32
      %dma_wait3A_152 = arith.constant 0 : i32
      %dma_wait3A_153 = arith.constant 0 : i32
      %dma_wait3A_154 = tpu.memref_slice %arg6[%dma_wait3A_152, %dma_wait3A_153] : memref<79x128xi32, #tpu.memory_space<vmem>> -> memref<1x128xi32, #tpu.memory_space<vmem>>
      %dma_wait3A_155 = tpu.memref_squeeze %dma_wait3A_154 : memref<1x128xi32, #tpu.memory_space<vmem>> -> memref<128xi32, #tpu.memory_space<vmem>>
      %dma_wait3A_156 = arith.constant 0 : i32
      %dma_wait3A_157 = arith.constant 0 : i32
      %dma_wait3A_158 = tpu.memref_slice %arg3[%dma_wait3A_156, %dma_wait3A_157] : memref<10000x64xf32, #tpu.memory_space<hbm>> -> memref<10000x64xf32, #tpu.memory_space<hbm>>
      tpu.wait_indirect_dma semaphore(%arg17 : memref<!tpu.dma_semaphore, #tpu.memory_space<semaphore_mem>>) src(%dma_wait3A_158 : memref<10000x64xf32, #tpu.memory_space<hbm>>) dst(%arg8 : memref<128x64xf32, #tpu.memory_space<vmem>>)
      %add3A_159 = arith.constant 0 : i32
      %add3A_160 = arith.addi %mul3A_151, %add3A_159 : i32
      %dma_start3A_161 = arith.constant 0 : i32
      %dma_start3A_162 = tpu.memref_slice %arg7[%add3A_160, %dma_start3A_161] : memref<79x128xi32, #tpu.memory_space<vmem>> -> memref<1x128xi32, #tpu.memory_space<vmem>>
      %dma_start3A_163 = tpu.memref_squeeze %dma_start3A_162 : memref<1x128xi32, #tpu.memory_space<vmem>> -> memref<128xi32, #tpu.memory_space<vmem>>
      %dma_start3A_164 = arith.constant 0 : i32
      %dma_start3A_165 = arith.constant 0 : i32
      %dma_start3A_166 = tpu.memref_slice %arg15[%dma_start3A_164, %dma_start3A_165] : memref<10240x64xf32, #tpu.memory_space<vmem_shared>> -> memref<10240x64xf32, #tpu.memory_space<vmem_shared>>
      tpu.enqueue_indirect_dma source(%arg8 : memref<128x64xf32, #tpu.memory_space<vmem>>) target(%dma_start3A_166 : memref<10240x64xf32, #tpu.memory_space<vmem_shared>>) offsets(%dma_start3A_163 : memref<128xi32, #tpu.memory_space<vmem>>) semaphore(%arg23 : memref<!tpu.dma_semaphore, #tpu.memory_space<semaphore_mem>>) {add = true}
      %dma_start3A_167 = arith.constant 0 : i32
      %dma_start3A_168 = tpu.memref_slice %arg7[%add3A_160, %dma_start3A_167] : memref<79x128xi32, #tpu.memory_space<vmem>> -> memref<1x128xi32, #tpu.memory_space<vmem>>
      %dma_start3A_169 = tpu.memref_squeeze %dma_start3A_168 : memref<1x128xi32, #tpu.memory_space<vmem>> -> memref<128xi32, #tpu.memory_space<vmem>>
      %dma_start3A_170 = arith.constant 0 : i32
      %dma_start3A_171 = arith.constant 0 : i32
      %dma_start3A_172 = tpu.memref_slice %arg16[%dma_start3A_170, %dma_start3A_171] : memref<10240x16xf32, #tpu.memory_space<vmem_shared>> -> memref<10240x16xf32, #tpu.memory_space<vmem_shared>>
      tpu.enqueue_indirect_dma source(%arg14 : memref<128x16xf32, #tpu.memory_space<vmem>>) target(%dma_start3A_172 : memref<10240x16xf32, #tpu.memory_space<vmem_shared>>) offsets(%dma_start3A_169 : memref<128xi32, #tpu.memory_space<vmem>>) semaphore(%arg29 : memref<!tpu.dma_semaphore, #tpu.memory_space<semaphore_mem>>) {add = true}
      %lt3A_173 = arith.constant 12 : i32
      %lt3A_174 = arith.cmpi slt, %scan3A_149, %lt3A_173 : i32
      %convert_element_type3A_175 = arith.extui %lt3A_174 : i1 to i32
      %cond3A_176 = arith.constant 0 : i32
      %cond3A_177 = arith.cmpi ne, %convert_element_type3A_175, %cond3A_176 : i32
      scf.if %cond3A_177 {
        %dma_wait3A_308 = arith.constant 0 : i32
        %dma_wait3A_309 = arith.constant 0 : i32
        %dma_wait3A_310 = tpu.memref_slice %arg7[%dma_wait3A_308, %dma_wait3A_309] : memref<79x128xi32, #tpu.memory_space<vmem>> -> memref<1x128xi32, #tpu.memory_space<vmem>>
        %dma_wait3A_311 = tpu.memref_squeeze %dma_wait3A_310 : memref<1x128xi32, #tpu.memory_space<vmem>> -> memref<128xi32, #tpu.memory_space<vmem>>
        %dma_wait3A_312 = arith.constant 0 : i32
        %dma_wait3A_313 = arith.constant 0 : i32
        %dma_wait3A_314 = tpu.memref_slice %arg15[%dma_wait3A_312, %dma_wait3A_313] : memref<10240x64xf32, #tpu.memory_space<vmem_shared>> -> memref<10240x64xf32, #tpu.memory_space<vmem_shared>>
        tpu.wait_indirect_dma semaphore(%arg23 : memref<!tpu.dma_semaphore, #tpu.memory_space<semaphore_mem>>) src(%arg8 : memref<128x64xf32, #tpu.memory_space<vmem>>) dst(%dma_wait3A_314 : memref<10240x64xf32, #tpu.memory_space<vmem_shared>>)
        %add3A_315 = arith.constant 6 : i32
        %add3A_316 = arith.addi %mul3A_151, %add3A_315 : i32
        %add3A_317 = arith.constant 0 : i32
        %add3A_318 = arith.addi %add3A_316, %add3A_317 : i32
        %dma_start3A_319 = arith.constant 0 : i32
        %dma_start3A_320 = tpu.memref_slice %arg6[%add3A_318, %dma_start3A_319] : memref<79x128xi32, #tpu.memory_space<vmem>> -> memref<1x128xi32, #tpu.memory_space<vmem>>
        %dma_start3A_321 = tpu.memref_squeeze %dma_start3A_320 : memref<1x128xi32, #tpu.memory_space<vmem>> -> memref<128xi32, #tpu.memory_space<vmem>>
        %dma_start3A_322 = arith.constant 0 : i32
        %dma_start3A_323 = arith.constant 0 : i32
        %dma_start3A_324 = tpu.memref_slice %arg3[%dma_start3A_322, %dma_start3A_323] : memref<10000x64xf32, #tpu.memory_space<hbm>> -> memref<10000x64xf32, #tpu.memory_space<hbm>>
        tpu.enqueue_indirect_dma source(%dma_start3A_324 : memref<10000x64xf32, #tpu.memory_space<hbm>>) target(%arg8 : memref<128x64xf32, #tpu.memory_space<vmem>>) offsets(%dma_start3A_321 : memref<128xi32, #tpu.memory_space<vmem>>) semaphore(%arg17 : memref<!tpu.dma_semaphore, #tpu.memory_space<semaphore_mem>>)
      } else {
      }
      %dma_wait3A_178 = arith.constant 0 : i32
      %dma_wait3A_179 = arith.constant 0 : i32
      %dma_wait3A_180 = tpu.memref_slice %arg6[%dma_wait3A_178, %dma_wait3A_179] : memref<79x128xi32, #tpu.memory_space<vmem>> -> memref<1x128xi32, #tpu.memory_space<vmem>>
      %dma_wait3A_181 = tpu.memref_squeeze %dma_wait3A_180 : memref<1x128xi32, #tpu.memory_space<vmem>> -> memref<128xi32, #tpu.memory_space<vmem>>
      %dma_wait3A_182 = arith.constant 0 : i32
      %dma_wait3A_183 = arith.constant 0 : i32
      %dma_wait3A_184 = tpu.memref_slice %arg3[%dma_wait3A_182, %dma_wait3A_183] : memref<10000x64xf32, #tpu.memory_space<hbm>> -> memref<10000x64xf32, #tpu.memory_space<hbm>>
      tpu.wait_indirect_dma semaphore(%arg18 : memref<!tpu.dma_semaphore, #tpu.memory_space<semaphore_mem>>) src(%dma_wait3A_184 : memref<10000x64xf32, #tpu.memory_space<hbm>>) dst(%arg9 : memref<128x64xf32, #tpu.memory_space<vmem>>)
      %add3A_185 = arith.constant 1 : i32
      %add3A_186 = arith.addi %mul3A_151, %add3A_185 : i32
      %dma_start3A_187 = arith.constant 0 : i32
      %dma_start3A_188 = tpu.memref_slice %arg7[%add3A_186, %dma_start3A_187] : memref<79x128xi32, #tpu.memory_space<vmem>> -> memref<1x128xi32, #tpu.memory_space<vmem>>
      %dma_start3A_189 = tpu.memref_squeeze %dma_start3A_188 : memref<1x128xi32, #tpu.memory_space<vmem>> -> memref<128xi32, #tpu.memory_space<vmem>>
      %dma_start3A_190 = arith.constant 0 : i32
      %dma_start3A_191 = arith.constant 0 : i32
      %dma_start3A_192 = tpu.memref_slice %arg15[%dma_start3A_190, %dma_start3A_191] : memref<10240x64xf32, #tpu.memory_space<vmem_shared>> -> memref<10240x64xf32, #tpu.memory_space<vmem_shared>>
      tpu.enqueue_indirect_dma source(%arg9 : memref<128x64xf32, #tpu.memory_space<vmem>>) target(%dma_start3A_192 : memref<10240x64xf32, #tpu.memory_space<vmem_shared>>) offsets(%dma_start3A_189 : memref<128xi32, #tpu.memory_space<vmem>>) semaphore(%arg24 : memref<!tpu.dma_semaphore, #tpu.memory_space<semaphore_mem>>) {add = true}
      %dma_start3A_193 = arith.constant 0 : i32
      %dma_start3A_194 = tpu.memref_slice %arg7[%add3A_186, %dma_start3A_193] : memref<79x128xi32, #tpu.memory_space<vmem>> -> memref<1x128xi32, #tpu.memory_space<vmem>>
      %dma_start3A_195 = tpu.memref_squeeze %dma_start3A_194 : memref<1x128xi32, #tpu.memory_space<vmem>> -> memref<128xi32, #tpu.memory_space<vmem>>
      %dma_start3A_196 = arith.constant 0 : i32
      %dma_start3A_197 = arith.constant 0 : i32
      %dma_start3A_198 = tpu.memref_slice %arg16[%dma_start3A_196, %dma_start3A_197] : memref<10240x16xf32, #tpu.memory_space<vmem_shared>> -> memref<10240x16xf32, #tpu.memory_space<vmem_shared>>
      tpu.enqueue_indirect_dma source(%arg14 : memref<128x16xf32, #tpu.memory_space<vmem>>) target(%dma_start3A_198 : memref<10240x16xf32, #tpu.memory_space<vmem_shared>>) offsets(%dma_start3A_195 : memref<128xi32, #tpu.memory_space<vmem>>) semaphore(%arg29 : memref<!tpu.dma_semaphore, #tpu.memory_space<semaphore_mem>>) {add = true}
      %lt3A_199 = arith.constant 12 : i32
      %lt3A_200 = arith.cmpi slt, %scan3A_149, %lt3A_199 : i32
      %convert_element_type3A_201 = arith.extui %lt3A_200 : i1 to i32
      %cond3A_202 = arith.constant 0 : i32
      %cond3A_203 = arith.cmpi ne, %convert_element_type3A_201, %cond3A_202 : i32
      scf.if %cond3A_203 {
        %dma_wait3A_308 = arith.constant 0 : i32
        %dma_wait3A_309 = arith.constant 0 : i32
        %dma_wait3A_310 = tpu.memref_slice %arg7[%dma_wait3A_308, %dma_wait3A_309] : memref<79x128xi32, #tpu.memory_space<vmem>> -> memref<1x128xi32, #tpu.memory_space<vmem>>
        %dma_wait3A_311 = tpu.memref_squeeze %dma_wait3A_310 : memref<1x128xi32, #tpu.memory_space<vmem>> -> memref<128xi32, #tpu.memory_space<vmem>>
        %dma_wait3A_312 = arith.constant 0 : i32
        %dma_wait3A_313 = arith.constant 0 : i32
        %dma_wait3A_314 = tpu.memref_slice %arg15[%dma_wait3A_312, %dma_wait3A_313] : memref<10240x64xf32, #tpu.memory_space<vmem_shared>> -> memref<10240x64xf32, #tpu.memory_space<vmem_shared>>
        tpu.wait_indirect_dma semaphore(%arg24 : memref<!tpu.dma_semaphore, #tpu.memory_space<semaphore_mem>>) src(%arg9 : memref<128x64xf32, #tpu.memory_space<vmem>>) dst(%dma_wait3A_314 : memref<10240x64xf32, #tpu.memory_space<vmem_shared>>)
        %add3A_315 = arith.constant 6 : i32
        %add3A_316 = arith.addi %mul3A_151, %add3A_315 : i32
        %add3A_317 = arith.constant 1 : i32
        %add3A_318 = arith.addi %add3A_316, %add3A_317 : i32
        %dma_start3A_319 = arith.constant 0 : i32
        %dma_start3A_320 = tpu.memref_slice %arg6[%add3A_318, %dma_start3A_319] : memref<79x128xi32, #tpu.memory_space<vmem>> -> memref<1x128xi32, #tpu.memory_space<vmem>>
        %dma_start3A_321 = tpu.memref_squeeze %dma_start3A_320 : memref<1x128xi32, #tpu.memory_space<vmem>> -> memref<128xi32, #tpu.memory_space<vmem>>
        %dma_start3A_322 = arith.constant 0 : i32
        %dma_start3A_323 = arith.constant 0 : i32
        %dma_start3A_324 = tpu.memref_slice %arg3[%dma_start3A_322, %dma_start3A_323] : memref<10000x64xf32, #tpu.memory_space<hbm>> -> memref<10000x64xf32, #tpu.memory_space<hbm>>
        tpu.enqueue_indirect_dma source(%dma_start3A_324 : memref<10000x64xf32, #tpu.memory_space<hbm>>) target(%arg9 : memref<128x64xf32, #tpu.memory_space<vmem>>) offsets(%dma_start3A_321 : memref<128xi32, #tpu.memory_space<vmem>>) semaphore(%arg18 : memref<!tpu.dma_semaphore, #tpu.memory_space<semaphore_mem>>)
      } else {
      }
      %dma_wait3A_204 = arith.constant 0 : i32
      %dma_wait3A_205 = arith.constant 0 : i32
      %dma_wait3A_206 = tpu.memref_slice %arg6[%dma_wait3A_204, %dma_wait3A_205] : memref<79x128xi32, #tpu.memory_space<vmem>> -> memref<1x128xi32, #tpu.memory_space<vmem>>
      %dma_wait3A_207 = tpu.memref_squeeze %dma_wait3A_206 : memref<1x128xi32, #tpu.memory_space<vmem>> -> memref<128xi32, #tpu.memory_space<vmem>>
      %dma_wait3A_208 = arith.constant 0 : i32
      %dma_wait3A_209 = arith.constant 0 : i32
      %dma_wait3A_210 = tpu.memref_slice %arg3[%dma_wait3A_208, %dma_wait3A_209] : memref<10000x64xf32, #tpu.memory_space<hbm>> -> memref<10000x64xf32, #tpu.memory_space<hbm>>
      tpu.wait_indirect_dma semaphore(%arg19 : memref<!tpu.dma_semaphore, #tpu.memory_space<semaphore_mem>>) src(%dma_wait3A_210 : memref<10000x64xf32, #tpu.memory_space<hbm>>) dst(%arg10 : memref<128x64xf32, #tpu.memory_space<vmem>>)
      %add3A_211 = arith.constant 2 : i32
      %add3A_212 = arith.addi %mul3A_151, %add3A_211 : i32
      %dma_start3A_213 = arith.constant 0 : i32
      %dma_start3A_214 = tpu.memref_slice %arg7[%add3A_212, %dma_start3A_213] : memref<79x128xi32, #tpu.memory_space<vmem>> -> memref<1x128xi32, #tpu.memory_space<vmem>>
      %dma_start3A_215 = tpu.memref_squeeze %dma_start3A_214 : memref<1x128xi32, #tpu.memory_space<vmem>> -> memref<128xi32, #tpu.memory_space<vmem>>
      %dma_start3A_216 = arith.constant 0 : i32
      %dma_start3A_217 = arith.constant 0 : i32
      %dma_start3A_218 = tpu.memref_slice %arg15[%dma_start3A_216, %dma_start3A_217] : memref<10240x64xf32, #tpu.memory_space<vmem_shared>> -> memref<10240x64xf32, #tpu.memory_space<vmem_shared>>
      tpu.enqueue_indirect_dma source(%arg10 : memref<128x64xf32, #tpu.memory_space<vmem>>) target(%dma_start3A_218 : memref<10240x64xf32, #tpu.memory_space<vmem_shared>>) offsets(%dma_start3A_215 : memref<128xi32, #tpu.memory_space<vmem>>) semaphore(%arg25 : memref<!tpu.dma_semaphore, #tpu.memory_space<semaphore_mem>>) {add = true}
      %dma_start3A_219 = arith.constant 0 : i32
      %dma_start3A_220 = tpu.memref_slice %arg7[%add3A_212, %dma_start3A_219] : memref<79x128xi32, #tpu.memory_space<vmem>> -> memref<1x128xi32, #tpu.memory_space<vmem>>
      %dma_start3A_221 = tpu.memref_squeeze %dma_start3A_220 : memref<1x128xi32, #tpu.memory_space<vmem>> -> memref<128xi32, #tpu.memory_space<vmem>>
      %dma_start3A_222 = arith.constant 0 : i32
      %dma_start3A_223 = arith.constant 0 : i32
      %dma_start3A_224 = tpu.memref_slice %arg16[%dma_start3A_222, %dma_start3A_223] : memref<10240x16xf32, #tpu.memory_space<vmem_shared>> -> memref<10240x16xf32, #tpu.memory_space<vmem_shared>>
      tpu.enqueue_indirect_dma source(%arg14 : memref<128x16xf32, #tpu.memory_space<vmem>>) target(%dma_start3A_224 : memref<10240x16xf32, #tpu.memory_space<vmem_shared>>) offsets(%dma_start3A_221 : memref<128xi32, #tpu.memory_space<vmem>>) semaphore(%arg29 : memref<!tpu.dma_semaphore, #tpu.memory_space<semaphore_mem>>) {add = true}
      %lt3A_225 = arith.constant 12 : i32
      %lt3A_226 = arith.cmpi slt, %scan3A_149, %lt3A_225 : i32
      %convert_element_type3A_227 = arith.extui %lt3A_226 : i1 to i32
      %cond3A_228 = arith.constant 0 : i32
      %cond3A_229 = arith.cmpi ne, %convert_element_type3A_227, %cond3A_228 : i32
      scf.if %cond3A_229 {
        %dma_wait3A_308 = arith.constant 0 : i32
        %dma_wait3A_309 = arith.constant 0 : i32
        %dma_wait3A_310 = tpu.memref_slice %arg7[%dma_wait3A_308, %dma_wait3A_309] : memref<79x128xi32, #tpu.memory_space<vmem>> -> memref<1x128xi32, #tpu.memory_space<vmem>>
        %dma_wait3A_311 = tpu.memref_squeeze %dma_wait3A_310 : memref<1x128xi32, #tpu.memory_space<vmem>> -> memref<128xi32, #tpu.memory_space<vmem>>
        %dma_wait3A_312 = arith.constant 0 : i32
        %dma_wait3A_313 = arith.constant 0 : i32
        %dma_wait3A_314 = tpu.memref_slice %arg15[%dma_wait3A_312, %dma_wait3A_313] : memref<10240x64xf32, #tpu.memory_space<vmem_shared>> -> memref<10240x64xf32, #tpu.memory_space<vmem_shared>>
        tpu.wait_indirect_dma semaphore(%arg25 : memref<!tpu.dma_semaphore, #tpu.memory_space<semaphore_mem>>) src(%arg10 : memref<128x64xf32, #tpu.memory_space<vmem>>) dst(%dma_wait3A_314 : memref<10240x64xf32, #tpu.memory_space<vmem_shared>>)
        %add3A_315 = arith.constant 6 : i32
        %add3A_316 = arith.addi %mul3A_151, %add3A_315 : i32
        %add3A_317 = arith.constant 2 : i32
        %add3A_318 = arith.addi %add3A_316, %add3A_317 : i32
        %dma_start3A_319 = arith.constant 0 : i32
        %dma_start3A_320 = tpu.memref_slice %arg6[%add3A_318, %dma_start3A_319] : memref<79x128xi32, #tpu.memory_space<vmem>> -> memref<1x128xi32, #tpu.memory_space<vmem>>
        %dma_start3A_321 = tpu.memref_squeeze %dma_start3A_320 : memref<1x128xi32, #tpu.memory_space<vmem>> -> memref<128xi32, #tpu.memory_space<vmem>>
        %dma_start3A_322 = arith.constant 0 : i32
        %dma_start3A_323 = arith.constant 0 : i32
        %dma_start3A_324 = tpu.memref_slice %arg3[%dma_start3A_322, %dma_start3A_323] : memref<10000x64xf32, #tpu.memory_space<hbm>> -> memref<10000x64xf32, #tpu.memory_space<hbm>>
        tpu.enqueue_indirect_dma source(%dma_start3A_324 : memref<10000x64xf32, #tpu.memory_space<hbm>>) target(%arg10 : memref<128x64xf32, #tpu.memory_space<vmem>>) offsets(%dma_start3A_321 : memref<128xi32, #tpu.memory_space<vmem>>) semaphore(%arg19 : memref<!tpu.dma_semaphore, #tpu.memory_space<semaphore_mem>>)
      } else {
      }
      %dma_wait3A_230 = arith.constant 0 : i32
      %dma_wait3A_231 = arith.constant 0 : i32
      %dma_wait3A_232 = tpu.memref_slice %arg6[%dma_wait3A_230, %dma_wait3A_231] : memref<79x128xi32, #tpu.memory_space<vmem>> -> memref<1x128xi32, #tpu.memory_space<vmem>>
      %dma_wait3A_233 = tpu.memref_squeeze %dma_wait3A_232 : memref<1x128xi32, #tpu.memory_space<vmem>> -> memref<128xi32, #tpu.memory_space<vmem>>
      %dma_wait3A_234 = arith.constant 0 : i32
      %dma_wait3A_235 = arith.constant 0 : i32
      %dma_wait3A_236 = tpu.memref_slice %arg3[%dma_wait3A_234, %dma_wait3A_235] : memref<10000x64xf32, #tpu.memory_space<hbm>> -> memref<10000x64xf32, #tpu.memory_space<hbm>>
      tpu.wait_indirect_dma semaphore(%arg20 : memref<!tpu.dma_semaphore, #tpu.memory_space<semaphore_mem>>) src(%dma_wait3A_236 : memref<10000x64xf32, #tpu.memory_space<hbm>>) dst(%arg11 : memref<128x64xf32, #tpu.memory_space<vmem>>)
      %add3A_237 = arith.constant 3 : i32
      %add3A_238 = arith.addi %mul3A_151, %add3A_237 : i32
      %dma_start3A_239 = arith.constant 0 : i32
      %dma_start3A_240 = tpu.memref_slice %arg7[%add3A_238, %dma_start3A_239] : memref<79x128xi32, #tpu.memory_space<vmem>> -> memref<1x128xi32, #tpu.memory_space<vmem>>
      %dma_start3A_241 = tpu.memref_squeeze %dma_start3A_240 : memref<1x128xi32, #tpu.memory_space<vmem>> -> memref<128xi32, #tpu.memory_space<vmem>>
      %dma_start3A_242 = arith.constant 0 : i32
      %dma_start3A_243 = arith.constant 0 : i32
      %dma_start3A_244 = tpu.memref_slice %arg15[%dma_start3A_242, %dma_start3A_243] : memref<10240x64xf32, #tpu.memory_space<vmem_shared>> -> memref<10240x64xf32, #tpu.memory_space<vmem_shared>>
      tpu.enqueue_indirect_dma source(%arg11 : memref<128x64xf32, #tpu.memory_space<vmem>>) target(%dma_start3A_244 : memref<10240x64xf32, #tpu.memory_space<vmem_shared>>) offsets(%dma_start3A_241 : memref<128xi32, #tpu.memory_space<vmem>>) semaphore(%arg26 : memref<!tpu.dma_semaphore, #tpu.memory_space<semaphore_mem>>) {add = true}
      %dma_start3A_245 = arith.constant 0 : i32
      %dma_start3A_246 = tpu.memref_slice %arg7[%add3A_238, %dma_start3A_245] : memref<79x128xi32, #tpu.memory_space<vmem>> -> memref<1x128xi32, #tpu.memory_space<vmem>>
      %dma_start3A_247 = tpu.memref_squeeze %dma_start3A_246 : memref<1x128xi32, #tpu.memory_space<vmem>> -> memref<128xi32, #tpu.memory_space<vmem>>
      %dma_start3A_248 = arith.constant 0 : i32
      %dma_start3A_249 = arith.constant 0 : i32
      %dma_start3A_250 = tpu.memref_slice %arg16[%dma_start3A_248, %dma_start3A_249] : memref<10240x16xf32, #tpu.memory_space<vmem_shared>> -> memref<10240x16xf32, #tpu.memory_space<vmem_shared>>
      tpu.enqueue_indirect_dma source(%arg14 : memref<128x16xf32, #tpu.memory_space<vmem>>) target(%dma_start3A_250 : memref<10240x16xf32, #tpu.memory_space<vmem_shared>>) offsets(%dma_start3A_247 : memref<128xi32, #tpu.memory_space<vmem>>) semaphore(%arg29 : memref<!tpu.dma_semaphore, #tpu.memory_space<semaphore_mem>>) {add = true}
      %lt3A_251 = arith.constant 12 : i32
      %lt3A_252 = arith.cmpi slt, %scan3A_149, %lt3A_251 : i32
      %convert_element_type3A_253 = arith.extui %lt3A_252 : i1 to i32
      %cond3A_254 = arith.constant 0 : i32
      %cond3A_255 = arith.cmpi ne, %convert_element_type3A_253, %cond3A_254 : i32
      scf.if %cond3A_255 {
        %dma_wait3A_308 = arith.constant 0 : i32
        %dma_wait3A_309 = arith.constant 0 : i32
        %dma_wait3A_310 = tpu.memref_slice %arg7[%dma_wait3A_308, %dma_wait3A_309] : memref<79x128xi32, #tpu.memory_space<vmem>> -> memref<1x128xi32, #tpu.memory_space<vmem>>
        %dma_wait3A_311 = tpu.memref_squeeze %dma_wait3A_310 : memref<1x128xi32, #tpu.memory_space<vmem>> -> memref<128xi32, #tpu.memory_space<vmem>>
        %dma_wait3A_312 = arith.constant 0 : i32
        %dma_wait3A_313 = arith.constant 0 : i32
        %dma_wait3A_314 = tpu.memref_slice %arg15[%dma_wait3A_312, %dma_wait3A_313] : memref<10240x64xf32, #tpu.memory_space<vmem_shared>> -> memref<10240x64xf32, #tpu.memory_space<vmem_shared>>
        tpu.wait_indirect_dma semaphore(%arg26 : memref<!tpu.dma_semaphore, #tpu.memory_space<semaphore_mem>>) src(%arg11 : memref<128x64xf32, #tpu.memory_space<vmem>>) dst(%dma_wait3A_314 : memref<10240x64xf32, #tpu.memory_space<vmem_shared>>)
        %add3A_315 = arith.constant 6 : i32
        %add3A_316 = arith.addi %mul3A_151, %add3A_315 : i32
        %add3A_317 = arith.constant 3 : i32
        %add3A_318 = arith.addi %add3A_316, %add3A_317 : i32
        %dma_start3A_319 = arith.constant 0 : i32
        %dma_start3A_320 = tpu.memref_slice %arg6[%add3A_318, %dma_start3A_319] : memref<79x128xi32, #tpu.memory_space<vmem>> -> memref<1x128xi32, #tpu.memory_space<vmem>>
        %dma_start3A_321 = tpu.memref_squeeze %dma_start3A_320 : memref<1x128xi32, #tpu.memory_space<vmem>> -> memref<128xi32, #tpu.memory_space<vmem>>
        %dma_start3A_322 = arith.constant 0 : i32
        %dma_start3A_323 = arith.constant 0 : i32
        %dma_start3A_324 = tpu.memref_slice %arg3[%dma_start3A_322, %dma_start3A_323] : memref<10000x64xf32, #tpu.memory_space<hbm>> -> memref<10000x64xf32, #tpu.memory_space<hbm>>
        tpu.enqueue_indirect_dma source(%dma_start3A_324 : memref<10000x64xf32, #tpu.memory_space<hbm>>) target(%arg11 : memref<128x64xf32, #tpu.memory_space<vmem>>) offsets(%dma_start3A_321 : memref<128xi32, #tpu.memory_space<vmem>>) semaphore(%arg20 : memref<!tpu.dma_semaphore, #tpu.memory_space<semaphore_mem>>)
      } else {
      }
      %dma_wait3A_256 = arith.constant 0 : i32
      %dma_wait3A_257 = arith.constant 0 : i32
      %dma_wait3A_258 = tpu.memref_slice %arg6[%dma_wait3A_256, %dma_wait3A_257] : memref<79x128xi32, #tpu.memory_space<vmem>> -> memref<1x128xi32, #tpu.memory_space<vmem>>
      %dma_wait3A_259 = tpu.memref_squeeze %dma_wait3A_258 : memref<1x128xi32, #tpu.memory_space<vmem>> -> memref<128xi32, #tpu.memory_space<vmem>>
      %dma_wait3A_260 = arith.constant 0 : i32
      %dma_wait3A_261 = arith.constant 0 : i32
      %dma_wait3A_262 = tpu.memref_slice %arg3[%dma_wait3A_260, %dma_wait3A_261] : memref<10000x64xf32, #tpu.memory_space<hbm>> -> memref<10000x64xf32, #tpu.memory_space<hbm>>
      tpu.wait_indirect_dma semaphore(%arg21 : memref<!tpu.dma_semaphore, #tpu.memory_space<semaphore_mem>>) src(%dma_wait3A_262 : memref<10000x64xf32, #tpu.memory_space<hbm>>) dst(%arg12 : memref<128x64xf32, #tpu.memory_space<vmem>>)
      %add3A_263 = arith.constant 4 : i32
      %add3A_264 = arith.addi %mul3A_151, %add3A_263 : i32
      %dma_start3A_265 = arith.constant 0 : i32
      %dma_start3A_266 = tpu.memref_slice %arg7[%add3A_264, %dma_start3A_265] : memref<79x128xi32, #tpu.memory_space<vmem>> -> memref<1x128xi32, #tpu.memory_space<vmem>>
      %dma_start3A_267 = tpu.memref_squeeze %dma_start3A_266 : memref<1x128xi32, #tpu.memory_space<vmem>> -> memref<128xi32, #tpu.memory_space<vmem>>
      %dma_start3A_268 = arith.constant 0 : i32
      %dma_start3A_269 = arith.constant 0 : i32
      %dma_start3A_270 = tpu.memref_slice %arg15[%dma_start3A_268, %dma_start3A_269] : memref<10240x64xf32, #tpu.memory_space<vmem_shared>> -> memref<10240x64xf32, #tpu.memory_space<vmem_shared>>
      tpu.enqueue_indirect_dma source(%arg12 : memref<128x64xf32, #tpu.memory_space<vmem>>) target(%dma_start3A_270 : memref<10240x64xf32, #tpu.memory_space<vmem_shared>>) offsets(%dma_start3A_267 : memref<128xi32, #tpu.memory_space<vmem>>) semaphore(%arg27 : memref<!tpu.dma_semaphore, #tpu.memory_space<semaphore_mem>>) {add = true}
      %dma_start3A_271 = arith.constant 0 : i32
      %dma_start3A_272 = tpu.memref_slice %arg7[%add3A_264, %dma_start3A_271] : memref<79x128xi32, #tpu.memory_space<vmem>> -> memref<1x128xi32, #tpu.memory_space<vmem>>
      %dma_start3A_273 = tpu.memref_squeeze %dma_start3A_272 : memref<1x128xi32, #tpu.memory_space<vmem>> -> memref<128xi32, #tpu.memory_space<vmem>>
      %dma_start3A_274 = arith.constant 0 : i32
      %dma_start3A_275 = arith.constant 0 : i32
      %dma_start3A_276 = tpu.memref_slice %arg16[%dma_start3A_274, %dma_start3A_275] : memref<10240x16xf32, #tpu.memory_space<vmem_shared>> -> memref<10240x16xf32, #tpu.memory_space<vmem_shared>>
      tpu.enqueue_indirect_dma source(%arg14 : memref<128x16xf32, #tpu.memory_space<vmem>>) target(%dma_start3A_276 : memref<10240x16xf32, #tpu.memory_space<vmem_shared>>) offsets(%dma_start3A_273 : memref<128xi32, #tpu.memory_space<vmem>>) semaphore(%arg29 : memref<!tpu.dma_semaphore, #tpu.memory_space<semaphore_mem>>) {add = true}
      %lt3A_277 = arith.constant 12 : i32
      %lt3A_278 = arith.cmpi slt, %scan3A_149, %lt3A_277 : i32
      %convert_element_type3A_279 = arith.extui %lt3A_278 : i1 to i32
      %cond3A_280 = arith.constant 0 : i32
      %cond3A_281 = arith.cmpi ne, %convert_element_type3A_279, %cond3A_280 : i32
      scf.if %cond3A_281 {
        %dma_wait3A_308 = arith.constant 0 : i32
        %dma_wait3A_309 = arith.constant 0 : i32
        %dma_wait3A_310 = tpu.memref_slice %arg7[%dma_wait3A_308, %dma_wait3A_309] : memref<79x128xi32, #tpu.memory_space<vmem>> -> memref<1x128xi32, #tpu.memory_space<vmem>>
        %dma_wait3A_311 = tpu.memref_squeeze %dma_wait3A_310 : memref<1x128xi32, #tpu.memory_space<vmem>> -> memref<128xi32, #tpu.memory_space<vmem>>
        %dma_wait3A_312 = arith.constant 0 : i32
        %dma_wait3A_313 = arith.constant 0 : i32
        %dma_wait3A_314 = tpu.memref_slice %arg15[%dma_wait3A_312, %dma_wait3A_313] : memref<10240x64xf32, #tpu.memory_space<vmem_shared>> -> memref<10240x64xf32, #tpu.memory_space<vmem_shared>>
        tpu.wait_indirect_dma semaphore(%arg27 : memref<!tpu.dma_semaphore, #tpu.memory_space<semaphore_mem>>) src(%arg12 : memref<128x64xf32, #tpu.memory_space<vmem>>) dst(%dma_wait3A_314 : memref<10240x64xf32, #tpu.memory_space<vmem_shared>>)
        %add3A_315 = arith.constant 6 : i32
        %add3A_316 = arith.addi %mul3A_151, %add3A_315 : i32
        %add3A_317 = arith.constant 4 : i32
        %add3A_318 = arith.addi %add3A_316, %add3A_317 : i32
        %dma_start3A_319 = arith.constant 0 : i32
        %dma_start3A_320 = tpu.memref_slice %arg6[%add3A_318, %dma_start3A_319] : memref<79x128xi32, #tpu.memory_space<vmem>> -> memref<1x128xi32, #tpu.memory_space<vmem>>
        %dma_start3A_321 = tpu.memref_squeeze %dma_start3A_320 : memref<1x128xi32, #tpu.memory_space<vmem>> -> memref<128xi32, #tpu.memory_space<vmem>>
        %dma_start3A_322 = arith.constant 0 : i32
        %dma_start3A_323 = arith.constant 0 : i32
        %dma_start3A_324 = tpu.memref_slice %arg3[%dma_start3A_322, %dma_start3A_323] : memref<10000x64xf32, #tpu.memory_space<hbm>> -> memref<10000x64xf32, #tpu.memory_space<hbm>>
        tpu.enqueue_indirect_dma source(%dma_start3A_324 : memref<10000x64xf32, #tpu.memory_space<hbm>>) target(%arg12 : memref<128x64xf32, #tpu.memory_space<vmem>>) offsets(%dma_start3A_321 : memref<128xi32, #tpu.memory_space<vmem>>) semaphore(%arg21 : memref<!tpu.dma_semaphore, #tpu.memory_space<semaphore_mem>>)
      } else {
      }
      %dma_wait3A_282 = arith.constant 0 : i32
      %dma_wait3A_283 = arith.constant 0 : i32
      %dma_wait3A_284 = tpu.memref_slice %arg6[%dma_wait3A_282, %dma_wait3A_283] : memref<79x128xi32, #tpu.memory_space<vmem>> -> memref<1x128xi32, #tpu.memory_space<vmem>>
      %dma_wait3A_285 = tpu.memref_squeeze %dma_wait3A_284 : memref<1x128xi32, #tpu.memory_space<vmem>> -> memref<128xi32, #tpu.memory_space<vmem>>
      %dma_wait3A_286 = arith.constant 0 : i32
      %dma_wait3A_287 = arith.constant 0 : i32
      %dma_wait3A_288 = tpu.memref_slice %arg3[%dma_wait3A_286, %dma_wait3A_287] : memref<10000x64xf32, #tpu.memory_space<hbm>> -> memref<10000x64xf32, #tpu.memory_space<hbm>>
      tpu.wait_indirect_dma semaphore(%arg22 : memref<!tpu.dma_semaphore, #tpu.memory_space<semaphore_mem>>) src(%dma_wait3A_288 : memref<10000x64xf32, #tpu.memory_space<hbm>>) dst(%arg13 : memref<128x64xf32, #tpu.memory_space<vmem>>)
      %add3A_289 = arith.constant 5 : i32
      %add3A_290 = arith.addi %mul3A_151, %add3A_289 : i32
      %dma_start3A_291 = arith.constant 0 : i32
      %dma_start3A_292 = tpu.memref_slice %arg7[%add3A_290, %dma_start3A_291] : memref<79x128xi32, #tpu.memory_space<vmem>> -> memref<1x128xi32, #tpu.memory_space<vmem>>
      %dma_start3A_293 = tpu.memref_squeeze %dma_start3A_292 : memref<1x128xi32, #tpu.memory_space<vmem>> -> memref<128xi32, #tpu.memory_space<vmem>>
      %dma_start3A_294 = arith.constant 0 : i32
      %dma_start3A_295 = arith.constant 0 : i32
      %dma_start3A_296 = tpu.memref_slice %arg15[%dma_start3A_294, %dma_start3A_295] : memref<10240x64xf32, #tpu.memory_space<vmem_shared>> -> memref<10240x64xf32, #tpu.memory_space<vmem_shared>>
      tpu.enqueue_indirect_dma source(%arg13 : memref<128x64xf32, #tpu.memory_space<vmem>>) target(%dma_start3A_296 : memref<10240x64xf32, #tpu.memory_space<vmem_shared>>) offsets(%dma_start3A_293 : memref<128xi32, #tpu.memory_space<vmem>>) semaphore(%arg28 : memref<!tpu.dma_semaphore, #tpu.memory_space<semaphore_mem>>) {add = true}
      %dma_start3A_297 = arith.constant 0 : i32
      %dma_start3A_298 = tpu.memref_slice %arg7[%add3A_290, %dma_start3A_297] : memref<79x128xi32, #tpu.memory_space<vmem>> -> memref<1x128xi32, #tpu.memory_space<vmem>>
      %dma_start3A_299 = tpu.memref_squeeze %dma_start3A_298 : memref<1x128xi32, #tpu.memory_space<vmem>> -> memref<128xi32, #tpu.memory_space<vmem>>
      %dma_start3A_300 = arith.constant 0 : i32
      %dma_start3A_301 = arith.constant 0 : i32
      %dma_start3A_302 = tpu.memref_slice %arg16[%dma_start3A_300, %dma_start3A_301] : memref<10240x16xf32, #tpu.memory_space<vmem_shared>> -> memref<10240x16xf32, #tpu.memory_space<vmem_shared>>
      tpu.enqueue_indirect_dma source(%arg14 : memref<128x16xf32, #tpu.memory_space<vmem>>) target(%dma_start3A_302 : memref<10240x16xf32, #tpu.memory_space<vmem_shared>>) offsets(%dma_start3A_299 : memref<128xi32, #tpu.memory_space<vmem>>) semaphore(%arg29 : memref<!tpu.dma_semaphore, #tpu.memory_space<semaphore_mem>>) {add = true}
      %lt3A_303 = arith.constant 12 : i32
      %lt3A_304 = arith.cmpi slt, %scan3A_149, %lt3A_303 : i32
      %convert_element_type3A_305 = arith.extui %lt3A_304 : i1 to i32
      %cond3A_306 = arith.constant 0 : i32
      %cond3A_307 = arith.cmpi ne, %convert_element_type3A_305, %cond3A_306 : i32
      scf.if %cond3A_307 {
        %dma_wait3A_308 = arith.constant 0 : i32
        %dma_wait3A_309 = arith.constant 0 : i32
        %dma_wait3A_310 = tpu.memref_slice %arg7[%dma_wait3A_308, %dma_wait3A_309] : memref<79x128xi32, #tpu.memory_space<vmem>> -> memref<1x128xi32, #tpu.memory_space<vmem>>
        %dma_wait3A_311 = tpu.memref_squeeze %dma_wait3A_310 : memref<1x128xi32, #tpu.memory_space<vmem>> -> memref<128xi32, #tpu.memory_space<vmem>>
        %dma_wait3A_312 = arith.constant 0 : i32
        %dma_wait3A_313 = arith.constant 0 : i32
        %dma_wait3A_314 = tpu.memref_slice %arg15[%dma_wait3A_312, %dma_wait3A_313] : memref<10240x64xf32, #tpu.memory_space<vmem_shared>> -> memref<10240x64xf32, #tpu.memory_space<vmem_shared>>
        tpu.wait_indirect_dma semaphore(%arg28 : memref<!tpu.dma_semaphore, #tpu.memory_space<semaphore_mem>>) src(%arg13 : memref<128x64xf32, #tpu.memory_space<vmem>>) dst(%dma_wait3A_314 : memref<10240x64xf32, #tpu.memory_space<vmem_shared>>)
        %add3A_315 = arith.constant 6 : i32
        %add3A_316 = arith.addi %mul3A_151, %add3A_315 : i32
        %add3A_317 = arith.constant 5 : i32
        %add3A_318 = arith.addi %add3A_316, %add3A_317 : i32
        %dma_start3A_319 = arith.constant 0 : i32
        %dma_start3A_320 = tpu.memref_slice %arg6[%add3A_318, %dma_start3A_319] : memref<79x128xi32, #tpu.memory_space<vmem>> -> memref<1x128xi32, #tpu.memory_space<vmem>>
        %dma_start3A_321 = tpu.memref_squeeze %dma_start3A_320 : memref<1x128xi32, #tpu.memory_space<vmem>> -> memref<128xi32, #tpu.memory_space<vmem>>
        %dma_start3A_322 = arith.constant 0 : i32
        %dma_start3A_323 = arith.constant 0 : i32
        %dma_start3A_324 = tpu.memref_slice %arg3[%dma_start3A_322, %dma_start3A_323] : memref<10000x64xf32, #tpu.memory_space<hbm>> -> memref<10000x64xf32, #tpu.memory_space<hbm>>
        tpu.enqueue_indirect_dma source(%dma_start3A_324 : memref<10000x64xf32, #tpu.memory_space<hbm>>) target(%arg13 : memref<128x64xf32, #tpu.memory_space<vmem>>) offsets(%dma_start3A_321 : memref<128xi32, #tpu.memory_space<vmem>>) semaphore(%arg22 : memref<!tpu.dma_semaphore, #tpu.memory_space<semaphore_mem>>)
      } else {
      }
    }
    %scan3A_90 = arith.constant 13 : i32
    %dma_wait3A = arith.constant 0 : i32
    %dma_wait3A_91 = arith.constant 0 : i32
    %dma_wait3A_92 = tpu.memref_slice %arg7[%dma_wait3A, %dma_wait3A_91] : memref<79x128xi32, #tpu.memory_space<vmem>> -> memref<1x128xi32, #tpu.memory_space<vmem>>
    %dma_wait3A_93 = tpu.memref_squeeze %dma_wait3A_92 : memref<1x128xi32, #tpu.memory_space<vmem>> -> memref<128xi32, #tpu.memory_space<vmem>>
    %dma_wait3A_94 = arith.constant 0 : i32
    %dma_wait3A_95 = arith.constant 0 : i32
    %dma_wait3A_96 = tpu.memref_slice %arg15[%dma_wait3A_94, %dma_wait3A_95] : memref<10240x64xf32, #tpu.memory_space<vmem_shared>> -> memref<10240x64xf32, #tpu.memory_space<vmem_shared>>
    tpu.wait_indirect_dma semaphore(%arg23 : memref<!tpu.dma_semaphore, #tpu.memory_space<semaphore_mem>>) src(%arg8 : memref<128x64xf32, #tpu.memory_space<vmem>>) dst(%dma_wait3A_96 : memref<10240x64xf32, #tpu.memory_space<vmem_shared>>)
    %dma_wait3A_97 = arith.constant 0 : i32
    %dma_wait3A_98 = arith.constant 0 : i32
    %dma_wait3A_99 = tpu.memref_slice %arg7[%dma_wait3A_97, %dma_wait3A_98] : memref<79x128xi32, #tpu.memory_space<vmem>> -> memref<1x128xi32, #tpu.memory_space<vmem>>
    %dma_wait3A_100 = tpu.memref_squeeze %dma_wait3A_99 : memref<1x128xi32, #tpu.memory_space<vmem>> -> memref<128xi32, #tpu.memory_space<vmem>>
    %dma_wait3A_101 = arith.constant 0 : i32
    %dma_wait3A_102 = arith.constant 0 : i32
    %dma_wait3A_103 = tpu.memref_slice %arg15[%dma_wait3A_101, %dma_wait3A_102] : memref<10240x64xf32, #tpu.memory_space<vmem_shared>> -> memref<10240x64xf32, #tpu.memory_space<vmem_shared>>
    tpu.wait_indirect_dma semaphore(%arg24 : memref<!tpu.dma_semaphore, #tpu.memory_space<semaphore_mem>>) src(%arg9 : memref<128x64xf32, #tpu.memory_space<vmem>>) dst(%dma_wait3A_103 : memref<10240x64xf32, #tpu.memory_space<vmem_shared>>)
    %dma_wait3A_104 = arith.constant 0 : i32
    %dma_wait3A_105 = arith.constant 0 : i32
    %dma_wait3A_106 = tpu.memref_slice %arg7[%dma_wait3A_104, %dma_wait3A_105] : memref<79x128xi32, #tpu.memory_space<vmem>> -> memref<1x128xi32, #tpu.memory_space<vmem>>
    %dma_wait3A_107 = tpu.memref_squeeze %dma_wait3A_106 : memref<1x128xi32, #tpu.memory_space<vmem>> -> memref<128xi32, #tpu.memory_space<vmem>>
    %dma_wait3A_108 = arith.constant 0 : i32
    %dma_wait3A_109 = arith.constant 0 : i32
    %dma_wait3A_110 = tpu.memref_slice %arg15[%dma_wait3A_108, %dma_wait3A_109] : memref<10240x64xf32, #tpu.memory_space<vmem_shared>> -> memref<10240x64xf32, #tpu.memory_space<vmem_shared>>
    tpu.wait_indirect_dma semaphore(%arg25 : memref<!tpu.dma_semaphore, #tpu.memory_space<semaphore_mem>>) src(%arg10 : memref<128x64xf32, #tpu.memory_space<vmem>>) dst(%dma_wait3A_110 : memref<10240x64xf32, #tpu.memory_space<vmem_shared>>)
    %dma_wait3A_111 = arith.constant 0 : i32
    %dma_wait3A_112 = arith.constant 0 : i32
    %dma_wait3A_113 = tpu.memref_slice %arg7[%dma_wait3A_111, %dma_wait3A_112] : memref<79x128xi32, #tpu.memory_space<vmem>> -> memref<1x128xi32, #tpu.memory_space<vmem>>
    %dma_wait3A_114 = tpu.memref_squeeze %dma_wait3A_113 : memref<1x128xi32, #tpu.memory_space<vmem>> -> memref<128xi32, #tpu.memory_space<vmem>>
    %dma_wait3A_115 = arith.constant 0 : i32
    %dma_wait3A_116 = arith.constant 0 : i32
    %dma_wait3A_117 = tpu.memref_slice %arg15[%dma_wait3A_115, %dma_wait3A_116] : memref<10240x64xf32, #tpu.memory_space<vmem_shared>> -> memref<10240x64xf32, #tpu.memory_space<vmem_shared>>
    tpu.wait_indirect_dma semaphore(%arg26 : memref<!tpu.dma_semaphore, #tpu.memory_space<semaphore_mem>>) src(%arg11 : memref<128x64xf32, #tpu.memory_space<vmem>>) dst(%dma_wait3A_117 : memref<10240x64xf32, #tpu.memory_space<vmem_shared>>)
    %dma_wait3A_118 = arith.constant 0 : i32
    %dma_wait3A_119 = arith.constant 0 : i32
    %dma_wait3A_120 = tpu.memref_slice %arg7[%dma_wait3A_118, %dma_wait3A_119] : memref<79x128xi32, #tpu.memory_space<vmem>> -> memref<1x128xi32, #tpu.memory_space<vmem>>
    %dma_wait3A_121 = tpu.memref_squeeze %dma_wait3A_120 : memref<1x128xi32, #tpu.memory_space<vmem>> -> memref<128xi32, #tpu.memory_space<vmem>>
    %dma_wait3A_122 = arith.constant 0 : i32
    %dma_wait3A_123 = arith.constant 0 : i32
    %dma_wait3A_124 = tpu.memref_slice %arg15[%dma_wait3A_122, %dma_wait3A_123] : memref<10240x64xf32, #tpu.memory_space<vmem_shared>> -> memref<10240x64xf32, #tpu.memory_space<vmem_shared>>
    tpu.wait_indirect_dma semaphore(%arg27 : memref<!tpu.dma_semaphore, #tpu.memory_space<semaphore_mem>>) src(%arg12 : memref<128x64xf32, #tpu.memory_space<vmem>>) dst(%dma_wait3A_124 : memref<10240x64xf32, #tpu.memory_space<vmem_shared>>)
    %dma_wait3A_125 = arith.constant 0 : i32
    %dma_wait3A_126 = arith.constant 0 : i32
    %dma_wait3A_127 = tpu.memref_slice %arg7[%dma_wait3A_125, %dma_wait3A_126] : memref<79x128xi32, #tpu.memory_space<vmem>> -> memref<1x128xi32, #tpu.memory_space<vmem>>
    %dma_wait3A_128 = tpu.memref_squeeze %dma_wait3A_127 : memref<1x128xi32, #tpu.memory_space<vmem>> -> memref<128xi32, #tpu.memory_space<vmem>>
    %dma_wait3A_129 = arith.constant 0 : i32
    %dma_wait3A_130 = arith.constant 0 : i32
    %dma_wait3A_131 = tpu.memref_slice %arg15[%dma_wait3A_129, %dma_wait3A_130] : memref<10240x64xf32, #tpu.memory_space<vmem_shared>> -> memref<10240x64xf32, #tpu.memory_space<vmem_shared>>
    tpu.wait_indirect_dma semaphore(%arg28 : memref<!tpu.dma_semaphore, #tpu.memory_space<semaphore_mem>>) src(%arg13 : memref<128x64xf32, #tpu.memory_space<vmem>>) dst(%dma_wait3A_131 : memref<10240x64xf32, #tpu.memory_space<vmem_shared>>)
    %lt3A_132 = arith.constant 4 : i32
    %lt3A_133 = arith.cmpi slt, %add3A_36, %lt3A_132 : i32
    %convert_element_type3A_134 = arith.extui %lt3A_133 : i1 to i32
    %cond3A_135 = arith.constant 0 : i32
    %cond3A_136 = arith.cmpi ne, %convert_element_type3A_134, %cond3A_135 : i32
    scf.if %cond3A_136 {
      %dma_start3A_149 = arith.constant 78 : i32
      %dma_start3A_150 = arith.constant 0 : i32
      %dma_start3A_151 = tpu.memref_slice %arg6[%dma_start3A_149, %dma_start3A_150] : memref<79x128xi32, #tpu.memory_space<vmem>> -> memref<1x128xi32, #tpu.memory_space<vmem>>
      %dma_start3A_152 = tpu.memref_squeeze %dma_start3A_151 : memref<1x128xi32, #tpu.memory_space<vmem>> -> memref<128xi32, #tpu.memory_space<vmem>>
      %dma_start3A_153 = arith.constant 0 : i32
      %dma_start3A_154 = arith.constant 0 : i32
      %dma_start3A_155 = tpu.memref_slice %arg3[%dma_start3A_153, %dma_start3A_154] : memref<10000x64xf32, #tpu.memory_space<hbm>> -> memref<10000x64xf32, #tpu.memory_space<hbm>>
      tpu.enqueue_indirect_dma source(%dma_start3A_155 : memref<10000x64xf32, #tpu.memory_space<hbm>>) target(%arg8 : memref<128x64xf32, #tpu.memory_space<vmem>>) offsets(%dma_start3A_152 : memref<128xi32, #tpu.memory_space<vmem>>) semaphore(%arg17 : memref<!tpu.dma_semaphore, #tpu.memory_space<semaphore_mem>>)
      %dma_wait3A_156 = arith.constant 0 : i32
      %dma_wait3A_157 = arith.constant 0 : i32
      %dma_wait3A_158 = tpu.memref_slice %arg6[%dma_wait3A_156, %dma_wait3A_157] : memref<79x128xi32, #tpu.memory_space<vmem>> -> memref<1x128xi32, #tpu.memory_space<vmem>>
      %dma_wait3A_159 = tpu.memref_squeeze %dma_wait3A_158 : memref<1x128xi32, #tpu.memory_space<vmem>> -> memref<128xi32, #tpu.memory_space<vmem>>
      %dma_wait3A_160 = arith.constant 0 : i32
      %dma_wait3A_161 = arith.constant 0 : i32
      %dma_wait3A_162 = tpu.memref_slice %arg3[%dma_wait3A_160, %dma_wait3A_161] : memref<10000x64xf32, #tpu.memory_space<hbm>> -> memref<10000x64xf32, #tpu.memory_space<hbm>>
      tpu.wait_indirect_dma semaphore(%arg17 : memref<!tpu.dma_semaphore, #tpu.memory_space<semaphore_mem>>) src(%dma_wait3A_162 : memref<10000x64xf32, #tpu.memory_space<hbm>>) dst(%arg8 : memref<128x64xf32, #tpu.memory_space<vmem>>)
      %dma_start3A_163 = arith.constant 78 : i32
      %dma_start3A_164 = arith.constant 0 : i32
      %dma_start3A_165 = tpu.memref_slice %arg7[%dma_start3A_163, %dma_start3A_164] : memref<79x128xi32, #tpu.memory_space<vmem>> -> memref<1x128xi32, #tpu.memory_space<vmem>>
      %dma_start3A_166 = tpu.memref_squeeze %dma_start3A_165 : memref<1x128xi32, #tpu.memory_space<vmem>> -> memref<128xi32, #tpu.memory_space<vmem>>
      %dma_start3A_167 = arith.constant 0 : i32
      %dma_start3A_168 = arith.constant 0 : i32
      %dma_start3A_169 = tpu.memref_slice %arg15[%dma_start3A_167, %dma_start3A_168] : memref<10240x64xf32, #tpu.memory_space<vmem_shared>> -> memref<10240x64xf32, #tpu.memory_space<vmem_shared>>
      tpu.enqueue_indirect_dma source(%arg8 : memref<128x64xf32, #tpu.memory_space<vmem>>) target(%dma_start3A_169 : memref<10240x64xf32, #tpu.memory_space<vmem_shared>>) offsets(%dma_start3A_166 : memref<128xi32, #tpu.memory_space<vmem>>) semaphore(%arg23 : memref<!tpu.dma_semaphore, #tpu.memory_space<semaphore_mem>>) {add = true}
      %dma_start3A_170 = arith.constant 78 : i32
      %dma_start3A_171 = arith.constant 0 : i32
      %dma_start3A_172 = tpu.memref_slice %arg7[%dma_start3A_170, %dma_start3A_171] : memref<79x128xi32, #tpu.memory_space<vmem>> -> memref<1x128xi32, #tpu.memory_space<vmem>>
      %dma_start3A_173 = tpu.memref_squeeze %dma_start3A_172 : memref<1x128xi32, #tpu.memory_space<vmem>> -> memref<128xi32, #tpu.memory_space<vmem>>
      %dma_start3A_174 = arith.constant 0 : i32
      %dma_start3A_175 = arith.constant 0 : i32
      %dma_start3A_176 = tpu.memref_slice %arg16[%dma_start3A_174, %dma_start3A_175] : memref<10240x16xf32, #tpu.memory_space<vmem_shared>> -> memref<10240x16xf32, #tpu.memory_space<vmem_shared>>
      tpu.enqueue_indirect_dma source(%arg14 : memref<128x16xf32, #tpu.memory_space<vmem>>) target(%dma_start3A_176 : memref<10240x16xf32, #tpu.memory_space<vmem_shared>>) offsets(%dma_start3A_173 : memref<128xi32, #tpu.memory_space<vmem>>) semaphore(%arg29 : memref<!tpu.dma_semaphore, #tpu.memory_space<semaphore_mem>>) {add = true}
      %dma_wait3A_177 = arith.constant 0 : i32
      %dma_wait3A_178 = arith.constant 0 : i32
      %dma_wait3A_179 = tpu.memref_slice %arg7[%dma_wait3A_177, %dma_wait3A_178] : memref<79x128xi32, #tpu.memory_space<vmem>> -> memref<1x128xi32, #tpu.memory_space<vmem>>
      %dma_wait3A_180 = tpu.memref_squeeze %dma_wait3A_179 : memref<1x128xi32, #tpu.memory_space<vmem>> -> memref<128xi32, #tpu.memory_space<vmem>>
      %dma_wait3A_181 = arith.constant 0 : i32
      %dma_wait3A_182 = arith.constant 0 : i32
      %dma_wait3A_183 = tpu.memref_slice %arg15[%dma_wait3A_181, %dma_wait3A_182] : memref<10240x64xf32, #tpu.memory_space<vmem_shared>> -> memref<10240x64xf32, #tpu.memory_space<vmem_shared>>
      tpu.wait_indirect_dma semaphore(%arg23 : memref<!tpu.dma_semaphore, #tpu.memory_space<semaphore_mem>>) src(%arg8 : memref<128x64xf32, #tpu.memory_space<vmem>>) dst(%dma_wait3A_183 : memref<10240x64xf32, #tpu.memory_space<vmem_shared>>)
    } else {
    }
    %scan3A_137 = arith.constant 0 : i32
    %scan3A_138 = arith.constant 0 : i32
    %scan3A_139 = arith.constant 78 : i32
    %scan3A_140 = arith.addi %scan3A_138, %scan3A_139 : i32
    %scan3A_141 = arith.constant 1 : i32
    scf.for %scan3A_149 = %scan3A_138 to %scan3A_140 step %scan3A_141  : i32 {
      %dma_wait3A_150 = arith.constant 0 : i32
      %dma_wait3A_151 = arith.constant 0 : i32
      %dma_wait3A_152 = tpu.memref_slice %arg7[%dma_wait3A_150, %dma_wait3A_151] : memref<79x128xi32, #tpu.memory_space<vmem>> -> memref<1x128xi32, #tpu.memory_space<vmem>>
      %dma_wait3A_153 = tpu.memref_squeeze %dma_wait3A_152 : memref<1x128xi32, #tpu.memory_space<vmem>> -> memref<128xi32, #tpu.memory_space<vmem>>
      %dma_wait3A_154 = arith.constant 0 : i32
      %dma_wait3A_155 = arith.constant 0 : i32
      %dma_wait3A_156 = tpu.memref_slice %arg16[%dma_wait3A_154, %dma_wait3A_155] : memref<10240x16xf32, #tpu.memory_space<vmem_shared>> -> memref<10240x16xf32, #tpu.memory_space<vmem_shared>>
      tpu.wait_indirect_dma semaphore(%arg29 : memref<!tpu.dma_semaphore, #tpu.memory_space<semaphore_mem>>) src(%arg14 : memref<128x16xf32, #tpu.memory_space<vmem>>) dst(%dma_wait3A_156 : memref<10240x16xf32, #tpu.memory_space<vmem_shared>>)
    }
    %scan3A_142 = arith.constant 78 : i32
    %lt3A_143 = arith.constant 4 : i32
    %lt3A_144 = arith.cmpi slt, %add3A_36, %lt3A_143 : i32
    %convert_element_type3A_145 = arith.extui %lt3A_144 : i1 to i32
    %cond3A_146 = arith.constant 0 : i32
    %cond3A_147 = arith.cmpi ne, %convert_element_type3A_145, %cond3A_146 : i32
    scf.if %cond3A_147 {
      %dma_wait3A_149 = arith.constant 0 : i32
      %dma_wait3A_150 = arith.constant 0 : i32
      %dma_wait3A_151 = tpu.memref_slice %arg7[%dma_wait3A_149, %dma_wait3A_150] : memref<79x128xi32, #tpu.memory_space<vmem>> -> memref<1x128xi32, #tpu.memory_space<vmem>>
      %dma_wait3A_152 = tpu.memref_squeeze %dma_wait3A_151 : memref<1x128xi32, #tpu.memory_space<vmem>> -> memref<128xi32, #tpu.memory_space<vmem>>
      %dma_wait3A_153 = arith.constant 0 : i32
      %dma_wait3A_154 = arith.constant 0 : i32
      %dma_wait3A_155 = tpu.memref_slice %arg16[%dma_wait3A_153, %dma_wait3A_154] : memref<10240x16xf32, #tpu.memory_space<vmem_shared>> -> memref<10240x16xf32, #tpu.memory_space<vmem_shared>>
      tpu.wait_indirect_dma semaphore(%arg29 : memref<!tpu.dma_semaphore, #tpu.memory_space<semaphore_mem>>) src(%arg14 : memref<128x16xf32, #tpu.memory_space<vmem>>) dst(%dma_wait3A_155 : memref<10240x16xf32, #tpu.memory_space<vmem_shared>>)
    } else {
    }
    %barrier3A_148 = arith.constant 0 : index
    tpu.barrier barrier_id(%barrier3A_148)
    "tpu.region"() ({
      %run_scoped3A_149 = tpu.sem_alloc : memref<!tpu.dma_semaphore, #tpu.memory_space<semaphore_mem>>
      %dma_start3A_150 = arith.constant 0 : i32
      %dma_start3A_151 = tpu.memref_slice %arg4[%arg0, %mul3A_6, %dma_start3A_150] : memref<2x10240x64xf32, #tpu.memory_space<hbm>> -> memref<1x640x64xf32, #tpu.memory_space<hbm>>
      %dma_start3A_152 = tpu.memref_squeeze %dma_start3A_151 : memref<1x640x64xf32, #tpu.memory_space<hbm>> -> memref<640x64xf32, #tpu.memory_space<hbm>>
      %dma_start3A_153 = arith.constant 0 : i32
      %dma_start3A_154 = tpu.memref_slice %arg15[%mul3A_6, %dma_start3A_153] : memref<10240x64xf32, #tpu.memory_space<vmem_shared>> -> memref<640x64xf32, #tpu.memory_space<vmem_shared>>
      tpu.enqueue_dma source(%dma_start3A_154 : memref<640x64xf32, #tpu.memory_space<vmem_shared>>) target(%dma_start3A_152 : memref<640x64xf32, #tpu.memory_space<hbm>>) target_semaphore(%run_scoped3A_149 : memref<!tpu.dma_semaphore, #tpu.memory_space<semaphore_mem>>)
      %dma_wait3A_155 = arith.constant 0 : i32
      %dma_wait3A_156 = tpu.memref_slice %arg4[%arg0, %mul3A_6, %dma_wait3A_155] : memref<2x10240x64xf32, #tpu.memory_space<hbm>> -> memref<1x640x64xf32, #tpu.memory_space<hbm>>
      %dma_wait3A_157 = tpu.memref_squeeze %dma_wait3A_156 : memref<1x640x64xf32, #tpu.memory_space<hbm>> -> memref<640x64xf32, #tpu.memory_space<hbm>>
      %dma_wait3A_158 = arith.constant 0 : i32
      %dma_wait3A_159 = tpu.memref_slice %arg15[%mul3A_6, %dma_wait3A_158] : memref<10240x64xf32, #tpu.memory_space<vmem_shared>> -> memref<640x64xf32, #tpu.memory_space<vmem_shared>>
      tpu.wait_dma2 semaphore(%run_scoped3A_149 : memref<!tpu.dma_semaphore, #tpu.memory_space<semaphore_mem>>) src(%dma_wait3A_159 : memref<640x64xf32, #tpu.memory_space<vmem_shared>>) dst(%dma_wait3A_157 : memref<640x64xf32, #tpu.memory_space<hbm>>)
      tpu.yield
    }) : () -> ()
    "tpu.region"() ({
      %run_scoped3A_149 = tpu.sem_alloc : memref<!tpu.dma_semaphore, #tpu.memory_space<semaphore_mem>>
      %dma_start3A_150 = arith.constant 0 : i32
      %dma_start3A_151 = tpu.memref_slice %arg5[%arg0, %mul3A_6, %dma_start3A_150] : memref<2x10240x16xf32, #tpu.memory_space<hbm>> -> memref<1x640x16xf32, #tpu.memory_space<hbm>>
      %dma_start3A_152 = tpu.memref_squeeze %dma_start3A_151 : memref<1x640x16xf32, #tpu.memory_space<hbm>> -> memref<640x16xf32, #tpu.memory_space<hbm>>
      %dma_start3A_153 = arith.constant 0 : i32
      %dma_start3A_154 = tpu.memref_slice %arg16[%mul3A_6, %dma_start3A_153] : memref<10240x16xf32, #tpu.memory_space<vmem_shared>> -> memref<640x16xf32, #tpu.memory_space<vmem_shared>>
      tpu.enqueue_dma source(%dma_start3A_154 : memref<640x16xf32, #tpu.memory_space<vmem_shared>>) target(%dma_start3A_152 : memref<640x16xf32, #tpu.memory_space<hbm>>) target_semaphore(%run_scoped3A_149 : memref<!tpu.dma_semaphore, #tpu.memory_space<semaphore_mem>>)
      %dma_wait3A_155 = arith.constant 0 : i32
      %dma_wait3A_156 = tpu.memref_slice %arg5[%arg0, %mul3A_6, %dma_wait3A_155] : memref<2x10240x16xf32, #tpu.memory_space<hbm>> -> memref<1x640x16xf32, #tpu.memory_space<hbm>>
      %dma_wait3A_157 = tpu.memref_squeeze %dma_wait3A_156 : memref<1x640x16xf32, #tpu.memory_space<hbm>> -> memref<640x16xf32, #tpu.memory_space<hbm>>
      %dma_wait3A_158 = arith.constant 0 : i32
      %dma_wait3A_159 = tpu.memref_slice %arg16[%mul3A_6, %dma_wait3A_158] : memref<10240x16xf32, #tpu.memory_space<vmem_shared>> -> memref<640x16xf32, #tpu.memory_space<vmem_shared>>
      tpu.wait_dma2 semaphore(%run_scoped3A_149 : memref<!tpu.dma_semaphore, #tpu.memory_space<semaphore_mem>>) src(%dma_wait3A_159 : memref<640x16xf32, #tpu.memory_space<vmem_shared>>) dst(%dma_wait3A_157 : memref<640x16xf32, #tpu.memory_space<hbm>>)
      tpu.yield
    }) : () -> ()
    return
  }
}

module attributes {stable_mosaic.version = 14 : i64} {
  func.func @_mm_body(%arg0: i32, %arg1: memref<2000x128xf32, #tpu.memory_space<vmem>>, %arg2: memref<128x64xf32, #tpu.memory_space<vmem>>, %arg3: memref<2000x64xf32, #tpu.memory_space<vmem>>) attributes {dimension_semantics = [#tpu.dimension_semantics<arbitrary>], iteration_bounds = array<i64: 5>, scalar_prefetch = 0 : i64, scratch_operands = 0 : i64, tpu.core_type = #tpu.core_type<tc>, window_params = [{transform_indices = @transform_0, window_bounds = array<i64: 2000, 128>}, {pipeline_mode = #tpu.pipeline_mode<synchronous>, transform_indices = @transform_1, window_bounds = array<i64: 128, 64>}, {transform_indices = @transform_2, window_bounds = array<i64: 2000, 64>}]} {
    %get3A = arith.constant 0 : index
    %get3A_0 = arith.constant 0 : index
    %get3A_1 = vector.load %arg1[%get3A, %get3A_0] : memref<2000x128xf32, #tpu.memory_space<vmem>>, vector<2000x128xf32>
    %get3A_2 = arith.constant 0 : index
    %get3A_3 = arith.constant 0 : index
    %get3A_4 = vector.load %arg2[%get3A_2, %get3A_3] : memref<128x64xf32, #tpu.memory_space<vmem>>, vector<128x64xf32>
    %dot_general3A = arith.constant dense<0.000000e+00> : vector<2000x64xf32>
    %dot_general3A_5 = tpu.matmul %get3A_1, %get3A_4, %dot_general3A {dimension_numbers = #tpu.dot_dimension_numbers<[1], [0], [0], [1], [0, 0, 1, 1], [], []>, transpose_lhs_hint = false} : vector<2000x128xf32>, vector<128x64xf32>, vector<2000x64xf32> -> vector<2000x64xf32>
    %swap3A = arith.constant 0 : index
    %swap3A_6 = arith.constant 0 : index
    %swap3A_7 = vector.load %arg3[%swap3A, %swap3A_6] : memref<2000x64xf32, #tpu.memory_space<vmem>>, vector<2000x64xf32>
    tpu.vector_store %arg3[%swap3A, %swap3A_6], %dot_general3A_5 {strides = array<i32>} : memref<2000x64xf32, #tpu.memory_space<vmem>>, vector<2000x64xf32>,
    return
  }
  func.func @transform_0(%arg0: i32) -> (i32, i32) {
    %c0_i32 = arith.constant 0 : i32
    %c0_i32_0 = arith.constant 0 : i32
    return %arg0, %c0_i32 : i32, i32
  }
  func.func @transform_1(%arg0: i32) -> (i32, i32) {
    %c0_i32 = arith.constant 0 : i32
    %c0_i32_0 = arith.constant 0 : i32
    %c0_i32_1 = arith.constant 0 : i32
    return %c0_i32, %c0_i32_0 : i32, i32
  }
  func.func @transform_2(%arg0: i32) -> (i32, i32) {
    %c0_i32 = arith.constant 0 : i32
    %c0_i32_0 = arith.constant 0 : i32
    return %arg0, %c0_i32 : i32, i32
  }
}

</mosaic_0001>

<sc_bundles>
// kernel: kernel.5.cloned.1.call-start
scs
__scs_entry_jumppad:
0x0: {  	(pc) =	sbr.rel $0x88, $3  }
0x1: {  	(tag) =	ssettag $0x0;
	lr =	simm.s32 $0x1  }
0x2: {  	[smem:$0x3F9D] =	sst lr;
	_ =	strace $0xD0000000  }
0x3: {  	_ = 	snop  }
0x4: {  	_ = 	snop  }
0x5: {  	_ = 	snop  }
0x6: {  	_ = 	snop  }
0x7: {  	_ = 	snop  }
__scs_overlays_trampoline_lowered:
0x8: {  	[smem:$0x3FAC] =	sst s0  }
0x9: {  	[smem:$0x3FAD] =	sst s1  }
0xa: {  	[smem:$0x3FAE] =	sst s2  }
0xb: {  	[smem:$0x3FAF] =	sst s3  }
0xc: {  	[smem:$0x3FB0] =	sst s4  }
0xd: {  	[smem:$0x3FB1] =	sst s5  }
0xe: {  	[smem:$0x3FB2] =	sst s6  }
0xf: {  	[smem:$0x3FB3] =	sst s7  }
0x10: {  	[smem:$0x3FB4] =	sst s8  }
0x11: {  	[smem:$0x3FB5] =	sst s9;
	s0 =	simm.s32 @!p0 $0x0  }
0x12: {  	s1 =	sld [smem:$0x3F9B];
	s0 =	simm.s32 @p0 $0x1  }
0x13: {  	[smem:$0x3FB6] =	sst s0;
	s0 =	simm.s32 @!p1 $0x0  }
0x14: {  	s2 =	sld [smem:$0x3F9A];
	s0 =	simm.s32 @p1 $0x1  }
0x15: {  	[smem:$0x3FB7] =	sst s0;
	s0 =	simm.s32 @!p2 $0x0  }
0x16: {  	s3 =	sld [smem:$0x3FDB];
	s0 =	simm.s32 @p2 $0x1  }
0x17: {  	s4 =	simm.s32 $0x1BF5;
	[smem:$0x3FB9] =	sst s0  }
0x18: {  	s0 =	sld [smem:$0x3F9C];
	_ =	swait.ge [sflag:s4], $0x0  }
0x19: {  	s7 =	sld [smem:$0x3F9D]  }
0x1a: {  	s8 =	sadd.s32 $0xFFFFE003, lr  }
0x1b: {  	s9 =	sadd.s32 $0xFFFFFEF7, lr;
	s5 =	simm.s32 $0xFFFFFFFF;
	p2 =	slt.u32 s8, $0xFFFFF086  }
0x1c: {  	p1 =	slt.u32 s9, $0xF7A;
	s5 =	simm.s32 @!p2 $0x0  }
0x1d: {  	s5 =	simm.s32 @p1 $0x1;
	p0 =	seq.s32 s7, s2  }
0x1e: {  	s7 =	smul.u32 @!p0 $0xF7A, s2;
	p2 =	seq.s32 @!p0 s5, $0x0  }
0x1f: {  	s9 =	smul.u32 $0xF7A, s1;
	s8 =	simm.s32 @!p0 $0x1BF5;
	p2 =	por !p2, p0  }
0x20: {  	[sflag:s8] =	ssyncset.s32 @!p0 $0xFFFFF086;
	s6 =	sadd.s32 @!p0 s3, s7;
	s7 =	simm.s32 @!p0 $0x108  }
0x21: {  	s3 =	sadd.s32 s3, s9;
	s6 =	sadd.s32 @!p0 $0x88, s6;
	s7 =	simm.s32 @p2 $0x1082  }
0x22: {  	[simem:s7], [sflag:s8] =	dma.local @!p0 [hbm:s6], $0xF7A  }
0x23: {  	s9 =	sor.u32 $0xD0000000, s2;
	s6 =	simm.s32 $0x108;
	_ =	swait.ge @!p0 [sflag:s8], $0x0  }
0x24: {  	s3 =	sadd.s32 $0x88, s3;
	s6 =	simm.s32 @!p1 $0x1082;
	[sflag:s4] =	ssyncset.s32 $0xFFFFF086  }
0x25: {  	[simem:s6], [sflag:s4] =	dma.local [hbm:s3], $0xF7A  }
0x26: {  	[smem:$0x3F9D] =	sst s1;
	(tag) =	ssettag s2;
	_ =	strace s9  }
0x27: {  	s1 =	sld [smem:$0x3FAD]  }
0x28: {  	s2 =	sld [smem:$0x3FAE]  }
0x29: {  	s4 =	sld [smem:$0x3FB0]  }
0x2a: {  	p0 =	seq.s32 s5, $0x0;
	s5 =	sld [smem:$0x3FB1]  }
0x2b: {  	s6 =	sld [smem:$0x3FB2]  }
0x2c: {  	s7 =	sld [smem:$0x3FB3]  }
0x2d: {  	s3 =	simm.s32 $0x108;
	s8 =	sld [smem:$0x3FB4]  }
0x2e: {  	s3 =	simm.s32 @!p0 $0x1082;
	s9 =	sld [smem:$0x3FB5]  }
0x2f: {  	lr =	sadd.s32 s0, s3;
	s0 =	sld [smem:$0x3FAC]  }
0x30: {  	s3 =	sld [smem:$0x3FAF]  }
0x31: {  	[smem:$0x3FB8] =	sst s10  }
0x32: {  	s10 =	sld [smem:$0x3FB6];
	_ =	sdelay $0x3  }
0x33: {  	p0 =	seq.s32 s10, $0x1;
	s10 =	sld [smem:$0x3FB8];
	_ =	sdelay $0x3  }
0x34: {  	[smem:$0x3FB8] =	sst s10  }
0x35: {  	s10 =	sld [smem:$0x3FB7];
	_ =	sdelay $0x3  }
0x36: {  	p1 =	seq.s32 s10, $0x1;
	s10 =	sld [smem:$0x3FB8];
	_ =	sdelay $0x3  }
0x37: {  	[smem:$0x3FB8] =	sst s10  }
0x38: {  	s10 =	sld [smem:$0x3FB9]  }
0x39: {  	_ = 	snop;
	(pc) =	sbr.ind lr, $3  }
0x3a: {  	_ = 	snop  }
0x3b: {  	_ = 	snop  }
0x3c: {  	p2 =	seq.s32 s10, $0x1;
	s10 =	sld [smem:$0x3FB8]  }
0x3d: {  	_ =	shalt  }
0x3e: {  	_ =	shalt  }
0x3f: {  	_ =	shalt  }
0x40: {  	_ =	shalt  }
0x41: {  	_ =	shalt  }
0x42: {  	_ =	shalt  }
0x43: {  	_ =	shalt  }
0x44: {  	_ =	shalt  }
0x45: {  	_ =	shalt  }
0x46: {  	_ =	shalt  }
0x47: {  	_ =	shalt  }
0x48: {  	_ =	shalt  }
0x49: {  	_ =	shalt  }
0x4a: {  	_ =	shalt  }
0x4b: {  	_ =	shalt  }
0x4c: {  	_ =	shalt  }
0x4d: {  	_ =	shalt  }
0x4e: {  	_ =	shalt  }
0x4f: {  	_ =	shalt  }
0x50: {  	_ =	shalt  }
0x51: {  	_ =	shalt  }
0x52: {  	_ =	shalt  }
0x53: {  	_ =	shalt  }
0x54: {  	_ =	shalt  }
0x55: {  	_ =	shalt  }
0x56: {  	_ =	shalt  }
0x57: {  	_ =	shalt  }
0x58: {  	_ =	shalt  }
0x59: {  	_ =	shalt  }
0x5a: {  	_ =	shalt  }
0x5b: {  	_ =	shalt  }
0x5c: {  	_ =	shalt  }
0x5d: {  	_ =	shalt  }
0x5e: {  	_ =	shalt  }
0x5f: {  	_ =	shalt  }
0x60: {  	_ =	shalt  }
0x61: {  	_ =	shalt  }
0x62: {  	_ =	shalt  }
0x63: {  	_ =	shalt  }
0x64: {  	_ =	shalt  }
0x65: {  	_ =	shalt  }
0x66: {  	_ =	shalt  }
0x67: {  	_ =	shalt  }
0x68: {  	_ =	shalt  }
0x69: {  	_ =	shalt  }
0x6a: {  	_ =	shalt  }
0x6b: {  	_ =	shalt  }
0x6c: {  	_ =	shalt  }
0x6d: {  	_ =	shalt  }
0x6e: {  	_ =	shalt  }
0x6f: {  	_ =	shalt  }
0x70: {  	_ =	shalt  }
0x71: {  	_ =	shalt  }
0x72: {  	_ =	shalt  }
0x73: {  	_ =	shalt  }
0x74: {  	_ =	shalt  }
0x75: {  	_ =	shalt  }
0x76: {  	_ =	shalt  }
0x77: {  	_ =	shalt  }
0x78: {  	_ =	shalt  }
0x79: {  	_ =	shalt  }
0x7a: {  	_ =	shalt  }
0x7b: {  	_ =	shalt  }
0x7c: {  	_ =	shalt  }
0x7d: {  	_ =	shalt  }
0x7e: {  	_ =	shalt  }
0x7f: {  	_ =	shalt  }
0x80: {  	_ =	shalt  }
0x81: {  	_ =	shalt  }
0x82: {  	_ =	shalt  }
0x83: {  	_ =	shalt  }
0x84: {  	_ =	shalt  }
0x85: {  	_ =	shalt  }
0x86: {  	_ =	shalt  }
0x87: {  	_ =	shalt  }
.Lfunc_end0:
.L_simem_size_0:
called_computation_lowered:
.L_overlay_start_0:
0x88: {  	s2 =	sld [smem:$0x3FD9]  }
0x89: {  	s3 =	sld [smem:$0x3FFE];
	_ =	sdelay $0x1  }
0x8a: {  	s1 =	srdreg.scid  }
0x8b: {  	s0 =	sand.u32 $0x1, s1  }
0x8c: {  	s17 =	sshll.u32 s0, $0xA;
	s2 =	sadd.s32 s3, s2  }
0x8d: {  	s2 =	sadd.s32 s2, s17  }
0x8e: {  	[smem:$0x3FC4] =	sst s2  }
0x8f: {  	_ = 	snop  }
0x90: {  	s2 =	sld [smem:$0x3FD0];
	(tm) =	ssettm $0x1  }
0x91: {  	s18 =	sld [smem:$0x3FFB];
	_ =	sdelay $0x3  }
0x92: {  	_ =	strace s18  }
0x93: {  	s3 =	sld [smem:$0x3FFC];
	_ =	sdelay $0x3  }
0x94: {  	_ =	strace s3  }
0x95: {  	s3 =	sld [smem:$0x3FFD];
	_ =	sdelay $0x3  }
0x96: {  	_ =	strace s3  }
0x97: {  	_ =	strace $0x8FFFFFFF  }
0x98: {  	s19 =	sld [smem:$0x3FDB];
	_ =	sdelay $0x1  }
0x99: {  	s4 =	simm.s32 $_scs_section_size  }
0x9a: {  	s5 =	simm.s32 $_size__tile_overlayer_lowered;
	s6 =	simm.s32 $_tile_overlayer_lowered  }
0x9b: {  	s22 =	simm.s32 $0x1BFF;
	s21 =	sshll.u32 s6, $0x1;
	s3 =	sadd.s32 s4, s19  }
0x9c: {  	s7 =	simm.s32 $0x0;
	s20 =	sshll.u32 s5, $0x1;
	s5 =	sadd.s32 s21, s3  }
0x9d: {  	[timem:s7], [sflag:s22] =	dma.local [hbm:s5], s20  }
0x9e: {  	_ =	swait.ge [sflag:s22], s20  }
0x9f: {  	s4 =	ssub.s32 $0x0, s20;
	[sflag:s22] =	ssyncset.done $0x0  }
0xa0: {  	[sflag:s22] =	ssyncadd.s32 s4;
	_ =	sdelay $0x1  }
0xa1: {  	s23 =	simm.s32 $0x1B8B  }
0xa2: {  	_ =	swait.ge [sflag:s23], $0x1  }
0xa3: {  	[sflag:s23] =	ssyncset.done $0x0  }
0xa4: {  	s25 =	simm.s32 $0x1B8E;
	s24 =	sld [smem:$0x3FFE];
	[sflag:s23] =	ssyncadd.s32 $0xFFFFFFFF  }
0xa5: {  	s26 =	simm.s32 $execute0_lowered;
	[smem:$0x3FD2] =	sst s25  }
0xa6: {  	s5 =	sshll.u32 s26, $0x1;
	_ =	strace $0x80000046;
	[dreg:$0x1] =	wrdreg $0xFFFFFFFF  }
0xa7: {  	s28 =	simm.s32 $_size_execute0_lowered;
	s3 =	sadd.s32 s3, s5;
	[dreg:$0x0] =	wrdreg $0x0  }
0xa8: {  	s5 =	sshll.u32 s28, $0x1;
	[dreg:$0x2] =	wrdreg s3  }
0xa9: {  	[dreg:$0x3] =	wrdreg s5  }
0xaa: {  	[dreg:$0x4] =	wrdreg $0xC0  }
0xab: {  	_ =	task [dreg:s7], $0x5FFFF  }
0xac: {  	[dreg:$0x1] =	wrdreg $0xFFFFFFFF  }
0xad: {  	[dreg:$0x0] =	wrdreg $0x60  }
0xae: {  	[dreg:$0x2] =	wrdreg s2  }
0xaf: {  	[dreg:$0x3] =	wrdreg s24  }
0xb0: {  	[dreg:$0x4] =	wrdreg $0x117000  }
0xb1: {  	[dreg:$0x5] =	wrdreg $0x1B7000  }
0xb2: {  	[dreg:$0x6] =	wrdreg $0x9  }
0xb3: {  	_ =	task.clear_ibuf [dreg:s7], $0x7FFFF;
	_ =	strace $0x90000046  }
0xb4: {  	s29 =	simm.s32 $0x9;
	_ =	strace $0x80000048  }
0xb5: {  	_ =	swait.ge [sflag:s29], $0x1  }
0xb6: {  	[sflag:s29] =	ssyncadd.s32 $0xFFFFFFFF  }
0xb7: {  	_ =	strace $0x90000048  }
0xb8: {  	_ =	sfence  }
0xb9: {  	s30 =	sld [smem:$0x0];
	_ =	sdelay $0x2  }
0xba: {  	s31 =	sshll.u32 s1, $0xD;
	s1 =	sshrl.u32 s1, $0x2  }
0xbb: {  	s3 =	sand.u32 $0x4000, s31;
	s1 =	sadd.s32 s1, s30  }
0xbc: {  	s0 =	sor.u32 s3, s0;
	s1 =	sshll.u32 s1, $0x11  }
0xbd: {  	s0 =	sor.u32 s1, s0  }
0xbe: {  	s0 =	sadd.s32 $0x8F2B, s0  }
0xbf: {  	[sflag:s0] =	ssyncadd.remote.s32 $0x1  }
0xc0: {  	_ =	sfence.sel $0xFFFF  }
0xc1: {  	[dreg:$0x0] =	wrdreg $0xFFFFFFFF;
	(pc) =	sbr.abs _section_cstart, $3  }
0xc2: {  	[dreg:$0x1] =	wrdreg $0xFFFFFFFF  }
0xc3: {  	_ =	task.clear_ibuf [dreg:s7], $0x2FFFF;
	_ =	strace $0x9FFFFFFF  }
0xc4: {  	(tm) =	ssettm $0x7FFFFFFF  }
0xc5: {  	_ =	shalt  }
tec
execute0_lowered:
.L_overlay_start_1:
0x0: {  	(tag) =	ssettag $0x1  }
0x1: {  	s0 =	rddreg [dreg:$0x0]  }
0x2: {  	s1 =	rddreg [dreg:$0x1];
	s3 =	srdreg.scid  }
0x3: {  	s15 =	stileid.u32;
	s2 =	rddreg [dreg:$0x2]  }
0x4: {  	s8 =	simm.s32 $0x0;
	s28 =	simm.s32 $0x80;
	s6 =	smul.u32 $0xA000, s15  }
0x5: {  	s31 =	simm.s32 $0x8F00;
	s29 =	simm.s32 $0xCF00;
	s7 =	smul.u32 $0x2800, s15  }
0x6: {  	s4 =	sand.u32 $0x1, s3;
	s3 =	rddreg [dreg:$0x3];
	s11 =	smul.u32 $0x280, s15  }
0x7: {  	s30 =	simm.s32 $0x5;
	[smem:$0x7FF] =	sst s8;
	s5 =	smul.u32 $0xA0000, s4  }
0x8: {  	s21 =	sshll.u32 s15, $0x4;
	s23 =	smul.u32 $0x28000, s4;
	s10 =	ssub.s32 $0x2, s4  }
0x9: {  	_ =	strace $0x80000047;
	s4 =	sshll.u32 s4, $0x4;
	s24 =	sshrl.u32 s10, $0x1  }
0xa: {  	s25 =	sadd.s32 $0x80, s11;
	s13 =	sadd.s32 $0x100, s11;
	s14 =	sadd.s32 $0x180, s11  }
0xb: {  	s11 =	sadd.s32 $0x200, s11;
	s4 =	sor.u32 s15, s4;
	s15 =	simm.s32 $0x0  }
0xc: {  	s9 =	sadd.s32 s6, s5;
	s5 =	sadd.s32 $0xE00, s1;
	s8 =	sadd.s32 s7, s23  }
0xd: {  	s6 =	sadd.s32 s6, s2;
	s7 =	sadd.s32 s7, s3;
	s12 =	sshll.u32 s25, $0x6  }
0xe: {  	s26 =	sshll.u32 s13, $0x6;
	s13 =	sshll.u32 s13, $0x4;
	s16 =	sshll.u32 s14, $0x6  }
0xf: {  	s17 =	sshll.u32 s11, $0x6;
	s9 =	sshrl.u32 s9, $0x3;
	s8 =	sshrl.u32 s8, $0x3  }
0x10: {  	s12 =	sadd.s32 s12, s2;
	s18 =	sadd.s32 s17, s2;
	s9 =	sadd.s32 s9, s1  }
0x11: {  	s1 =	sadd.s32 s8, s1;
	s8 =	ssub.s32 s10, s24;
	[dreg:$0x5] =	wrdreg s12  }
0x12: {  	s10 =	sshll.u32 s25, $0x4;
	s12 =	sadd.s32 s26, s2;
	[dreg:$0xb] =	wrdreg s18  }
0x13: {  	s19 =	sshll.u32 s11, $0x4;
	s10 =	sadd.s32 s10, s3;
	[dreg:$0x7] =	wrdreg s12  }
0x14: {  	p0 =	sgt.u32 s4, $0x3;
	s12 =	sadd.s32 s16, s2;
	[dreg:$0x6] =	wrdreg s10  }
0x15: {  	s11 =	simm.s32 $0xA;
	s24 =	sadd.s32 $0x14800, s9;
	[dreg:$0x9] =	wrdreg s12  }
0x16: {  	s25 =	sadd.s32 $0x3C800, s1;
	s26 =	smax.u32 s8, $0x1;
	[dreg:$0x11] =	wrdreg s24  }
0x17: {  	s1 =	simm.s32 $0xEF00;
	s10 =	sadd.s32 s13, s3;
	[dreg:$0x12] =	wrdreg s25  }
0x18: {  	[dreg:$0x13] =	wrdreg s26;
	s24 =	simm.s32 $0xE;
	s25 =	simm.s32 $0x10F00  }
0x19: {  	[dreg:$0x8] =	wrdreg s10;
	s10 =	sshll.u32 s14, $0x4;
	s14 =	smul.u32 $0x2700, s4  }
0x1a: {  	s26 =	simm.s32 $0x3;
	s12 =	simm.s32 $0xB;
	s10 =	sadd.s32 s10, s3  }
0x1b: {  	[dreg:$0xa] =	wrdreg s10;
	s20 =	sshrl.u32 s14, $0x3;
	s10 =	sadd.s32 s19, s3  }
0x1c: {  	s13 =	simm.s32 $0xC;
	[dreg:$0xc] =	wrdreg s10;
	s22 =	sadd.s32 s0, s20  }
0x1d: {  	s0 =	sadd.s32 s21, s0;
	[dreg:$0xd] =	wrdreg s22;
	s10 =	sadd.s32 $0x9C40, s22  }
0x1e: {  	s4 =	simm.s32 $0x6;
	s23 =	sadd.s32 $0x9C00, s0;
	[dreg:$0xe] =	wrdreg s10  }
0x1f: {  	s14 =	simm.s32 $0xD;
	s0 =	sadd.s32 $0x13840, s0;
	[dreg:$0xf] =	wrdreg s23  }
0x20: {  	v0 =	vimm.f32 $0.0e+00;
	v1 =	vimm.f32 $1.000000000e+00;
	[dreg:$0x10] =	wrdreg s0;
	s23 =	simm.s32 $0x4F00;
	s0 =	simm.s32 $0x1  }
.LBB2_1:
0x21: {  	s17 =	simm.s32 $0x4F20  }
0x22: {  	[tilespmem:s17+$0x0] =	vst v0  }
0x23: {  	[tilespmem:s17+$0xFFFFFFE0] =	vst v0  }
0x24: {  	[tilespmem:s17+$0x10] =	vst v0  }
0x25: {  	s18 =	simm.s32 $0x40;
	s19 =	simm.s32 $0x0;
	[tilespmem:s17+$0xFFFFFFF0] =	vst v0  }
.LBB2_2:
0x26: {  	p1 =	sne.s32 s18, $0x1FC0  }
0x27: {  	[tilespmem:s19+$0x10F00] =	vst v0;
	s17 =	sadd.s32 $0x40, s17;
	s19 =	smov.u32 s18;
	s18 =	sadd.s32 $0x40, s18  }
.Ltmp0:
0x28: {  	[tilespmem:s17+$0x0] =	vst v0;
	(pc) =	sbr.rel @p1 .LBB2_2-.Ltmp0, $4  }
0x29: {  	_ = 	snop  }
0x2a: {  	[tilespmem:s17+$0xFFFFFFE0] =	vst v0  }
0x2b: {  	[tilespmem:s17+$0x10] =	vst v0  }
0x2c: {  	s19 =	sshra.s32 s19, $0x2;
	[tilespmem:s17+$0xFFFFFFF0] =	vst v0  }
0x2d: {  	[tilespmem:s19+$0x10F00] =	vst v0  }
0x2e: {  	[spmem:s6] =	stream.linear.scatter [tilespmem:s23], [sflag:$0xE], $0x2000, $0x38;
	[tilespmem:$0x1DF00] =	vst v63  }
0x2f: {  	_ =	swait.ge [sflag:s24], $0x2000  }
0x30: {  	[sflag:s24] =	ssyncset.done $0x0  }
0x31: {  	[sflag:s24] =	ssyncadd.s32 $0xFFFFE000  }
0x32: {  	[spmem:s7] =	stream.linear.scatter [tilespmem:s25], [sflag:$0xE], $0x800, $0x38;
	[tilespmem:$0x1DF00] =	vst v63  }
0x33: {  	_ =	swait.ge [sflag:s24], $0x800  }
0x34: {  	[sflag:s24] =	ssyncset.done $0x0  }
0x35: {  	s8 =	rddreg [dreg:$0x5];
	[sflag:s24] =	ssyncadd.s32 $0xFFFFF800  }
0x36: {  	[spmem:s8] =	stream.linear.scatter [tilespmem:s23], [sflag:$0xE], $0x2000, $0x38;
	[tilespmem:$0x1DF00] =	vst v63  }
0x37: {  	_ =	swait.ge [sflag:s24], $0x2000  }
0x38: {  	[sflag:s24] =	ssyncset.done $0x0  }
0x39: {  	s16 =	rddreg [dreg:$0x6];
	[sflag:s24] =	ssyncadd.s32 $0xFFFFE000  }
0x3a: {  	[spmem:s16] =	stream.linear.scatter [tilespmem:s25], [sflag:$0xE], $0x800, $0x38;
	[tilespmem:$0x1DF00] =	vst v63  }
0x3b: {  	_ =	swait.ge [sflag:s24], $0x800  }
0x3c: {  	[sflag:s24] =	ssyncset.done $0x0  }
0x3d: {  	s17 =	rddreg [dreg:$0x7];
	[sflag:s24] =	ssyncadd.s32 $0xFFFFF800  }
0x3e: {  	[spmem:s17] =	stream.linear.scatter [tilespmem:s23], [sflag:$0xE], $0x2000, $0x38;
	[tilespmem:$0x1DF00] =	vst v63  }
0x3f: {  	_ =	swait.ge [sflag:s24], $0x2000  }
0x40: {  	[sflag:s24] =	ssyncset.done $0x0  }
0x41: {  	s18 =	rddreg [dreg:$0x8];
	[sflag:s24] =	ssyncadd.s32 $0xFFFFE000  }
0x42: {  	[spmem:s18] =	stream.linear.scatter [tilespmem:s25], [sflag:$0xE], $0x800, $0x38;
	[tilespmem:$0x1DF00] =	vst v63  }
0x43: {  	_ =	swait.ge [sflag:s24], $0x800  }
0x44: {  	[sflag:s24] =	ssyncset.done $0x0  }
0x45: {  	s19 =	rddreg [dreg:$0x9];
	[sflag:s24] =	ssyncadd.s32 $0xFFFFF800  }
0x46: {  	[spmem:s19] =	stream.linear.scatter [tilespmem:s23], [sflag:$0xE], $0x2000, $0x38;
	[tilespmem:$0x1DF00] =	vst v63  }
0x47: {  	_ =	swait.ge [sflag:s24], $0x2000  }
0x48: {  	[sflag:s24] =	ssyncset.done $0x0  }
0x49: {  	s20 =	rddreg [dreg:$0xa];
	[sflag:s24] =	ssyncadd.s32 $0xFFFFE000  }
0x4a: {  	[spmem:s20] =	stream.linear.scatter [tilespmem:s25], [sflag:$0xE], $0x800, $0x38;
	[tilespmem:$0x1DF00] =	vst v63  }
0x4b: {  	_ =	swait.ge [sflag:s24], $0x800  }
0x4c: {  	[sflag:s24] =	ssyncset.done $0x0  }
0x4d: {  	s21 =	rddreg [dreg:$0xb];
	[sflag:s24] =	ssyncadd.s32 $0xFFFFF800  }
0x4e: {  	[spmem:s21] =	stream.linear.scatter [tilespmem:s23], [sflag:$0xE], $0x2000, $0x38;
	[tilespmem:$0x1DF00] =	vst v63  }
0x4f: {  	_ =	swait.ge [sflag:s24], $0x2000  }
0x50: {  	[sflag:s24] =	ssyncset.done $0x0  }
0x51: {  	s22 =	rddreg [dreg:$0xc];
	[sflag:s24] =	ssyncadd.s32 $0xFFFFE000  }
0x52: {  	[spmem:s22] =	stream.linear.scatter [tilespmem:s25], [sflag:$0xE], $0x800, $0x38;
	[tilespmem:$0x1DF00] =	vst v63  }
0x53: {  	_ =	swait.ge [sflag:s24], $0x800  }
0x54: {  	[sflag:s24] =	ssyncset.done $0x0  }
0x55: {  	s17 =	simm.s32 $0x40;
	s18 =	simm.s32 $0x0;
	[sflag:s24] =	ssyncadd.s32 $0xFFFFF800  }
.LBB2_4:
0x56: {  	p1 =	sne.s32 s17, $0x1FC0;
	[tilespmem:s18+$0x10F00] =	vst v1;
	s18 =	smov.u32 s17;
	s17 =	sadd.s32 $0x40, s17  }
.Ltmp1:
0x57: {  	(pc) =	sbr.rel @p1 .LBB2_4-.Ltmp1, $2  }
0x58: {  	_ =	sdelay $0x2  }
0x59: {  	s18 =	sshra.s32 s18, $0x2  }
0x5a: {  	[tilespmem:s18+$0x10F00] =	vst v1;
	s8 =	simm.s32 $0x0;
	s9 =	rddreg [dreg:$0xd]  }
0x5b: {  	[tilespmem:s8], [sflag:$0xE] =	stream.linear.gather [hbm4b:s9+s8], $0x2700, $0x38;
	[tilespmem:$0x1DF00] =	vst v63  }
0x5c: {  	_ =	swait.ge [sflag:s24], $0x2700  }
0x5d: {  	[sflag:s24] =	ssyncset.done $0x0  }
0x5e: {  	s10 =	simm.s32 $0x2780;
	s22 =	rddreg [dreg:$0xe];
	[sflag:s24] =	ssyncadd.s32 $0xFFFFD900  }
0x5f: {  	[tilespmem:s10], [sflag:$0xE] =	stream.linear.gather [hbm4b:s22+s8], $0x2700, $0x38;
	[tilespmem:$0x1DF00] =	vst v63  }
0x60: {  	_ =	swait.ge [sflag:s24], $0x2700  }
0x61: {  	s17 =	simm.s32 @!p0 $0x0;
	[sflag:s24] =	ssyncset.done $0x0  }
0x62: {  	s18 =	simm.s32 @!p0 $0x2700;
	s8 =	rddreg [dreg:$0xf];
	[sflag:s24] =	ssyncadd.s32 $0xFFFFD900  }
0x63: {  	[tilespmem:s18], [sflag:$0xE] =	stream.linear.gather @!p0 [hbm4b:s8+s17], $0x80, $0x38;
	[tilespmem:$0x1DF00] =	vst v63  }
0x64: {  	s18 =	simm.s32 @!p0 $0xE  }
0x65: {  	_ =	swait.ge @!p0 [sflag:s18], $0x80  }
0x66: {  	[sflag:s18] =	ssyncset.done @!p0 $0x0  }
0x67: {  	s19 =	simm.s32 @!p0 $0x4E80;
	s8 =	rddreg [dreg:$0x10];
	[sflag:s18] =	ssyncadd.s32 @!p0 $0xFFFFFF80  }
0x68: {  	[tilespmem:s19], [sflag:$0xE] =	stream.linear.gather @!p0 [hbm4b:s8+s17], $0x80, $0x38;
	[tilespmem:$0x1DF00] =	vst v63  }
0x69: {  	_ =	swait.ge @!p0 [sflag:s18], $0x80  }
0x6a: {  	[sflag:s18] =	ssyncset.done @!p0 $0x0  }
0x6b: {  	[sflag:s18] =	ssyncadd.s32 @!p0 $0xFFFFFF80  }
0x6c: {  	s17 =	simm.s32 $0x0;
	[bflag:$0x0] =	sbarrier.arrive $0xFFFF  }
0x6d: {  	[tilespmem:s23], [sflag:$0x1] =	stream.indirect.gather [hbm4b:s5+s28], $0x40, s17, s28, $0xb8;
	[tilespmem:$0x1DF00] =	vst v63  }
0x6e: {  	s16 =	simm.s32 $0x6F00  }
0x6f: {  	[tilespmem:s16], [sflag:$0x2] =	stream.indirect.gather [hbm4b:s5+s28], $0x40, s28, s28, $0xb8;
	[tilespmem:$0x1DF00] =	vst v63  }
0x70: {  	s18 =	simm.s32 $0x100  }
0x71: {  	[tilespmem:s31], [sflag:$0x3] =	stream.indirect.gather [hbm4b:s5+s28], $0x40, s18, s28, $0xb8;
	[tilespmem:$0x1DF00] =	vst v63  }
0x72: {  	s20 =	simm.s32 $0xAF00;
	s19 =	simm.s32 $0x180  }
0x73: {  	[tilespmem:s20], [sflag:$0x4] =	stream.indirect.gather [hbm4b:s5+s28], $0x40, s19, s28, $0xb8;
	[tilespmem:$0x1DF00] =	vst v63  }
0x74: {  	s21 =	simm.s32 $0x200  }
0x75: {  	[tilespmem:s29], [sflag:$0x5] =	stream.indirect.gather [hbm4b:s5+s28], $0x40, s21, s28, $0xb8;
	[tilespmem:$0x1DF00] =	vst v63  }
0x76: {  	s22 =	simm.s32 $0x280  }
0x77: {  	[tilespmem:s1], [sflag:$0x6] =	stream.indirect.gather [hbm4b:s5+s28], $0x40, s22, s28, $0xb8;
	[tilespmem:$0x1DF00] =	vst v63  }
.LBB2_6:
0x78: {  	_ =	swait.ge [sflag:s0], $0x2000  }
0x79: {  	s18 =	sshra.s32 s17, $0x2;
	[sflag:s0] =	ssyncset.done $0x0  }
0x7a: {  	s19 =	sadd.s32 $0x2780, s18;
	[sflag:s0] =	ssyncadd.s32 $0xFFFFE000  }
0x7b: {  	[spmem:s2] =	stream.indirect.scatter.add.f32 [tilespmem:s23], [sflag:$0x7], $0x40, s19, s28, $0xb8;
	[tilespmem:$0x1DF00] =	vst v63  }
0x7c: {  	p1 =	seq.s32 s17, $0x9000  }
0x7d: {  	[spmem:s3] =	stream.indirect.scatter.add.f32 [tilespmem:s25], [sflag:$0xD], $0x10, s19, s28, $0xb8;
	[tilespmem:$0x1DF00] =	vst v63  }
0x7e: {  	s19 =	simm.s32 @p1 $0x2  }
0x7f: {  	_ =	swait.ge @p1 [sflag:s19], $0x2000  }
0x80: {  	[sflag:s19] =	ssyncset.done @p1 $0x0  }
0x81: {  	[sflag:s19] =	ssyncadd.s32 @p1 $0xFFFFE000;
	s19 =	sshra.s32 @p1 s17, $0x2  }
0x82: {  	s21 =	simm.s32 @p1 $0x80;
	s22 =	simm.s32 @p1 $0x6F00;
	s20 =	sadd.s32 @p1 $0x2800, s19  }
0x83: {  	[spmem:s2] =	stream.indirect.scatter.add.f32 @p1 [tilespmem:s22], [sflag:$0x8], $0x40, s20, s21, $0xb8;
	[tilespmem:$0x1DF00] =	vst v63  }
0x84: {  	s22 =	simm.s32 @p1 $0x10F00  }
0x85: {  	[spmem:s3] =	stream.indirect.scatter.add.f32 @p1 [tilespmem:s22], [sflag:$0xD], $0x10, s20, s21, $0xb8;
	[tilespmem:$0x1DF00] =	vst v63  }
0x86: {  	s20 =	simm.s32 @!p1 $0x7  }
0x87: {  	_ =	swait.ge @!p1 [sflag:s20], $0x2000  }
0x88: {  	[sflag:s20] =	ssyncset.done @!p1 $0x0  }
0x89: {  	[sflag:s20] =	ssyncadd.s32 @!p1 $0xFFFFE000;
	s20 =	sshra.s32 @!p1 s17, $0x2  }
0x8a: {  	s8 =	simm.s32 @!p1 $0x80;
	s9 =	simm.s32 @!p1 $0x4F00;
	s16 =	sadd.s32 @!p1 $0x300, s20  }
0x8b: {  	[tilespmem:s9], [sflag:$0x1] =	stream.indirect.gather @!p1 [hbm4b:s5+s8], $0x40, s16, s8, $0xb8;
	[tilespmem:$0x1DF00] =	vst v63  }
0x8c: {  	s9 =	simm.s32 @!p1 $0x2  }
0x8d: {  	_ =	swait.ge @!p1 [sflag:s9], $0x2000  }
0x8e: {  	[sflag:s9] =	ssyncset.done @!p1 $0x0  }
0x8f: {  	s16 =	simm.s32 @!p1 $0x6F00;
	[sflag:s9] =	ssyncadd.s32 @!p1 $0xFFFFE000;
	s9 =	sadd.s32 @!p1 $0x2800, s20  }
0x90: {  	[spmem:s2] =	stream.indirect.scatter.add.f32 @!p1 [tilespmem:s16], [sflag:$0x8], $0x40, s9, s8, $0xb8;
	[tilespmem:$0x1DF00] =	vst v63  }
0x91: {  	s10 =	simm.s32 @!p1 $0x10F00  }
0x92: {  	[spmem:s3] =	stream.indirect.scatter.add.f32 @!p1 [tilespmem:s10], [sflag:$0xD], $0x10, s9, s8, $0xb8;
	[tilespmem:$0x1DF00] =	vst v63  }
0x93: {  	s9 =	simm.s32 @!p1 $0x8  }
0x94: {  	_ =	swait.ge @!p1 [sflag:s9], $0x2000  }
0x95: {  	[sflag:s9] =	ssyncset.done @!p1 $0x0  }
0x96: {  	[sflag:s9] =	ssyncadd.s32 @!p1 $0xFFFFE000;
	s9 =	sadd.s32 @!p1 $0x380, s20  }
0x97: {  	[tilespmem:s16], [sflag:$0x2] =	stream.indirect.gather @!p1 [hbm4b:s5+s8], $0x40, s9, s8, $0xb8;
	[tilespmem:$0x1DF00] =	vst v63  }
0x98: {  	_ =	swait.ge [sflag:s26], $0x2000  }
0x99: {  	[sflag:s26] =	ssyncset.done $0x0  }
0x9a: {  	s16 =	sadd.s32 $0x2880, s18;
	[sflag:s26] =	ssyncadd.s32 $0xFFFFE000  }
0x9b: {  	[spmem:s2] =	stream.indirect.scatter.add.f32 [tilespmem:s31], [sflag:$0x9], $0x40, s16, s28, $0xb8;
	[tilespmem:$0x1DF00] =	vst v63  }
0x9c: {  	s9 =	simm.s32 @p1 $0x4  }
0x9d: {  	[spmem:s3] =	stream.indirect.scatter.add.f32 [tilespmem:s25], [sflag:$0xD], $0x10, s16, s28, $0xb8;
	[tilespmem:$0x1DF00] =	vst v63  }
0x9e: {  	_ =	swait.ge @p1 [sflag:s9], $0x2000  }
0x9f: {  	[sflag:s9] =	ssyncset.done @p1 $0x0  }
0xa0: {  	s16 =	simm.s32 @p1 $0xAF00;
	[sflag:s9] =	ssyncadd.s32 @p1 $0xFFFFE000;
	s9 =	sadd.s32 @p1 $0x2900, s19  }
0xa1: {  	[spmem:s2] =	stream.indirect.scatter.add.f32 @p1 [tilespmem:s16], [sflag:$0xA], $0x40, s9, s21, $0xb8;
	[tilespmem:$0x1DF00] =	vst v63  }
0xa2: {  	_ = 	snop  }
0xa3: {  	[spmem:s3] =	stream.indirect.scatter.add.f32 @p1 [tilespmem:s22], [sflag:$0xD], $0x10, s9, s21, $0xb8;
	[tilespmem:$0x1DF00] =	vst v63  }
0xa4: {  	s9 =	simm.s32 @!p1 $0x9  }
0xa5: {  	_ =	swait.ge @!p1 [sflag:s9], $0x2000  }
0xa6: {  	[sflag:s9] =	ssyncset.done @!p1 $0x0  }
0xa7: {  	s16 =	simm.s32 @!p1 $0x8F00;
	[sflag:s9] =	ssyncadd.s32 @!p1 $0xFFFFE000;
	s9 =	sadd.s32 @!p1 $0x400, s20  }
0xa8: {  	[tilespmem:s16], [sflag:$0x3] =	stream.indirect.gather @!p1 [hbm4b:s5+s8], $0x40, s9, s8, $0xb8;
	[tilespmem:$0x1DF00] =	vst v63  }
0xa9: {  	s9 =	simm.s32 @!p1 $0x4  }
0xaa: {  	_ =	swait.ge @!p1 [sflag:s9], $0x2000  }
0xab: {  	[sflag:s9] =	ssyncset.done @!p1 $0x0  }
0xac: {  	s16 =	simm.s32 @!p1 $0xAF00;
	[sflag:s9] =	ssyncadd.s32 @!p1 $0xFFFFE000;
	s9 =	sadd.s32 @!p1 $0x2900, s20  }
0xad: {  	[spmem:s2] =	stream.indirect.scatter.add.f32 @!p1 [tilespmem:s16], [sflag:$0xA], $0x40, s9, s8, $0xb8;
	[tilespmem:$0x1DF00] =	vst v63  }
0xae: {  	_ = 	snop  }
0xaf: {  	[spmem:s3] =	stream.indirect.scatter.add.f32 @!p1 [tilespmem:s10], [sflag:$0xD], $0x10, s9, s8, $0xb8;
	[tilespmem:$0x1DF00] =	vst v63  }
0xb0: {  	s9 =	simm.s32 @!p1 $0xA  }
0xb1: {  	_ =	swait.ge @!p1 [sflag:s9], $0x2000  }
0xb2: {  	[sflag:s9] =	ssyncset.done @!p1 $0x0  }
0xb3: {  	[sflag:s9] =	ssyncadd.s32 @!p1 $0xFFFFE000;
	s9 =	sadd.s32 @!p1 $0x480, s20  }
0xb4: {  	[tilespmem:s16], [sflag:$0x4] =	stream.indirect.gather @!p1 [hbm4b:s5+s8], $0x40, s9, s8, $0xb8;
	[tilespmem:$0x1DF00] =	vst v63  }
0xb5: {  	_ =	swait.ge [sflag:s30], $0x2000  }
.Ltmp2:
0xb6: {  	[sflag:s30] =	ssyncset.done $0x0;
	(pc) =	sbr.rel @p1 .LBB2_8-.Ltmp2, $4  }
0xb7: {  	s22 =	sadd.s32 $0x2980, s18;
	[sflag:s30] =	ssyncadd.s32 $0xFFFFE000  }
0xb8: {  	[spmem:s2] =	stream.indirect.scatter.add.f32 [tilespmem:s29], [sflag:$0xB], $0x40, s22, s28, $0xb8;
	[tilespmem:$0x1DF00] =	vst v63  }
0xb9: {  	s19 =	sadd.s32 $0x2A00, s18  }
0xba: {  	[spmem:s3] =	stream.indirect.scatter.add.f32 [tilespmem:s25], [sflag:$0xD], $0x10, s22, s28, $0xb8;
	[tilespmem:$0x1DF00] =	vst v63  }
0xbb: {  	_ =	swait.ge [sflag:s12], $0x2000  }
0xbc: {  	[sflag:s12] =	ssyncset.done $0x0  }
0xbd: {  	s8 =	sadd.s32 $0x500, s18;
	[sflag:s12] =	ssyncadd.s32 $0xFFFFE000  }
0xbe: {  	[tilespmem:s29], [sflag:$0x5] =	stream.indirect.gather [hbm4b:s5+s28], $0x40, s8, s28, $0xb8;
	[tilespmem:$0x1DF00] =	vst v63  }
0xbf: {  	_ =	swait.ge [sflag:s4], $0x2000  }
0xc0: {  	[sflag:s4] =	ssyncset.done $0x0  }
0xc1: {  	[sflag:s4] =	ssyncadd.s32 $0xFFFFE000  }
0xc2: {  	[spmem:s2] =	stream.indirect.scatter.add.f32 [tilespmem:s1], [sflag:$0xC], $0x40, s19, s28, $0xb8;
	[tilespmem:$0x1DF00] =	vst v63  }
0xc3: {  	_ = 	snop  }
0xc4: {  	[spmem:s3] =	stream.indirect.scatter.add.f32 [tilespmem:s25], [sflag:$0xD], $0x10, s19, s28, $0xb8;
	[tilespmem:$0x1DF00] =	vst v63  }
.Ltmp3:
0xc5: {  	_ = 	snop;
	(pc) =	sbr.rel .LBB2_6-.Ltmp3, $4  }
0xc6: {  	_ =	swait.ge [sflag:s13], $0x2000  }
0xc7: {  	[sflag:s13] =	ssyncset.done $0x0  }
0xc8: {  	s22 =	sadd.s32 $0x580, s18;
	s17 =	sadd.s32 $0xC00, s17;
	[sflag:s13] =	ssyncadd.s32 $0xFFFFE000  }
0xc9: {  	[tilespmem:s1], [sflag:$0x6] =	stream.indirect.gather [hbm4b:s5+s28], $0x40, s22, s28, $0xb8;
	[tilespmem:$0x1DF00] =	vst v63  }
.LBB2_8:
0xca: {  	_ =	swait.ge [sflag:s4], $0x2000  }
0xcb: {  	[sflag:s4] =	ssyncset.done $0x0  }
0xcc: {  	[sflag:s4] =	ssyncadd.s32 $0xFFFFE000  }
0xcd: {  	[spmem:s2] =	stream.indirect.scatter.add.f32 [tilespmem:s1], [sflag:$0xC], $0x40, s19, s28, $0xb8;
	[tilespmem:$0x1DF00] =	vst v63  }
0xce: {  	s8 =	simm.s32 $0x7  }
0xcf: {  	[spmem:s3] =	stream.indirect.scatter.add.f32 [tilespmem:s25], [sflag:$0xD], $0x10, s19, s28, $0xb8;
	[tilespmem:$0x1DF00] =	vst v63  }
0xd0: {  	_ =	swait.ge [sflag:s8], $0x2000  }
0xd1: {  	[sflag:s8] =	ssyncset.done $0x0  }
0xd2: {  	s21 =	simm.s32 $0x8;
	[sflag:s8] =	ssyncadd.s32 $0xFFFFE000  }
0xd3: {  	_ =	swait.ge [sflag:s21], $0x2000  }
0xd4: {  	[sflag:s21] =	ssyncset.done $0x0  }
0xd5: {  	s22 =	simm.s32 $0x9;
	[sflag:s21] =	ssyncadd.s32 $0xFFFFE000  }
0xd6: {  	_ =	swait.ge [sflag:s22], $0x2000  }
0xd7: {  	[sflag:s22] =	ssyncset.done $0x0  }
0xd8: {  	[sflag:s22] =	ssyncadd.s32 $0xFFFFE000  }
0xd9: {  	_ =	swait.ge [sflag:s11], $0x2000  }
0xda: {  	[sflag:s11] =	ssyncset.done $0x0  }
0xdb: {  	[sflag:s11] =	ssyncadd.s32 $0xFFFFE000  }
0xdc: {  	_ =	swait.ge [sflag:s12], $0x2000  }
0xdd: {  	[sflag:s12] =	ssyncset.done $0x0  }
0xde: {  	[sflag:s12] =	ssyncadd.s32 $0xFFFFE000  }
0xdf: {  	_ =	swait.ge [sflag:s13], $0x2000  }
0xe0: {  	s9 =	simm.s32 @!p0 $0x2700;
	[sflag:s13] =	ssyncset.done $0x0  }
0xe1: {  	s10 =	simm.s32 @!p0 $0x4F00;
	s8 =	simm.s32 @!p0 $0x80;
	[sflag:s13] =	ssyncadd.s32 $0xFFFFE000  }
0xe2: {  	[tilespmem:s10], [sflag:$0x1] =	stream.indirect.gather @!p0 [hbm4b:s5+s8], $0x40, s9, s8, $0xb8;
	[tilespmem:$0x1DF00] =	vst v63  }
0xe3: {  	s9 =	simm.s32 @!p0 $0x1  }
0xe4: {  	_ =	swait.ge @!p0 [sflag:s9], $0x2000  }
0xe5: {  	[sflag:s9] =	ssyncset.done @!p0 $0x0  }
0xe6: {  	[sflag:s9] =	ssyncadd.s32 @!p0 $0xFFFFE000;
	s9 =	simm.s32 @!p0 $0x4E80  }
0xe7: {  	[spmem:s2] =	stream.indirect.scatter.add.f32 @!p0 [tilespmem:s10], [sflag:$0x7], $0x40, s9, s8, $0xb8;
	[tilespmem:$0x1DF00] =	vst v63  }
0xe8: {  	s10 =	simm.s32 @!p0 $0x10F00  }
0xe9: {  	[spmem:s3] =	stream.indirect.scatter.add.f32 @!p0 [tilespmem:s10], [sflag:$0xD], $0x10, s9, s8, $0xb8;
	[tilespmem:$0x1DF00] =	vst v63  }
0xea: {  	s8 =	simm.s32 @!p0 $0x7  }
0xeb: {  	_ =	swait.ge @!p0 [sflag:s8], $0x2000  }
0xec: {  	[sflag:s8] =	ssyncset.done @!p0 $0x0  }
0xed: {  	[sflag:s8] =	ssyncadd.s32 @!p0 $0xFFFFE000  }
0xee: {  	_ =	swait.ge [sflag:s14], $0x800  }
0xef: {  	s17 =	simm.s32 $0x4D;
	[sflag:s14] =	ssyncset.done $0x0  }
.LBB2_9:
0xf0: {  	p1 =	sne.s32 s17, $0x1;
	s17 =	sadd.s32 $0xFFFFFFFF, s17;
	[sflag:s14] =	ssyncadd.s32 $0xFFFFF800  }
.Ltmp4:
0xf1: {  	(pc) =	sbr.rel @p1 .LBB2_9-.Ltmp4, $3  }
0xf2: {  	_ =	sdelay $0x1  }
0xf3: {  	_ =	swait.ge [sflag:s14], $0x800  }
0xf4: {  	[sflag:s14] =	ssyncset.done $0x0  }
0xf5: {  	[sflag:s14] =	ssyncadd.s32 $0xFFFFF800;
	s8 =	simm.s32 @!p0 $0xD  }
0xf6: {  	_ =	swait.ge @!p0 [sflag:s8], $0x800  }
0xf7: {  	[sflag:s8] =	ssyncset.done @!p0 $0x0  }
0xf8: {  	s19 =	stileid.u32;
	[sflag:s8] =	ssyncadd.s32 @!p0 $0xFFFFF800  }
0xf9: {  	s8 =	sshll.u32 s19, $0x6;
	[bflag:$0x0] =	sbarrier.arrive $0xFFFF  }
0xfa: {  	s9 =	sshrl.u32 s6, $0x3;
	s8 =	sor.u32 $0x1C0E, s8;
	s10 =	rddreg [dreg:$0x11]  }
0xfb: {  	[hbm:s10], [sflag:s8] =	dma.local [spmem:s9], $0x1400  }
0xfc: {  	_ =	swait.ge [sflag:s24], $0x1400  }
0xfd: {  	[sflag:s24] =	ssyncset.done $0x0  }
0xfe: {  	s20 =	sshrl.u32 s7, $0x3;
	s21 =	rddreg [dreg:$0x12];
	[sflag:s24] =	ssyncadd.s32 $0xFFFFEC00  }
0xff: {  	[hbm:s21], [sflag:s8] =	dma.local [spmem:s20], $0x500  }
0x100: {  	_ =	swait.ge [sflag:s24], $0x500  }
0x101: {  	s15 =	sadd.s32 $0x1, s15;
	s22 =	rddreg [dreg:$0x13]  }
0x102: {  	p1 =	sne.s32 s15, s22  }
.Ltmp5:
0x103: {  	_ = 	snop;
	(pc) =	sbr.rel @p1 .LBB2_1-.Ltmp5, $3  }
0x104: {  	_ =	sdelay $0x1  }
0x105: {  	[sflag:s24] =	ssyncset.done $0x0  }
0x106: {  	[sflag:s24] =	ssyncadd.s32 $0xFFFFFB00  }
0x107: {  	_ =	sfence.sel $0x180000  }
0x108: {  	[bflag:$0x0] =	sbarrier.arrive $0xFFFF  }
0x109: {  	_ =	strace $0x90000047  }
0x10a: {  	s0 =	stileid.u32;
	[bflag:$0x2] =	sbarrier.arrive $0xFFFF  }
0x10b: {  	p0 =	sne.s32 s0, $0x0;
	s0 =	rddreg [dreg:$0x4]  }
0x10c: {  	s0 =	sadd.s32 @!p0 $0x100000, s0  }
0x10d: {  	[sflag:s0] =	ssyncadd.tile.s32 @!p0 $0x1;
	_ =	shalt  }
.Lfunc_end2:
_tile_overlayer_lowered:
.L_overlay_start_2:
0x10e: {  	(tag) =	ssettag $0x2  }
0x10f: {  	s0 =	rddreg [dreg:$0x0];
	s2 =	stileid.u32  }
0x110: {  	s1 =	rddreg [dreg:$0x1];
	p0 =	sne.s32 s2, $0x0  }
0x111: {  	s3 =	rddreg [dreg:$0x2];
	[bflag:$0x3] =	sbarrier.arrive $0xFFFF;
	s2 =	simm.s32 @!p0 $0x1C0E  }
0x112: {  	[timem:s3], [sflag:s2] =	dma.local @!p0 [hbm:s0], s1  }
0x113: {  	s0 =	simm.s32 @!p0 $0xE  }
0x114: {  	_ =	swait.ge @!p0 [sflag:s0], s1  }
0x115: {  	s1 =	ssub.s32 @!p0 $0x0, s1;
	[sflag:s0] =	ssyncset.done @!p0 $0x0  }
0x116: {  	[sflag:s0] =	ssyncadd.s32 @!p0 s1  }
0x117: {  	[bflag:$0x3] =	sbarrier.arrive $0xFFFF  }
0x118: {  	_ =	shalt  }

// kernel: kernel.8.cloned.1.call-start
scs
__scs_entry_jumppad:
0x0: {  	(pc) =	sbr.rel $0x88, $3  }
0x1: {  	(tag) =	ssettag $0x0;
	lr =	simm.s32 $0x1  }
0x2: {  	[smem:$0x3F9D] =	sst lr;
	_ =	strace $0xD0000000  }
0x3: {  	_ = 	snop  }
0x4: {  	_ = 	snop  }
0x5: {  	_ = 	snop  }
0x6: {  	_ = 	snop  }
0x7: {  	_ = 	snop  }
__scs_overlays_trampoline_lowered:
0x8: {  	[smem:$0x3FAC] =	sst s0  }
0x9: {  	[smem:$0x3FAD] =	sst s1  }
0xa: {  	[smem:$0x3FAE] =	sst s2  }
0xb: {  	[smem:$0x3FAF] =	sst s3  }
0xc: {  	[smem:$0x3FB0] =	sst s4  }
0xd: {  	[smem:$0x3FB1] =	sst s5  }
0xe: {  	[smem:$0x3FB2] =	sst s6  }
0xf: {  	[smem:$0x3FB3] =	sst s7  }
0x10: {  	[smem:$0x3FB4] =	sst s8  }
0x11: {  	[smem:$0x3FB5] =	sst s9;
	s0 =	simm.s32 @!p0 $0x0  }
0x12: {  	s1 =	sld [smem:$0x3F9B];
	s0 =	simm.s32 @p0 $0x1  }
0x13: {  	[smem:$0x3FB6] =	sst s0;
	s0 =	simm.s32 @!p1 $0x0  }
0x14: {  	s2 =	sld [smem:$0x3F9A];
	s0 =	simm.s32 @p1 $0x1  }
0x15: {  	[smem:$0x3FB7] =	sst s0;
	s0 =	simm.s32 @!p2 $0x0  }
0x16: {  	s3 =	sld [smem:$0x3FDB];
	s0 =	simm.s32 @p2 $0x1  }
0x17: {  	s4 =	simm.s32 $0x1BF5;
	[smem:$0x3FB9] =	sst s0  }
0x18: {  	s0 =	sld [smem:$0x3F9C];
	_ =	swait.ge [sflag:s4], $0x0  }
0x19: {  	s7 =	sld [smem:$0x3F9D]  }
0x1a: {  	s8 =	sadd.s32 $0xFFFFE003, lr  }
0x1b: {  	s9 =	sadd.s32 $0xFFFFFEF7, lr;
	s5 =	simm.s32 $0xFFFFFFFF;
	p2 =	slt.u32 s8, $0xFFFFF086  }
0x1c: {  	p1 =	slt.u32 s9, $0xF7A;
	s5 =	simm.s32 @!p2 $0x0  }
0x1d: {  	s5 =	simm.s32 @p1 $0x1;
	p0 =	seq.s32 s7, s2  }
0x1e: {  	s7 =	smul.u32 @!p0 $0xF7A, s2;
	p2 =	seq.s32 @!p0 s5, $0x0  }
0x1f: {  	s9 =	smul.u32 $0xF7A, s1;
	s8 =	simm.s32 @!p0 $0x1BF5;
	p2 =	por !p2, p0  }
0x20: {  	[sflag:s8] =	ssyncset.s32 @!p0 $0xFFFFF086;
	s6 =	sadd.s32 @!p0 s3, s7;
	s7 =	simm.s32 @!p0 $0x108  }
0x21: {  	s3 =	sadd.s32 s3, s9;
	s6 =	sadd.s32 @!p0 $0x88, s6;
	s7 =	simm.s32 @p2 $0x1082  }
0x22: {  	[simem:s7], [sflag:s8] =	dma.local @!p0 [hbm:s6], $0xF7A  }
0x23: {  	s9 =	sor.u32 $0xD0000000, s2;
	s6 =	simm.s32 $0x108;
	_ =	swait.ge @!p0 [sflag:s8], $0x0  }
0x24: {  	s3 =	sadd.s32 $0x88, s3;
	s6 =	simm.s32 @!p1 $0x1082;
	[sflag:s4] =	ssyncset.s32 $0xFFFFF086  }
0x25: {  	[simem:s6], [sflag:s4] =	dma.local [hbm:s3], $0xF7A  }
0x26: {  	[smem:$0x3F9D] =	sst s1;
	(tag) =	ssettag s2;
	_ =	strace s9  }
0x27: {  	s1 =	sld [smem:$0x3FAD]  }
0x28: {  	s2 =	sld [smem:$0x3FAE]  }
0x29: {  	s4 =	sld [smem:$0x3FB0]  }
0x2a: {  	p0 =	seq.s32 s5, $0x0;
	s5 =	sld [smem:$0x3FB1]  }
0x2b: {  	s6 =	sld [smem:$0x3FB2]  }
0x2c: {  	s7 =	sld [smem:$0x3FB3]  }
0x2d: {  	s3 =	simm.s32 $0x108;
	s8 =	sld [smem:$0x3FB4]  }
0x2e: {  	s3 =	simm.s32 @!p0 $0x1082;
	s9 =	sld [smem:$0x3FB5]  }
0x2f: {  	lr =	sadd.s32 s0, s3;
	s0 =	sld [smem:$0x3FAC]  }
0x30: {  	s3 =	sld [smem:$0x3FAF]  }
0x31: {  	[smem:$0x3FB8] =	sst s10  }
0x32: {  	s10 =	sld [smem:$0x3FB6];
	_ =	sdelay $0x3  }
0x33: {  	p0 =	seq.s32 s10, $0x1;
	s10 =	sld [smem:$0x3FB8];
	_ =	sdelay $0x3  }
0x34: {  	[smem:$0x3FB8] =	sst s10  }
0x35: {  	s10 =	sld [smem:$0x3FB7];
	_ =	sdelay $0x3  }
0x36: {  	p1 =	seq.s32 s10, $0x1;
	s10 =	sld [smem:$0x3FB8];
	_ =	sdelay $0x3  }
0x37: {  	[smem:$0x3FB8] =	sst s10  }
0x38: {  	s10 =	sld [smem:$0x3FB9]  }
0x39: {  	_ = 	snop;
	(pc) =	sbr.ind lr, $3  }
0x3a: {  	_ = 	snop  }
0x3b: {  	_ = 	snop  }
0x3c: {  	p2 =	seq.s32 s10, $0x1;
	s10 =	sld [smem:$0x3FB8]  }
0x3d: {  	_ =	shalt  }
0x3e: {  	_ =	shalt  }
0x3f: {  	_ =	shalt  }
0x40: {  	_ =	shalt  }
0x41: {  	_ =	shalt  }
0x42: {  	_ =	shalt  }
0x43: {  	_ =	shalt  }
0x44: {  	_ =	shalt  }
0x45: {  	_ =	shalt  }
0x46: {  	_ =	shalt  }
0x47: {  	_ =	shalt  }
0x48: {  	_ =	shalt  }
0x49: {  	_ =	shalt  }
0x4a: {  	_ =	shalt  }
0x4b: {  	_ =	shalt  }
0x4c: {  	_ =	shalt  }
0x4d: {  	_ =	shalt  }
0x4e: {  	_ =	shalt  }
0x4f: {  	_ =	shalt  }
0x50: {  	_ =	shalt  }
0x51: {  	_ =	shalt  }
0x52: {  	_ =	shalt  }
0x53: {  	_ =	shalt  }
0x54: {  	_ =	shalt  }
0x55: {  	_ =	shalt  }
0x56: {  	_ =	shalt  }
0x57: {  	_ =	shalt  }
0x58: {  	_ =	shalt  }
0x59: {  	_ =	shalt  }
0x5a: {  	_ =	shalt  }
0x5b: {  	_ =	shalt  }
0x5c: {  	_ =	shalt  }
0x5d: {  	_ =	shalt  }
0x5e: {  	_ =	shalt  }
0x5f: {  	_ =	shalt  }
0x60: {  	_ =	shalt  }
0x61: {  	_ =	shalt  }
0x62: {  	_ =	shalt  }
0x63: {  	_ =	shalt  }
0x64: {  	_ =	shalt  }
0x65: {  	_ =	shalt  }
0x66: {  	_ =	shalt  }
0x67: {  	_ =	shalt  }
0x68: {  	_ =	shalt  }
0x69: {  	_ =	shalt  }
0x6a: {  	_ =	shalt  }
0x6b: {  	_ =	shalt  }
0x6c: {  	_ =	shalt  }
0x6d: {  	_ =	shalt  }
0x6e: {  	_ =	shalt  }
0x6f: {  	_ =	shalt  }
0x70: {  	_ =	shalt  }
0x71: {  	_ =	shalt  }
0x72: {  	_ =	shalt  }
0x73: {  	_ =	shalt  }
0x74: {  	_ =	shalt  }
0x75: {  	_ =	shalt  }
0x76: {  	_ =	shalt  }
0x77: {  	_ =	shalt  }
0x78: {  	_ =	shalt  }
0x79: {  	_ =	shalt  }
0x7a: {  	_ =	shalt  }
0x7b: {  	_ =	shalt  }
0x7c: {  	_ =	shalt  }
0x7d: {  	_ =	shalt  }
0x7e: {  	_ =	shalt  }
0x7f: {  	_ =	shalt  }
0x80: {  	_ =	shalt  }
0x81: {  	_ =	shalt  }
0x82: {  	_ =	shalt  }
0x83: {  	_ =	shalt  }
0x84: {  	_ =	shalt  }
0x85: {  	_ =	shalt  }
0x86: {  	_ =	shalt  }
0x87: {  	_ =	shalt  }
.Lfunc_end0:
.L_simem_size_0:
called_computation.1_lowered:
.L_overlay_start_0:
0x88: {  	s2 =	sld [smem:$0x3FD9]  }
0x89: {  	s3 =	sld [smem:$0x3FFE];
	_ =	sdelay $0x1  }
0x8a: {  	s1 =	srdreg.scid  }
0x8b: {  	s0 =	sand.u32 $0x1, s1  }
0x8c: {  	s17 =	sshll.u32 s0, $0xA;
	s2 =	sadd.s32 s3, s2  }
0x8d: {  	s2 =	sadd.s32 s2, s17  }
0x8e: {  	[smem:$0x3FC4] =	sst s2  }
0x8f: {  	_ = 	snop  }
0x90: {  	s2 =	sld [smem:$0x3FC6]  }
0x91: {  	s18 =	sld [smem:$0x3FD0];
	(tm) =	ssettm $0x1  }
0x92: {  	s4 =	sld [smem:$0x3FFB];
	_ =	sdelay $0x3  }
0x93: {  	_ =	strace s4  }
0x94: {  	s4 =	sld [smem:$0x3FFC];
	_ =	sdelay $0x3  }
0x95: {  	_ =	strace s4  }
0x96: {  	s4 =	sld [smem:$0x3FFD];
	_ =	sdelay $0x3  }
0x97: {  	_ =	strace s4  }
0x98: {  	_ =	strace $0x8FFFFFFF  }
0x99: {  	s19 =	sld [smem:$0x3FDB];
	_ =	sdelay $0x1  }
0x9a: {  	s5 =	simm.s32 $_scs_section_size  }
0x9b: {  	s6 =	simm.s32 $_size__tile_overlayer_lowered;
	s7 =	simm.s32 $_tile_overlayer_lowered  }
0x9c: {  	s22 =	simm.s32 $0x1BFF;
	s21 =	sshll.u32 s7, $0x1;
	s4 =	sadd.s32 s5, s19  }
0x9d: {  	s8 =	simm.s32 $0x0;
	s20 =	sshll.u32 s6, $0x1;
	s6 =	sadd.s32 s21, s4  }
0x9e: {  	[timem:s8], [sflag:s22] =	dma.local [hbm:s6], s20  }
0x9f: {  	_ =	swait.ge [sflag:s22], s20  }
0xa0: {  	s5 =	ssub.s32 $0x0, s20;
	[sflag:s22] =	ssyncset.done $0x0  }
0xa1: {  	[sflag:s22] =	ssyncadd.s32 s5;
	_ =	sdelay $0x1  }
0xa2: {  	s23 =	simm.s32 $0x1B8B  }
0xa3: {  	_ =	swait.ge [sflag:s23], $0x1  }
0xa4: {  	[sflag:s23] =	ssyncset.done $0x0  }
0xa5: {  	s25 =	simm.s32 $0x1B8E;
	s24 =	sld [smem:$0x3FFE];
	[sflag:s23] =	ssyncadd.s32 $0xFFFFFFFF  }
0xa6: {  	s26 =	simm.s32 $execute0_lowered;
	[smem:$0x3FD2] =	sst s25  }
0xa7: {  	s6 =	sshll.u32 s26, $0x1;
	_ =	strace $0x80000049;
	[dreg:$0x1] =	wrdreg $0xFFFFFFFF  }
0xa8: {  	s28 =	simm.s32 $_size_execute0_lowered;
	s4 =	sadd.s32 s4, s6;
	[dreg:$0x0] =	wrdreg $0x0  }
0xa9: {  	s6 =	sshll.u32 s28, $0x1;
	[dreg:$0x2] =	wrdreg s4  }
0xaa: {  	[dreg:$0x3] =	wrdreg s6  }
0xab: {  	[dreg:$0x4] =	wrdreg $0xC0  }
0xac: {  	_ =	task [dreg:s8], $0x5FFFF  }
0xad: {  	[dreg:$0x1] =	wrdreg $0xFFFFFFFF  }
0xae: {  	[dreg:$0x0] =	wrdreg $0x60  }
0xaf: {  	[dreg:$0x2] =	wrdreg s24  }
0xb0: {  	[dreg:$0x3] =	wrdreg s2  }
0xb1: {  	[dreg:$0x4] =	wrdreg s18  }
0xb2: {  	[dreg:$0x5] =	wrdreg $0x9  }
0xb3: {  	_ =	task.clear_ibuf [dreg:s8], $0x6FFFF;
	_ =	strace $0x90000049  }
0xb4: {  	s29 =	simm.s32 $0x9;
	_ =	strace $0x8000004B  }
0xb5: {  	_ =	swait.ge [sflag:s29], $0x1  }
0xb6: {  	[sflag:s29] =	ssyncadd.s32 $0xFFFFFFFF  }
0xb7: {  	_ =	strace $0x9000004B  }
0xb8: {  	_ =	sfence  }
0xb9: {  	s30 =	sld [smem:$0x0];
	_ =	sdelay $0x2  }
0xba: {  	s31 =	sshll.u32 s1, $0xD;
	s1 =	sshrl.u32 s1, $0x2  }
0xbb: {  	s3 =	sand.u32 $0x4000, s31;
	s1 =	sadd.s32 s1, s30  }
0xbc: {  	s0 =	sor.u32 s3, s0;
	s1 =	sshll.u32 s1, $0x11  }
0xbd: {  	s0 =	sor.u32 s1, s0  }
0xbe: {  	s0 =	sadd.s32 $0x8F2B, s0  }
0xbf: {  	[sflag:s0] =	ssyncadd.remote.s32 $0x1  }
0xc0: {  	_ =	sfence.sel $0xFFFF  }
0xc1: {  	[dreg:$0x0] =	wrdreg $0xFFFFFFFF;
	(pc) =	sbr.abs _section_cstart, $3  }
0xc2: {  	[dreg:$0x1] =	wrdreg $0xFFFFFFFF  }
0xc3: {  	_ =	task.clear_ibuf [dreg:s8], $0x2FFFF;
	_ =	strace $0x9FFFFFFF  }
0xc4: {  	(tm) =	ssettm $0x7FFFFFFF  }
0xc5: {  	_ =	shalt  }
tec
execute0_lowered:
.L_overlay_start_1:
0x0: {  	(tag) =	ssettag $0x1  }
0x1: {  	s6 =	rddreg [dreg:$0x0]  }
0x2: {  	s1 =	rddreg [dreg:$0x1]  }
0x3: {  	s2 =	rddreg [dreg:$0x2];
	s3 =	srdreg.scid  }
0x4: {  	s4 =	simm.s32 $0x0;
	s15 =	simm.s32 $0x7800;
	s16 =	simm.s32 $0x4  }
0x5: {  	s17 =	simm.s32 $0x1400;
	s18 =	simm.s32 $0x2800;
	s19 =	simm.s32 $0x2D00  }
0x6: {  	s20 =	simm.s32 $0x2;
	s21 =	simm.s32 $0x3;
	s5 =	sand.u32 $0x1, s3  }
0x7: {  	s22 =	simm.s32 $0x6400;
	s3 =	stileid.u32;
	s7 =	sshll.u32 s5, $0x4  }
0x8: {  	s23 =	simm.s32 $0x0;
	[smem:$0x7FF] =	sst s4;
	s9 =	sor.u32 s3, s7  }
0x9: {  	_ =	strace $0x8000004A;
	s8 =	ssub.s32 $0x2, s5;
	s10 =	smul.u32 $0x5000, s9  }
0xa: {  	s5 =	sadd.s32 $0x14800, s6;
	s31 =	sshrl.u32 s8, $0x1;
	s11 =	smul.u32 $0x1400, s9  }
.Ltmp0:
0xb: {  	s6 =	sadd.s32 $0x3C800, s6;
	s14 =	ssub.s32 s8, s31;
	(pc) =	sbr.rel .LBB2_1-.Ltmp0, $4  }
0xc: {  	s7 =	smul.u32 $0x140, s9;
	p0 =	seq.s32 s9, $0x1F;
	s8 =	simm.s32 $0x1  }
0xd: {  	s9 =	simm.s32 $0x1;
	s10 =	sshrl.u32 s10, $0x3;
	s11 =	sshrl.u32 s11, $0x3  }
0xe: {  	s9 =	simm.s32 @!p0 $0x4;
	s10 =	sadd.s32 s5, s10;
	s11 =	sadd.s32 s6, s11  }
0xf: {  	s14 =	smax.u32 s14, $0x1;
	s12 =	sadd.s32 $0x14000, s10;
	s13 =	sadd.s32 $0x5000, s11  }
.LBB2_11:
0x10: {  	s23 =	sadd.s32 $0x1, s23  }
0x11: {  	p0 =	sne.s32 s23, s14  }
.Ltmp1:
0x12: {  	_ = 	snop;
	(pc) =	sbr.rel @!p0 .LBB2_12-.Ltmp1, $4  }
0x13: {  	_ = 	snop  }
0x14: {  	_ =	swait.ge [sflag:s21], $0x1400  }
0x15: {  	[sflag:s21] =	ssyncset.done $0x0  }
0x16: {  	[sflag:s21] =	ssyncadd.s32 $0xFFFFEC00  }
.LBB2_1:
0x17: {  	[tilespmem:s15], [sflag:$0x4] =	stream.linear.gather [hbm4b:s1+s4], $0x40, $0x38;
	[tilespmem:$0x7840] =	vst v63  }
0x18: {  	_ =	swait.ge [sflag:s16], $0x40  }
0x19: {  	[sflag:s16] =	ssyncset.done $0x0  }
0x1a: {  	[sflag:s16] =	ssyncadd.s32 $0xFFFFFFC0  }
0x1b: {  	v0 =	vld [tilespmem:$0x7800]  }
0x1c: {  	v1 =	vld [tilespmem:$0x7810]  }
0x1d: {  	v2 =	vld [tilespmem:$0x7820]  }
0x1e: {  	v3 =	vld [tilespmem:$0x7830];
	[tilespmem:s4], [sflag:$0x1] =	stream.linear.gather [hbm4b:s10+s4], $0x1400, $0x38  }
0x1f: {  	_ = 	snop  }
0x20: {  	[tilespmem:s17], [sflag:$0x1] =	stream.linear.gather [hbm4b:s12+s4], $0x1400, $0x38;
	[tilespmem:$0x7840] =	vst v63  }
.Ltmp2:
0x21: {  	_ = 	snop;
	(pc) =	sbr.rel .LBB2_2-.Ltmp2, $4  }
0x22: {  	_ = 	snop  }
0x23: {  	[tilespmem:s18], [sflag:$0x1] =	stream.linear.gather [hbm4b:s11+s4], $0x500, $0x38;
	[tilespmem:$0x7840] =	vst v63  }
0x24: {  	s25 =	simm.s32 $0x0  }
0x25: {  	[tilespmem:s19], [sflag:$0x1] =	stream.linear.gather [hbm4b:s13+s4], $0x500, $0x38;
	[tilespmem:$0x7840] =	vst v63  }
.LBB2_9:
0x26: {  	_ =	swait.ge [sflag:s21], $0x1400  }
0x27: {  	[sflag:s21] =	ssyncset.done $0x0  }
0x28: {  	[sflag:s21] =	ssyncadd.s32 $0xFFFFEC00  }
.LBB2_10:
0x29: {  	s0 =	smul.u32 $0x50, s25;
	p0 =	sne.s32 s24, s9  }
.Ltmp3:
0x2a: {  	_ = 	snop;
	(pc) =	sbr.rel @!p0 .LBB2_11-.Ltmp3, $4  }
0x2b: {  	s0 =	sadd.s32 s7, s0  }
0x2c: {  	s0 =	sshll.u32 s0, $0x3  }
0x2d: {  	s25 =	smov.u32 s24;
	s0 =	sadd.s32 s2, s0  }
0x2e: {  	[hbm4b:s0+s4] =	stream.linear.scatter [tilespmem:s22], [sflag:$0x3], $0x1400, $0x38;
	[tilespmem:$0x7840] =	vst v63  }
.LBB2_2:
0x2f: {  	s24 =	sadd.s32 $0x1, s25  }
0x30: {  	p0 =	sge.u32 s24, s9  }
0x31: {  	s26 =	smul.u32 @!p0 $0x50, s24  }
0x32: {  	s28 =	sand.u32 @!p0 $0x1, s24  }
0x33: {  	p1 =	seq.s32 @!p0 s28, $0x1;
	s26 =	sadd.s32 @!p0 s7, s26  }
0x34: {  	p2 =	por !p1, p0;
	s29 =	sshll.u32 @!p0 s26, $0x3  }
0x35: {  	s26 =	sshll.u32 @!p0 s26, $0x1;
	s30 =	simm.s32 @!p2 $0x0;
	s28 =	sand.u32 @!p0 $0x1FFFFFF8, s29  }
0x36: {  	s31 =	simm.s32 @!p2 $0x3200;
	s29 =	sadd.s32 @!p0 s5, s29;
	s28 =	sadd.s32 @!p0 s5, s28  }
0x37: {  	[tilespmem:s31], [sflag:$0x2] =	stream.linear.gather @!p2 [hbm4b:s29+s30], $0x1400, $0x38;
	[tilespmem:$0x7840] =	vst v63  }
0x38: {  	s0 =	simm.s32 @!p2 $0x4600;
	s31 =	sand.u32 @!p0 $0x1FFFFFFE, s26;
	s28 =	sadd.s32 @!p0 $0x14000, s28  }
0x39: {  	[tilespmem:s0], [sflag:$0x2] =	stream.linear.gather @!p2 [hbm4b:s28+s30], $0x1400, $0x38;
	[tilespmem:$0x7840] =	vst v63  }
0x3a: {  	s0 =	sadd.s32 @!p0 s6, s26;
	s26 =	sadd.s32 @!p0 s6, s31;
	s31 =	simm.s32 @!p2 $0x5A00  }
0x3b: {  	[tilespmem:s31], [sflag:$0x2] =	stream.linear.gather @!p2 [hbm4b:s0+s30], $0x500, $0x38;
	[tilespmem:$0x7840] =	vst v63  }
0x3c: {  	s26 =	sadd.s32 @!p0 $0x5000, s26;
	p0 =	por p1, p0;
	s31 =	simm.s32 @!p2 $0x5F00  }
0x3d: {  	[tilespmem:s31], [sflag:$0x2] =	stream.linear.gather @!p2 [hbm4b:s26+s30], $0x500, $0x38;
	[tilespmem:$0x7840] =	vst v63  }
0x3e: {  	s30 =	simm.s32 @!p0 $0x0  }
0x3f: {  	[tilespmem:s30], [sflag:$0x1] =	stream.linear.gather @!p0 [hbm4b:s29+s30], $0x1400, $0x38;
	[tilespmem:$0x7840] =	vst v63  }
0x40: {  	s29 =	simm.s32 @!p0 $0x1400  }
0x41: {  	[tilespmem:s29], [sflag:$0x1] =	stream.linear.gather @!p0 [hbm4b:s28+s30], $0x1400, $0x38;
	[tilespmem:$0x7840] =	vst v63  }
0x42: {  	s28 =	simm.s32 @!p0 $0x2800  }
0x43: {  	[tilespmem:s28], [sflag:$0x1] =	stream.linear.gather @!p0 [hbm4b:s0+s30], $0x500, $0x38;
	[tilespmem:$0x7840] =	vst v63  }
0x44: {  	s31 =	sand.u32 $0x1, s25;
	s0 =	simm.s32 @!p0 $0x2D00  }
0x45: {  	[tilespmem:s0], [sflag:$0x1] =	stream.linear.gather @!p0 [hbm4b:s26+s30], $0x500, $0x38;
	[tilespmem:$0x7840] =	vst v63  }
0x46: {  	p0 =	seq.s32 s31, $0x1  }
.Ltmp4:
0x47: {  	_ = 	snop;
	(pc) =	sbr.rel @!p0 .LBB2_3-.Ltmp4, $1  }
0x48: {  	_ =	sdelay $0x3  }
0x49: {  	_ =	swait.ge [sflag:s20], $0x1400  }
0x4a: {  	[sflag:s20] =	ssyncset.done $0x0  }
0x4b: {  	[sflag:s20] =	ssyncadd.s32 $0xFFFFEC00  }
0x4c: {  	_ =	swait.ge [sflag:s20], $0x1400  }
0x4d: {  	[sflag:s20] =	ssyncset.done $0x0  }
0x4e: {  	[sflag:s20] =	ssyncadd.s32 $0xFFFFEC00  }
0x4f: {  	_ =	swait.ge [sflag:s20], $0x500  }
0x50: {  	[sflag:s20] =	ssyncset.done $0x0  }
0x51: {  	[sflag:s20] =	ssyncadd.s32 $0xFFFFFB00  }
0x52: {  	_ =	swait.ge [sflag:s20], $0x500  }
0x53: {  	[sflag:s20] =	ssyncset.done $0x0  }
0x54: {  	s28 =	simm.s32 $0x5F10;
	[sflag:s20] =	ssyncadd.s32 $0xFFFFFB00  }
0x55: {  	s29 =	simm.s32 $0x5A10;
	v4 =	vld [tilespmem:s28+$0xFFFFFFF0]  }
0x56: {  	v5 =	vld [tilespmem:s29+$0xFFFFFFF0];
	_ =	sdelay $0x4  }
0x57: {  	v4 =	vadd.f32 v4, v5  }
0x58: {  	s26 =	simm.s32 $0x0  }
0x59: {  	v6 =	vld [tilespmem:s26+$0x4630];
	v4 =	vmax.f32 v4, $1.000000000e+00  }
0x5a: {  	v7 =	vld [tilespmem:s26+$0x4620];
	(erf) = vrcp.f32 v4  }
0x5b: {  	v8 =	vld [tilespmem:s26+$0x3210]  }
0x5c: {  	v9 =	vld [tilespmem:s26+$0x3220]  }
0x5d: {  	v5 =	vld [tilespmem:s26+$0x4610]  }
0x5e: {  	v10 =	vld [tilespmem:s26+$0x4600]  }
0x5f: {  	v4 =	vld [tilespmem:s26+$0x3200]  }
0x60: {  	v11 =	vld [tilespmem:s26+$0x3230];
	_ =	sdelay $0x1  }
0x61: {  	v5 =	vadd.f32 v5, v8  }
0x62: {  	v7 =	vadd.f32 v7, v9;
	v9 =	vpop (erf)  }
0x63: {  	v10 =	vadd.f32 v10, v4;
	v5 =	vmul.f32 v5, v9  }
0x64: {  	v6 =	vadd.f32 v6, v11;
	v7 =	vmul.f32 v7, v9  }
0x65: {  	v10 =	vmul.f32 v9, v10;
	v5 =	vadd.f32 v5, v1  }
0x66: {  	v6 =	vmul.f32 v6, v9;
	v7 =	vadd.f32 v7, v2  }
0x67: {  	v10 =	vadd.f32 v10, v0;
	v5 =	vmax.f32 v5, $0.0e+00  }
0x68: {  	v6 =	vadd.f32 v6, v3;
	[tilespmem:s26+$0x6410] =	vst v5;
	v5 =	vmax.f32 v7, $0.0e+00  }
0x69: {  	v7 =	vmax.f32 v10, $0.0e+00;
	[tilespmem:s26+$0x6420] =	vst v5  }
0x6a: {  	v5 =	vmax.f32 v6, $0.0e+00;
	[tilespmem:s26+$0x6400] =	vst v7  }
0x6b: {  	[tilespmem:s26+$0x6430] =	vst v5  }
0x6c: {  	v5 =	vld [tilespmem:s29+$0x0]  }
0x6d: {  	v6 =	vld [tilespmem:s28+$0x0]  }
0x6e: {  	v12 =	vld [tilespmem:s26+$0x3240]  }
0x6f: {  	v8 =	vld [tilespmem:s26+$0x4640]  }
0x70: {  	v13 =	vld [tilespmem:s26+$0x4660]  }
0x71: {  	v14 =	vld [tilespmem:s26+$0x3270]  }
0x72: {  	v11 =	vld [tilespmem:s26+$0x3260];
	v6 =	vadd.f32 v6, v5  }
0x73: {  	v9 =	vld [tilespmem:s26+$0x4670]  }
0x74: {  	v5 =	vadd.f32 v8, v12;
	v8 =	vmax.f32 v6, $1.000000000e+00  }
0x75: {  	(erf) = vrcp.f32 v8;
	_ =	sdelay $0x1  }
0x76: {  	v4 =	vld [tilespmem:s26+$0x3250]  }
0x77: {  	s30 =	simm.s32 $0x200;
	v7 =	vadd.f32 v9, v14;
	v6 =	vadd.f32 v13, v11;
	v8 =	vld [tilespmem:s26+$0x4650]  }
.LBB2_7:
0x78: {  	p0 =	seq.s32 s30, $0x4E00;
	s29 =	sadd.s32 $0x20, s29;
	s28 =	sadd.s32 $0x20, s28  }
0x79: {  	s0 =	smov.u32 s30;
	s30 =	sadd.s32 $0x200, s30;
	_ =	sdelay $0x2  }
0x7a: {  	v4 =	vadd.f32 v8, v4  }
0x7b: {  	v8 =	vpop (erf)  }
0x7c: {  	v5 =	vmul.f32 v8, v5;
	v4 =	vmul.f32 v4, v8  }
0x7d: {  	v6 =	vmul.f32 v6, v8;
	v7 =	vmul.f32 v7, v8  }
0x7e: {  	v5 =	vadd.f32 v5, v0;
	v4 =	vadd.f32 v4, v1  }
0x7f: {  	v6 =	vadd.f32 v6, v2;
	v7 =	vadd.f32 v7, v3  }
0x80: {  	v5 =	vmax.f32 v5, $0.0e+00;
	v4 =	vmax.f32 v4, $0.0e+00  }
0x81: {  	[tilespmem:s26+$0x6440] =	vst v5;
	v5 =	vmax.f32 v6, $0.0e+00;
	v6 =	vmax.f32 v7, $0.0e+00  }
0x82: {  	[tilespmem:s26+$0x6460] =	vst v5  }
0x83: {  	[tilespmem:s26+$0x6470] =	vst v6  }
0x84: {  	[tilespmem:s26+$0x6450] =	vst v4  }
0x85: {  	v4 =	vld [tilespmem:s28+$0xFFFFFFF0]  }
0x86: {  	v5 =	vld [tilespmem:s29+$0xFFFFFFF0];
	_ =	sdelay $0x2  }
0x87: {  	s26 =	sshra.s32 s0, $0x2  }
0x88: {  	v6 =	vld [tilespmem:s26+$0x4610]  }
0x89: {  	v4 =	vadd.f32 v4, v5;
	v5 =	vld [tilespmem:s26+$0x4630]  }
0x8a: {  	v7 =	vld [tilespmem:s26+$0x3200]  }
0x8b: {  	v4 =	vmax.f32 v4, $1.000000000e+00;
	v8 =	vld [tilespmem:s26+$0x4620]  }
0x8c: {  	v9 =	vld [tilespmem:s26+$0x4600];
	(erf) = vrcp.f32 v4  }
0x8d: {  	v4 =	vld [tilespmem:s26+$0x3230]  }
0x8e: {  	v10 =	vld [tilespmem:s26+$0x3220]  }
0x8f: {  	v11 =	vld [tilespmem:s26+$0x3210]  }
0x90: {  	v12 =	vld [tilespmem:s26+$0x3240]  }
0x91: {  	v7 =	vadd.f32 v9, v7;
	v9 =	vld [tilespmem:s26+$0x4640]  }
0x92: {  	v13 =	vadd.f32 v5, v4;
	v4 =	vld [tilespmem:s26+$0x3250]  }
0x93: {  	v8 =	vadd.f32 v8, v10;
	v10 =	vld [tilespmem:s26+$0x3260]  }
0x94: {  	v5 =	vadd.f32 v6, v11;
	v6 =	vld [tilespmem:s26+$0x4660]  }
0x95: {  	v11 =	vld [tilespmem:s26+$0x3270];
	v14 =	vpop (erf)  }
0x96: {  	v7 =	vmul.f32 v14, v7;
	v15 =	vmul.f32 v5, v14;
	v5 =	vadd.f32 v9, v12;
	v9 =	vld [tilespmem:s26+$0x4670]  }
0x97: {  	v8 =	vmul.f32 v8, v14;
	v12 =	vmul.f32 v13, v14  }
0x98: {  	v7 =	vadd.f32 v7, v0;
	v13 =	vadd.f32 v15, v1  }
0x99: {  	v8 =	vadd.f32 v8, v2;
	v12 =	vadd.f32 v12, v3  }
0x9a: {  	v6 =	vadd.f32 v6, v10;
	v14 =	vmax.f32 v7, $0.0e+00;
	v7 =	vmax.f32 v13, $0.0e+00  }
0x9b: {  	v8 =	vmax.f32 v8, $0.0e+00;
	v10 =	vmax.f32 v12, $0.0e+00;
	[tilespmem:s26+$0x6410] =	vst v7;
	v7 =	vadd.f32 v9, v11  }
0x9c: {  	[tilespmem:s26+$0x6420] =	vst v8  }
0x9d: {  	[tilespmem:s26+$0x6400] =	vst v14  }
0x9e: {  	[tilespmem:s26+$0x6430] =	vst v10  }
0x9f: {  	v8 =	vld [tilespmem:s29+$0x0]  }
0xa0: {  	v9 =	vld [tilespmem:s28+$0x0];
	_ =	sdelay $0x4  }
0xa1: {  	v8 =	vadd.f32 v9, v8;
	_ =	sdelay $0x1  }
.Ltmp5:
0xa2: {  	v8 =	vmax.f32 v8, $1.000000000e+00;
	(pc) =	sbr.rel @!p0 .LBB2_7-.Ltmp5, $2  }
0xa3: {  	(erf) = vrcp.f32 v8;
	_ =	sdelay $0x2  }
0xa4: {  	v8 =	vld [tilespmem:s26+$0x4650]  }
0xa5: {  	_ =	sdelay $0x4  }
0xa6: {  	v9 =	vpop (erf)  }
0xa7: {  	v4 =	vadd.f32 v8, v4;
	v5 =	vmul.f32 v9, v5  }
0xa8: {  	v7 =	vmul.f32 v7, v9  }
0xa9: {  	v4 =	vmul.f32 v4, v9;
	v5 =	vadd.f32 v5, v0  }
0xaa: {  	v6 =	vmul.f32 v6, v9;
	v7 =	vadd.f32 v7, v3  }
.Ltmp6:
0xab: {  	v4 =	vadd.f32 v4, v1;
	v5 =	vmax.f32 v5, $0.0e+00;
	(pc) =	sbr.rel .LBB2_9-.Ltmp6, $4  }
0xac: {  	v6 =	vadd.f32 v6, v2;
	v63 =	vmax.f32 v7, $0.0e+00;
	[tilespmem:s26+$0x6440] =	vst v5  }
0xad: {  	v4 =	vmax.f32 v4, $0.0e+00;
	[tilespmem:s26+$0x6470] =	vst v63  }
0xae: {  	v5 =	vmax.f32 v6, $0.0e+00;
	[tilespmem:s26+$0x6450] =	vst v4  }
0xaf: {  	[tilespmem:s26+$0x6460] =	vst v5  }
.LBB2_3:
0xb0: {  	_ =	swait.ge [sflag:s8], $0x1400  }
0xb1: {  	[sflag:s8] =	ssyncset.done $0x0  }
0xb2: {  	[sflag:s8] =	ssyncadd.s32 $0xFFFFEC00  }
0xb3: {  	_ =	swait.ge [sflag:s8], $0x1400  }
0xb4: {  	[sflag:s8] =	ssyncset.done $0x0  }
0xb5: {  	[sflag:s8] =	ssyncadd.s32 $0xFFFFEC00  }
0xb6: {  	_ =	swait.ge [sflag:s8], $0x500  }
0xb7: {  	[sflag:s8] =	ssyncset.done $0x0  }
0xb8: {  	[sflag:s8] =	ssyncadd.s32 $0xFFFFFB00  }
0xb9: {  	_ =	swait.ge [sflag:s8], $0x500  }
0xba: {  	[sflag:s8] =	ssyncset.done $0x0  }
0xbb: {  	s28 =	simm.s32 $0x2D10;
	[sflag:s8] =	ssyncadd.s32 $0xFFFFFB00  }
0xbc: {  	s29 =	simm.s32 $0x2810;
	v4 =	vld [tilespmem:s28+$0xFFFFFFF0]  }
0xbd: {  	v5 =	vld [tilespmem:s29+$0xFFFFFFF0];
	_ =	sdelay $0x4  }
0xbe: {  	v4 =	vadd.f32 v4, v5  }
0xbf: {  	s26 =	simm.s32 $0x0  }
0xc0: {  	v6 =	vld [tilespmem:s26+$0x1430];
	v4 =	vmax.f32 v4, $1.000000000e+00  }
0xc1: {  	v7 =	vld [tilespmem:s26+$0x1420];
	(erf) = vrcp.f32 v4  }
0xc2: {  	v8 =	vld [tilespmem:s26+$0x10]  }
0xc3: {  	v9 =	vld [tilespmem:s26+$0x20]  }
0xc4: {  	v5 =	vld [tilespmem:s26+$0x1410]  }
0xc5: {  	v10 =	vld [tilespmem:s26+$0x1400]  }
0xc6: {  	v4 =	vld [tilespmem:s26+$0x0]  }
0xc7: {  	v11 =	vld [tilespmem:s26+$0x30];
	_ =	sdelay $0x1  }
0xc8: {  	v5 =	vadd.f32 v5, v8  }
0xc9: {  	v7 =	vadd.f32 v7, v9;
	v9 =	vpop (erf)  }
0xca: {  	v10 =	vadd.f32 v10, v4;
	v5 =	vmul.f32 v5, v9  }
0xcb: {  	v6 =	vadd.f32 v6, v11;
	v7 =	vmul.f32 v7, v9  }
0xcc: {  	v10 =	vmul.f32 v9, v10;
	v5 =	vadd.f32 v5, v1  }
0xcd: {  	v6 =	vmul.f32 v6, v9;
	v7 =	vadd.f32 v7, v2  }
0xce: {  	v10 =	vadd.f32 v10, v0;
	v5 =	vmax.f32 v5, $0.0e+00  }
0xcf: {  	v6 =	vadd.f32 v6, v3;
	[tilespmem:s26+$0x6410] =	vst v5;
	v5 =	vmax.f32 v7, $0.0e+00  }
0xd0: {  	v7 =	vmax.f32 v10, $0.0e+00;
	[tilespmem:s26+$0x6420] =	vst v5  }
0xd1: {  	v5 =	vmax.f32 v6, $0.0e+00;
	[tilespmem:s26+$0x6400] =	vst v7  }
0xd2: {  	[tilespmem:s26+$0x6430] =	vst v5  }
0xd3: {  	v5 =	vld [tilespmem:s29+$0x0]  }
0xd4: {  	v6 =	vld [tilespmem:s28+$0x0]  }
0xd5: {  	v12 =	vld [tilespmem:s26+$0x40]  }
0xd6: {  	v8 =	vld [tilespmem:s26+$0x1440]  }
0xd7: {  	v13 =	vld [tilespmem:s26+$0x1460]  }
0xd8: {  	v14 =	vld [tilespmem:s26+$0x70]  }
0xd9: {  	v11 =	vld [tilespmem:s26+$0x60];
	v6 =	vadd.f32 v6, v5  }
0xda: {  	v9 =	vld [tilespmem:s26+$0x1470]  }
0xdb: {  	v5 =	vadd.f32 v8, v12;
	v8 =	vmax.f32 v6, $1.000000000e+00  }
0xdc: {  	(erf) = vrcp.f32 v8;
	_ =	sdelay $0x1  }
0xdd: {  	v4 =	vld [tilespmem:s26+$0x50]  }
0xde: {  	s30 =	simm.s32 $0x200;
	v7 =	vadd.f32 v9, v14;
	v6 =	vadd.f32 v13, v11;
	v8 =	vld [tilespmem:s26+$0x1450]  }
.LBB2_4:
0xdf: {  	p0 =	seq.s32 s30, $0x4E00;
	s29 =	sadd.s32 $0x20, s29;
	s28 =	sadd.s32 $0x20, s28  }
0xe0: {  	s0 =	smov.u32 s30;
	s30 =	sadd.s32 $0x200, s30;
	_ =	sdelay $0x2  }
0xe1: {  	v4 =	vadd.f32 v8, v4  }
0xe2: {  	v8 =	vpop (erf)  }
0xe3: {  	v5 =	vmul.f32 v8, v5;
	v4 =	vmul.f32 v4, v8  }
0xe4: {  	v6 =	vmul.f32 v6, v8;
	v7 =	vmul.f32 v7, v8  }
0xe5: {  	v5 =	vadd.f32 v5, v0;
	v4 =	vadd.f32 v4, v1  }
0xe6: {  	v6 =	vadd.f32 v6, v2;
	v7 =	vadd.f32 v7, v3  }
0xe7: {  	v5 =	vmax.f32 v5, $0.0e+00;
	v4 =	vmax.f32 v4, $0.0e+00  }
0xe8: {  	[tilespmem:s26+$0x6440] =	vst v5;
	v5 =	vmax.f32 v6, $0.0e+00;
	v6 =	vmax.f32 v7, $0.0e+00  }
0xe9: {  	[tilespmem:s26+$0x6460] =	vst v5  }
0xea: {  	[tilespmem:s26+$0x6470] =	vst v6  }
0xeb: {  	[tilespmem:s26+$0x6450] =	vst v4  }
0xec: {  	v4 =	vld [tilespmem:s28+$0xFFFFFFF0]  }
0xed: {  	v5 =	vld [tilespmem:s29+$0xFFFFFFF0];
	_ =	sdelay $0x2  }
0xee: {  	s26 =	sshra.s32 s0, $0x2  }
0xef: {  	v6 =	vld [tilespmem:s26+$0x1410]  }
0xf0: {  	v4 =	vadd.f32 v4, v5;
	v5 =	vld [tilespmem:s26+$0x1430]  }
0xf1: {  	v7 =	vld [tilespmem:s26+$0x0]  }
0xf2: {  	v4 =	vmax.f32 v4, $1.000000000e+00;
	v8 =	vld [tilespmem:s26+$0x1420]  }
0xf3: {  	v9 =	vld [tilespmem:s26+$0x1400];
	(erf) = vrcp.f32 v4  }
0xf4: {  	v4 =	vld [tilespmem:s26+$0x30]  }
0xf5: {  	v10 =	vld [tilespmem:s26+$0x20]  }
0xf6: {  	v11 =	vld [tilespmem:s26+$0x10]  }
0xf7: {  	v12 =	vld [tilespmem:s26+$0x40]  }
0xf8: {  	v7 =	vadd.f32 v9, v7;
	v9 =	vld [tilespmem:s26+$0x1440]  }
0xf9: {  	v13 =	vadd.f32 v5, v4;
	v4 =	vld [tilespmem:s26+$0x50]  }
0xfa: {  	v8 =	vadd.f32 v8, v10;
	v10 =	vld [tilespmem:s26+$0x60]  }
0xfb: {  	v5 =	vadd.f32 v6, v11;
	v6 =	vld [tilespmem:s26+$0x1460]  }
0xfc: {  	v11 =	vld [tilespmem:s26+$0x70];
	v14 =	vpop (erf)  }
0xfd: {  	v7 =	vmul.f32 v14, v7;
	v15 =	vmul.f32 v5, v14;
	v5 =	vadd.f32 v9, v12;
	v9 =	vld [tilespmem:s26+$0x1470]  }
0xfe: {  	v8 =	vmul.f32 v8, v14;
	v12 =	vmul.f32 v13, v14  }
0xff: {  	v7 =	vadd.f32 v7, v0;
	v13 =	vadd.f32 v15, v1  }
0x100: {  	v8 =	vadd.f32 v8, v2;
	v12 =	vadd.f32 v12, v3  }
0x101: {  	v6 =	vadd.f32 v6, v10;
	v14 =	vmax.f32 v7, $0.0e+00;
	v7 =	vmax.f32 v13, $0.0e+00  }
0x102: {  	v8 =	vmax.f32 v8, $0.0e+00;
	v10 =	vmax.f32 v12, $0.0e+00;
	[tilespmem:s26+$0x6410] =	vst v7;
	v7 =	vadd.f32 v9, v11  }
0x103: {  	[tilespmem:s26+$0x6420] =	vst v8  }
0x104: {  	[tilespmem:s26+$0x6400] =	vst v14  }
0x105: {  	[tilespmem:s26+$0x6430] =	vst v10  }
0x106: {  	v8 =	vld [tilespmem:s29+$0x0]  }
0x107: {  	v9 =	vld [tilespmem:s28+$0x0];
	_ =	sdelay $0x4  }
0x108: {  	v8 =	vadd.f32 v9, v8;
	_ =	sdelay $0x1  }
.Ltmp7:
0x109: {  	v8 =	vmax.f32 v8, $1.000000000e+00;
	(pc) =	sbr.rel @!p0 .LBB2_4-.Ltmp7, $2  }
0x10a: {  	(erf) = vrcp.f32 v8;
	_ =	sdelay $0x2  }
0x10b: {  	v8 =	vld [tilespmem:s26+$0x1450]  }
0x10c: {  	_ =	sdelay $0x4  }
0x10d: {  	v9 =	vpop (erf)  }
0x10e: {  	v4 =	vadd.f32 v8, v4;
	v5 =	vmul.f32 v9, v5  }
0x10f: {  	v7 =	vmul.f32 v7, v9  }
0x110: {  	v4 =	vmul.f32 v4, v9;
	v5 =	vadd.f32 v5, v0  }
0x111: {  	p0 =	seq.s32 s25, $0x0;
	v6 =	vmul.f32 v6, v9;
	v7 =	vadd.f32 v7, v3  }
.Ltmp8:
0x112: {  	v4 =	vadd.f32 v4, v1;
	v5 =	vmax.f32 v5, $0.0e+00;
	(pc) =	sbr.rel @!p0 .LBB2_9-.Ltmp8, $4  }
.Ltmp9:
0x113: {  	v6 =	vadd.f32 v6, v2;
	v63 =	vmax.f32 v7, $0.0e+00;
	[tilespmem:s26+$0x6440] =	vst v5;
	(pc) =	sbr.rel @p0 .LBB2_10-.Ltmp9, $4  }
0x114: {  	v4 =	vmax.f32 v4, $0.0e+00;
	[tilespmem:s26+$0x6470] =	vst v63  }
0x115: {  	v5 =	vmax.f32 v6, $0.0e+00;
	[tilespmem:s26+$0x6450] =	vst v4  }
0x116: {  	[tilespmem:s26+$0x6460] =	vst v5  }
0x117: {  	_ = 	snop  }
.LBB2_12:
0x118: {  	_ =	sfence.sel $0x180000  }
0x119: {  	[bflag:$0x0] =	sbarrier.arrive $0xFFFF  }
0x11a: {  	_ =	strace $0x9000004A  }
0x11b: {  	[bflag:$0x2] =	sbarrier.arrive $0xFFFF  }
0x11c: {  	p0 =	sne.s32 s3, $0x0;
	s0 =	rddreg [dreg:$0x3]  }
0x11d: {  	s0 =	sadd.s32 @!p0 $0x100000, s0  }
0x11e: {  	[sflag:s0] =	ssyncadd.tile.s32 @!p0 $0x1;
	_ =	shalt  }
.Lfunc_end2:
_tile_overlayer_lowered:
.L_overlay_start_2:
0x11f: {  	(tag) =	ssettag $0x2  }
0x120: {  	s0 =	rddreg [dreg:$0x0];
	s2 =	stileid.u32  }
0x121: {  	s1 =	rddreg [dreg:$0x1];
	p0 =	sne.s32 s2, $0x0  }
0x122: {  	s3 =	rddreg [dreg:$0x2];
	[bflag:$0x3] =	sbarrier.arrive $0xFFFF;
	s2 =	simm.s32 @!p0 $0x1C04  }
0x123: {  	[timem:s3], [sflag:s2] =	dma.local @!p0 [hbm:s0], s1  }
0x124: {  	s0 =	simm.s32 @!p0 $0x4  }
0x125: {  	_ =	swait.ge @!p0 [sflag:s0], s1  }
0x126: {  	s1 =	ssub.s32 @!p0 $0x0, s1;
	[sflag:s0] =	ssyncset.done @!p0 $0x0  }
0x127: {  	[sflag:s0] =	ssyncadd.s32 @!p0 s1  }
0x128: {  	[bflag:$0x3] =	sbarrier.arrive $0xFFFF  }
0x129: {  	_ =	shalt  }

</sc_bundles>
